<compile_context>
chip_gen: v7x
topology: tpu7x:2x2x1
jax: 0.10.2.dev20260603
libtpu: 0.0.44.dev20260713+nightly
codegen_flags: <defaults>
</compile_context>

<pallas_src>
import functools

import jax
import jax.numpy as jnp
from jax import lax
from jax.experimental import pallas as pl
from jax.experimental.pallas import tpu as pltpu
from jax.experimental.pallas import tpu_sc as plsc

NC = 2
NS = 16
NW = NC * NS
CH = 128
PACK = 4
WIN = 512
NWIN = 31
PBLK = WIN * NWIN



def _pack_body(t_ref, o_ref):
  x = t_ref[...]
  parts = []
  for w in range(NWIN):
    band = [jnp.transpose(x[:, WIN * w + 128 * a:WIN * w + 128 * (a + 1)])
            for a in range(PACK)]
    parts.append(jnp.concatenate(band, axis=1))
  o_ref[...] = jnp.concatenate(parts, axis=0)


def _pack_tail_body(m_ref, t_ref, o_ref):
  del m_ref
  tr = o_ref.shape[0]
  o_ref[...] = jnp.concatenate(
      [t_ref[a * tr:(a + 1) * tr, :] for a in range(PACK)], axis=1)


@functools.lru_cache(maxsize=None)
def _make_pack(V, D):
  n_main = V // PBLK
  main_cols = n_main * PBLK
  tail_cols = V - main_cols
  assert tail_cols % PACK == 0
  W = PACK * D
  main = pl.pallas_call(
      _pack_body,
      grid=(n_main,),
      in_specs=[pl.BlockSpec((D, PBLK), lambda g: (0, g))],
      out_specs=pl.BlockSpec((PBLK // PACK, W), lambda g: (g, 0)),
      out_shape=jax.ShapeDtypeStruct((V // PACK, W), jnp.float32),
  )
  if tail_cols == 0:
    return lambda tab, tab_t: main(tab_t)
  tail_rows = tail_cols // PACK
  assert tail_rows & (tail_rows - 1) == 0
  tail_blk_row = main_cols // PACK // tail_rows

  def pack(tab, tab_t):
    packed = main(tab_t)
    tab_tail = lax.slice(tab, (main_cols, 0), (V, D))
    return pl.pallas_call(
        _pack_tail_body,
        grid=(1,),
        in_specs=[pl.BlockSpec((tail_rows, W), lambda g: (tail_blk_row, 0)),
                  pl.BlockSpec((tail_cols, D), lambda g: (0, 0))],
        out_specs=pl.BlockSpec((tail_rows, W), lambda g: (tail_blk_row, 0)),
        out_shape=jax.ShapeDtypeStruct((V // PACK, W), jnp.float32),
        input_output_aliases={0: 0},
    )(packed, tab_tail)

  return pack


@functools.lru_cache(maxsize=None)
def _make_sc_gather(B, W, main_cols, tail_rows):
  assert B % (8 * NW) == 0
  b_per_w = B // NW
  assert b_per_w % CH == 0
  n_ch = b_per_w // CH
  main_rows = main_cols // PACK
  tail_shift = max(tail_rows.bit_length() - 1, 0)
  mesh = plsc.VectorSubcoreMesh(core_axis_name="c", subcore_axis_name="s")

  @functools.partial(
      pl.kernel,
      out_type=(
          jax.ShapeDtypeStruct((B, W), jnp.float32),
          jax.ShapeDtypeStruct((B, W), jnp.float32),
      ),
      mesh=mesh,
      scratch_types=[
          pltpu.VMEM((b_per_w,), jnp.int32),
          pltpu.VMEM((b_per_w,), jnp.int32),
          pltpu.VMEM((b_per_w, W), jnp.float32),
          pltpu.SemaphoreType.DMA,
      ],
  )
  def gather_kernel(uidx_hbm, iidx_hbm, su_hbm, ti_hbm, uo_hbm, io_hbm,
                    idx_v, idx4_v, rows_v, sem):
    wid = lax.axis_index("s") * NC + lax.axis_index("c")
    base = wid * b_per_w

    def one_table(idx_hbm, tab_hbm, out_hbm):
      pltpu.sync_copy(idx_hbm.at[pl.ds(base, b_per_w)], idx_v)
      for k in range(b_per_w // 16):
        sl = pl.ds(16 * k, 16)
        v = idx_v[sl]
        main_row = ((v >> 9) << 7) | (v & 127)
        tail_row = main_rows + ((v - main_cols) & (tail_rows - 1))
        idx4_v[sl] = jnp.where(v < main_cols, main_row, tail_row)
      copies = []
      for c in range(n_ch):
        sl = pl.ds(c * CH, CH)
        copies.append(pltpu.async_copy(tab_hbm.at[idx4_v.at[sl]], rows_v.at[sl], sem))
      for cp in copies:
        cp.wait()
      pltpu.sync_copy(rows_v, out_hbm.at[pl.ds(base, b_per_w)])

    one_table(uidx_hbm, su_hbm, uo_hbm)
    one_table(iidx_hbm, ti_hbm, io_hbm)

  return gather_kernel


def _tc_body(u4_ref, i4_ref, uq_ref, iq_ref, a1, c1, a2, c2, a3, c3, a4, c4,
             o_ref, *, main_cols, tail_shift):
  f32 = jnp.float32
  D = a1.shape[0]

  def band(idx):
    return jnp.where(idx < main_cols, (idx >> 7) & (PACK - 1),
                     (idx - main_cols) >> tail_shift)

  def select(g4, q):
    acc = jnp.where(q == 0, g4[:, 0:D], 0.0)
    for k in range(1, PACK):
      acc = acc + jnp.where(q == k, g4[:, k * D:(k + 1) * D], 0.0)
    return acc

  x = select(u4_ref[...], band(uq_ref[...]))
  iemb = select(i4_ref[...], band(iq_ref[...]))
  h = jnp.maximum(jnp.dot(x, a1[...], preferred_element_type=f32) + c1[...], 0.0)
  h = jnp.maximum(jnp.dot(h, a2[...], preferred_element_type=f32) + c2[...], 0.0)
  h = jnp.maximum(jnp.dot(h, a3[...], preferred_element_type=f32) + c3[...], 0.0)
  o = jnp.dot(h, a4[...], preferred_element_type=f32) + c4[...]
  o_ref[...] = jnp.sum(o * iemb, axis=1, keepdims=True) * (1.0 / 3.0)


@jax.jit
def kernel(user, item, su_table, ti_table, mlp1, mlp2, mlp3):
  B = user.shape[0]
  V, D = su_table.shape
  uidx = user.astype(jnp.int32)
  iidx = item.astype(jnp.int32)

  pack = _make_pack(V, D)
  main_cols = (V // PBLK) * PBLK
  tail_rows = (V - main_cols) // PACK
  u4_emb, i4_emb = _make_sc_gather(B, PACK * D, main_cols, tail_rows)(
      uidx, iidx, pack(su_table, su_table.T), pack(ti_table, ti_table.T))

  mlps = (mlp1, mlp2, mlp3)
  a1 = jnp.concatenate([m[0][0] for m in mlps], axis=1)
  c1 = jnp.concatenate([m[0][1] for m in mlps])
  H = mlp1[0][0].shape[1]

  def blockdiag(layer):
    z = jnp.zeros((3 * H, 3 * H), jnp.float32)
    for k, m in enumerate(mlps):
      z = z.at[k * H:(k + 1) * H, k * H:(k + 1) * H].set(m[layer][0])
    return z

  a2 = blockdiag(1)
  c2 = jnp.concatenate([m[1][1] for m in mlps])
  a3 = blockdiag(2)
  c3 = jnp.concatenate([m[2][1] for m in mlps])
  a4 = jnp.concatenate([m[3][0] for m in mlps], axis=0)
  c4 = mlp1[3][1] + mlp2[3][1] + mlp3[3][1]

  BLK = 4096
  row_blk = lambda w: pl.BlockSpec((BLK, w), lambda i: (i, 0))
  full = lambda r, c: pl.BlockSpec((r, c), lambda i: (0, 0))
  tail_shift = max(tail_rows.bit_length() - 1, 0)
  score = pl.pallas_call(
      functools.partial(_tc_body, main_cols=main_cols, tail_shift=tail_shift),
      grid=(B // BLK,),
      in_specs=[row_blk(PACK * D), row_blk(PACK * D), row_blk(1), row_blk(1),
                full(D, 3 * H), full(1, 3 * H), full(3 * H, 3 * H),
                full(1, 3 * H), full(3 * H, 3 * H), full(1, 3 * H),
                full(3 * H, D), full(1, D)],
      out_specs=row_blk(1),
      out_shape=jax.ShapeDtypeStruct((B, 1), jnp.float32),
  )(u4_emb, i4_emb, uidx.reshape(B, 1), iidx.reshape(B, 1),
    a1, c1.reshape(1, -1), a2, c2.reshape(1, -1),
    a3, c3.reshape(1, -1), a4, c4.reshape(1, -1))
  return score.reshape(B)

# --- scband reference (transcript-rebuilt; emitter-appended) ---
"""Pipeline reference for scband-mtn-11261404250219 (READ-ONLY COPY).

The authoritative reference and input builder live on the scoring server;
editing this copy changes nothing except your own understanding.
"""

import jax, jax.numpy as jnp
import numpy as np

N_USER = 1000000
N_TITEM = 1000000
EMBED_DIM = 32
HIDDEN = 16
BATCH = 16384
# config.layers = 3 -> self.layers = 2 extra hidden Linear+ReLU blocks
MLP_DIMS = [(EMBED_DIM, HIDDEN), (HIDDEN, HIDDEN), (HIDDEN, HIDDEN), (HIDDEN, EMBED_DIM)]


def _init_mlp(key):
    params = []
    for i, (din, dout) in enumerate(MLP_DIMS):
        kw = jax.random.fold_in(key, 2 * i)
        kb = jax.random.fold_in(key, 2 * i + 1)
        W = jax.random.normal(kw, (din, dout), dtype=jnp.float32) * 0.05
        b = jax.random.normal(kb, (dout,), dtype=jnp.float32) * 0.01
        params.append((W, b))
    return params


def setup_inputs(seed: int = 0) -> dict:
    key = jax.random.key(seed)
    ks = jax.random.split(key, 7)
    user = jax.random.randint(ks[0], (BATCH,), 0, N_USER, dtype=jnp.int64) if jax.config.jax_enable_x64 else jax.random.randint(ks[0], (BATCH,), 0, N_USER)
    item = jax.random.randint(ks[1], (BATCH,), 0, N_TITEM)
    su_table = jax.random.normal(ks[2], (N_USER, EMBED_DIM), dtype=jnp.float32) * 0.05
    ti_table = jax.random.normal(ks[3], (N_TITEM, EMBED_DIM), dtype=jnp.float32) * 0.05
    mlp1 = _init_mlp(ks[4])
    mlp2 = _init_mlp(ks[5])
    mlp3 = _init_mlp(ks[6])
    return {"user": user, "item": item, "su_table": su_table, "ti_table": ti_table, "mlp1": mlp1, "mlp2": mlp2, "mlp3": mlp3}


def _mlp_apply(params, x):
    n = len(params)
    for i, (W, b) in enumerate(params):
        x = x @ W + b
        if i < n - 1:
            x = jax.nn.relu(x)
    return x


def reference(user, item, su_table, ti_table, mlp1, mlp2, mlp3):
    # MTN.prediction(user, item)
    u_embed = jnp.take(su_table, user, axis=0)
    i_embed = jnp.take(ti_table, item, axis=0)
    x1 = _mlp_apply(mlp1, u_embed)
    x2 = _mlp_apply(mlp2, u_embed)
    x3 = _mlp_apply(mlp3, u_embed)
    fu_embed = (1.0 / 3.0) * (x1 + x2 + x3)
    score = jnp.sum(fu_embed * i_embed, axis=1)
    return score

if __name__ == "__main__":
    import jax
    _d = setup_inputs()
    print(jax.jit(kernel)(*tuple(_d.values())))

</pallas_src>

<mosaic_0001>
#map = affine_map<(d0, d1) -> (0)>
#map1 = affine_map<(d0, d1) -> (0, 0)>
module attributes {stable_mosaic.version = 14 : i64} {
  func.func @gather_kernel(%arg0: i32, %arg1: i32, %arg2: memref<16384xi32, #tpu.memory_space<hbm>>, %arg3: memref<16384xi32, #tpu.memory_space<hbm>>, %arg4: memref<250000x128xf32, #tpu.memory_space<hbm>>, %arg5: memref<250000x128xf32, #tpu.memory_space<hbm>>, %arg6: memref<16384x128xf32, #tpu.memory_space<hbm>>, %arg7: memref<16384x128xf32, #tpu.memory_space<hbm>>, %arg8: memref<512xi32, #tpu.memory_space<vmem>>, %arg9: memref<512xi32, #tpu.memory_space<vmem>>, %arg10: memref<512x128xf32, #tpu.memory_space<vmem>>, %arg11: memref<!tpu.dma_semaphore, #tpu.memory_space<semaphore_mem>>) attributes {dimension_semantics = [#tpu.dimension_semantics<core_parallel>, #tpu.dimension_semantics<subcore_parallel>], iteration_bounds = array<i64: 2, 16>, scalar_prefetch = 0 : i64, scratch_operands = 4 : i64, tpu.core_type = #tpu.core_type<sc_vector_subcore>, window_params = [{transform_indices = #map}, {transform_indices = #map}, {transform_indices = #map1}, {transform_indices = #map1}, {transform_indices = #map1}, {transform_indices = #map1}]} {
    %mul3A = arith.constant 2 : i32
    %mul3A_0 = arith.muli %arg1, %mul3A : i32
    %add3A = arith.addi %mul3A_0, %arg0 : i32
    %mul3A_1 = arith.constant 512 : i32
    %mul3A_2 = arith.muli %add3A, %mul3A_1 : i32
    "tpu.region"() ({
      %run_scoped3A = tpu.sem_alloc : memref<!tpu.dma_semaphore, #tpu.memory_space<semaphore_mem>>
      %dma_start3A_2040 = tpu.memref_slice %arg2[%mul3A_2] : memref<16384xi32, #tpu.memory_space<hbm>> -> memref<512xi32, #tpu.memory_space<hbm>>
      %dma_start3A_2041 = tpu.memref_slice %arg2[%mul3A_2] : memref<16384xi32, #tpu.memory_space<hbm>> -> memref<512xi32, #tpu.memory_space<hbm>>
      tpu.enqueue_dma source(%dma_start3A_2041 : memref<512xi32, #tpu.memory_space<hbm>>) target(%arg8 : memref<512xi32, #tpu.memory_space<vmem>>) target_semaphore(%run_scoped3A : memref<!tpu.dma_semaphore, #tpu.memory_space<semaphore_mem>>)
      %dma_wait3A_2042 = tpu.memref_slice %arg2[%mul3A_2] : memref<16384xi32, #tpu.memory_space<hbm>> -> memref<512xi32, #tpu.memory_space<hbm>>
      %dma_wait3A_2043 = tpu.memref_slice %arg2[%mul3A_2] : memref<16384xi32, #tpu.memory_space<hbm>> -> memref<512xi32, #tpu.memory_space<hbm>>
      tpu.wait_dma2 semaphore(%run_scoped3A : memref<!tpu.dma_semaphore, #tpu.memory_space<semaphore_mem>>) src(%dma_wait3A_2043 : memref<512xi32, #tpu.memory_space<hbm>>) dst(%arg8 : memref<512xi32, #tpu.memory_space<vmem>>)
      tpu.yield
    }) : () -> ()
    %get3A = arith.constant 0 : index
    %get3A_3 = tpu.vector_load %arg8[%get3A] {strides = array<i32>} : memref<512xi32, #tpu.memory_space<vmem>>, vector<16xi32>,
    %get3A_4 = vector.shape_cast %get3A_3 : vector<16xi32> to vector<16xi32>
    %shift_right_arithmetic3A = arith.constant 9 : i32
    %shift_right_arithmetic3A_5 = vector.broadcast %shift_right_arithmetic3A : i32 to vector<16xi32>
    %shift_right_arithmetic3A_6 = arith.shrsi %get3A_4, %shift_right_arithmetic3A_5 : vector<16xi32>
    %shift_left3A = arith.constant 7 : i32
    %shift_left3A_7 = vector.broadcast %shift_left3A : i32 to vector<16xi32>
    %shift_left3A_8 = arith.shli %shift_right_arithmetic3A_6, %shift_left3A_7 : vector<16xi32>
    %and3A = arith.constant 127 : i32
    %and3A_9 = vector.broadcast %and3A : i32 to vector<16xi32>
    %and3A_10 = arith.andi %get3A_4, %and3A_9 : vector<16xi32>
    %or3A = arith.ori %shift_left3A_8, %and3A_10 : vector<16xi32>
    %sub3A = arith.constant 999936 : i32
    %sub3A_11 = vector.broadcast %sub3A : i32 to vector<16xi32>
    %sub3A_12 = arith.subi %get3A_4, %sub3A_11 : vector<16xi32>
    %and3A_13 = arith.constant 15 : i32
    %and3A_14 = vector.broadcast %and3A_13 : i32 to vector<16xi32>
    %and3A_15 = arith.andi %sub3A_12, %and3A_14 : vector<16xi32>
    %add3A_16 = arith.constant 249984 : i32
    %add3A_17 = vector.broadcast %add3A_16 : i32 to vector<16xi32>
    %add3A_18 = arith.addi %add3A_17, %and3A_15 : vector<16xi32>
    %lt3A = arith.constant 999936 : i32
    %lt3A_19 = vector.broadcast %lt3A : i32 to vector<16xi32>
    %lt3A_20 = arith.cmpi slt, %get3A_4, %lt3A_19 : vector<16xi32>
    %select_n3A = arith.select %lt3A_20, %or3A, %add3A_18 : vector<16xi1>, vector<16xi32>
    %swap3A = arith.constant 0 : index
    %swap3A_21 = tpu.vector_load %arg9[%swap3A] {strides = array<i32>} : memref<512xi32, #tpu.memory_space<vmem>>, vector<16xi32>,
    %swap3A_22 = vector.shape_cast %swap3A_21 : vector<16xi32> to vector<16xi32>
    %swap3A_23 = vector.shape_cast %select_n3A : vector<16xi32> to vector<16xi32>
    tpu.vector_store %arg9[%swap3A], %swap3A_23 {strides = array<i32>} : memref<512xi32, #tpu.memory_space<vmem>>, vector<16xi32>,
    %get3A_24 = arith.constant 16 : index
    %get3A_25 = tpu.vector_load %arg8[%get3A_24] {strides = array<i32>} : memref<512xi32, #tpu.memory_space<vmem>>, vector<16xi32>,
    %get3A_26 = vector.shape_cast %get3A_25 : vector<16xi32> to vector<16xi32>
    %shift_right_arithmetic3A_27 = arith.constant 9 : i32
    %shift_right_arithmetic3A_28 = vector.broadcast %shift_right_arithmetic3A_27 : i32 to vector<16xi32>
    %shift_right_arithmetic3A_29 = arith.shrsi %get3A_26, %shift_right_arithmetic3A_28 : vector<16xi32>
    %shift_left3A_30 = arith.constant 7 : i32
    %shift_left3A_31 = vector.broadcast %shift_left3A_30 : i32 to vector<16xi32>
    %shift_left3A_32 = arith.shli %shift_right_arithmetic3A_29, %shift_left3A_31 : vector<16xi32>
    %and3A_33 = arith.constant 127 : i32
    %and3A_34 = vector.broadcast %and3A_33 : i32 to vector<16xi32>
    %and3A_35 = arith.andi %get3A_26, %and3A_34 : vector<16xi32>
    %or3A_36 = arith.ori %shift_left3A_32, %and3A_35 : vector<16xi32>
    %sub3A_37 = arith.constant 999936 : i32
    %sub3A_38 = vector.broadcast %sub3A_37 : i32 to vector<16xi32>
    %sub3A_39 = arith.subi %get3A_26, %sub3A_38 : vector<16xi32>
    %and3A_40 = arith.constant 15 : i32
    %and3A_41 = vector.broadcast %and3A_40 : i32 to vector<16xi32>
    %and3A_42 = arith.andi %sub3A_39, %and3A_41 : vector<16xi32>
    %add3A_43 = arith.constant 249984 : i32
    %add3A_44 = vector.broadcast %add3A_43 : i32 to vector<16xi32>
    %add3A_45 = arith.addi %add3A_44, %and3A_42 : vector<16xi32>
    %lt3A_46 = arith.constant 999936 : i32
    %lt3A_47 = vector.broadcast %lt3A_46 : i32 to vector<16xi32>
    %lt3A_48 = arith.cmpi slt, %get3A_26, %lt3A_47 : vector<16xi32>
    %select_n3A_49 = arith.select %lt3A_48, %or3A_36, %add3A_45 : vector<16xi1>, vector<16xi32>
    %swap3A_50 = arith.constant 16 : index
    %swap3A_51 = tpu.vector_load %arg9[%swap3A_50] {strides = array<i32>} : memref<512xi32, #tpu.memory_space<vmem>>, vector<16xi32>,
    %swap3A_52 = vector.shape_cast %swap3A_51 : vector<16xi32> to vector<16xi32>
    %swap3A_53 = vector.shape_cast %select_n3A_49 : vector<16xi32> to vector<16xi32>
    tpu.vector_store %arg9[%swap3A_50], %swap3A_53 {strides = array<i32>} : memref<512xi32, #tpu.memory_space<vmem>>, vector<16xi32>,
    %get3A_54 = arith.constant 32 : index
    %get3A_55 = tpu.vector_load %arg8[%get3A_54] {strides = array<i32>} : memref<512xi32, #tpu.memory_space<vmem>>, vector<16xi32>,
    %get3A_56 = vector.shape_cast %get3A_55 : vector<16xi32> to vector<16xi32>
    %shift_right_arithmetic3A_57 = arith.constant 9 : i32
    %shift_right_arithmetic3A_58 = vector.broadcast %shift_right_arithmetic3A_57 : i32 to vector<16xi32>
    %shift_right_arithmetic3A_59 = arith.shrsi %get3A_56, %shift_right_arithmetic3A_58 : vector<16xi32>
    %shift_left3A_60 = arith.constant 7 : i32
    %shift_left3A_61 = vector.broadcast %shift_left3A_60 : i32 to vector<16xi32>
    %shift_left3A_62 = arith.shli %shift_right_arithmetic3A_59, %shift_left3A_61 : vector<16xi32>
    %and3A_63 = arith.constant 127 : i32
    %and3A_64 = vector.broadcast %and3A_63 : i32 to vector<16xi32>
    %and3A_65 = arith.andi %get3A_56, %and3A_64 : vector<16xi32>
    %or3A_66 = arith.ori %shift_left3A_62, %and3A_65 : vector<16xi32>
    %sub3A_67 = arith.constant 999936 : i32
    %sub3A_68 = vector.broadcast %sub3A_67 : i32 to vector<16xi32>
    %sub3A_69 = arith.subi %get3A_56, %sub3A_68 : vector<16xi32>
    %and3A_70 = arith.constant 15 : i32
    %and3A_71 = vector.broadcast %and3A_70 : i32 to vector<16xi32>
    %and3A_72 = arith.andi %sub3A_69, %and3A_71 : vector<16xi32>
    %add3A_73 = arith.constant 249984 : i32
    %add3A_74 = vector.broadcast %add3A_73 : i32 to vector<16xi32>
    %add3A_75 = arith.addi %add3A_74, %and3A_72 : vector<16xi32>
    %lt3A_76 = arith.constant 999936 : i32
    %lt3A_77 = vector.broadcast %lt3A_76 : i32 to vector<16xi32>
    %lt3A_78 = arith.cmpi slt, %get3A_56, %lt3A_77 : vector<16xi32>
    %select_n3A_79 = arith.select %lt3A_78, %or3A_66, %add3A_75 : vector<16xi1>, vector<16xi32>
    %swap3A_80 = arith.constant 32 : index
    %swap3A_81 = tpu.vector_load %arg9[%swap3A_80] {strides = array<i32>} : memref<512xi32, #tpu.memory_space<vmem>>, vector<16xi32>,
    %swap3A_82 = vector.shape_cast %swap3A_81 : vector<16xi32> to vector<16xi32>
    %swap3A_83 = vector.shape_cast %select_n3A_79 : vector<16xi32> to vector<16xi32>
    tpu.vector_store %arg9[%swap3A_80], %swap3A_83 {strides = array<i32>} : memref<512xi32, #tpu.memory_space<vmem>>, vector<16xi32>,
    %get3A_84 = arith.constant 48 : index
    %get3A_85 = tpu.vector_load %arg8[%get3A_84] {strides = array<i32>} : memref<512xi32, #tpu.memory_space<vmem>>, vector<16xi32>,
    %get3A_86 = vector.shape_cast %get3A_85 : vector<16xi32> to vector<16xi32>
    %shift_right_arithmetic3A_87 = arith.constant 9 : i32
    %shift_right_arithmetic3A_88 = vector.broadcast %shift_right_arithmetic3A_87 : i32 to vector<16xi32>
    %shift_right_arithmetic3A_89 = arith.shrsi %get3A_86, %shift_right_arithmetic3A_88 : vector<16xi32>
    %shift_left3A_90 = arith.constant 7 : i32
    %shift_left3A_91 = vector.broadcast %shift_left3A_90 : i32 to vector<16xi32>
    %shift_left3A_92 = arith.shli %shift_right_arithmetic3A_89, %shift_left3A_91 : vector<16xi32>
    %and3A_93 = arith.constant 127 : i32
    %and3A_94 = vector.broadcast %and3A_93 : i32 to vector<16xi32>
    %and3A_95 = arith.andi %get3A_86, %and3A_94 : vector<16xi32>
    %or3A_96 = arith.ori %shift_left3A_92, %and3A_95 : vector<16xi32>
    %sub3A_97 = arith.constant 999936 : i32
    %sub3A_98 = vector.broadcast %sub3A_97 : i32 to vector<16xi32>
    %sub3A_99 = arith.subi %get3A_86, %sub3A_98 : vector<16xi32>
    %and3A_100 = arith.constant 15 : i32
    %and3A_101 = vector.broadcast %and3A_100 : i32 to vector<16xi32>
    %and3A_102 = arith.andi %sub3A_99, %and3A_101 : vector<16xi32>
    %add3A_103 = arith.constant 249984 : i32
    %add3A_104 = vector.broadcast %add3A_103 : i32 to vector<16xi32>
    %add3A_105 = arith.addi %add3A_104, %and3A_102 : vector<16xi32>
    %lt3A_106 = arith.constant 999936 : i32
    %lt3A_107 = vector.broadcast %lt3A_106 : i32 to vector<16xi32>
    %lt3A_108 = arith.cmpi slt, %get3A_86, %lt3A_107 : vector<16xi32>
    %select_n3A_109 = arith.select %lt3A_108, %or3A_96, %add3A_105 : vector<16xi1>, vector<16xi32>
    %swap3A_110 = arith.constant 48 : index
    %swap3A_111 = tpu.vector_load %arg9[%swap3A_110] {strides = array<i32>} : memref<512xi32, #tpu.memory_space<vmem>>, vector<16xi32>,
    %swap3A_112 = vector.shape_cast %swap3A_111 : vector<16xi32> to vector<16xi32>
    %swap3A_113 = vector.shape_cast %select_n3A_109 : vector<16xi32> to vector<16xi32>
    tpu.vector_store %arg9[%swap3A_110], %swap3A_113 {strides = array<i32>} : memref<512xi32, #tpu.memory_space<vmem>>, vector<16xi32>,
    %get3A_114 = arith.constant 64 : index
    %get3A_115 = tpu.vector_load %arg8[%get3A_114] {strides = array<i32>} : memref<512xi32, #tpu.memory_space<vmem>>, vector<16xi32>,
    %get3A_116 = vector.shape_cast %get3A_115 : vector<16xi32> to vector<16xi32>
    %shift_right_arithmetic3A_117 = arith.constant 9 : i32
    %shift_right_arithmetic3A_118 = vector.broadcast %shift_right_arithmetic3A_117 : i32 to vector<16xi32>
    %shift_right_arithmetic3A_119 = arith.shrsi %get3A_116, %shift_right_arithmetic3A_118 : vector<16xi32>
    %shift_left3A_120 = arith.constant 7 : i32
    %shift_left3A_121 = vector.broadcast %shift_left3A_120 : i32 to vector<16xi32>
    %shift_left3A_122 = arith.shli %shift_right_arithmetic3A_119, %shift_left3A_121 : vector<16xi32>
    %and3A_123 = arith.constant 127 : i32
    %and3A_124 = vector.broadcast %and3A_123 : i32 to vector<16xi32>
    %and3A_125 = arith.andi %get3A_116, %and3A_124 : vector<16xi32>
    %or3A_126 = arith.ori %shift_left3A_122, %and3A_125 : vector<16xi32>
    %sub3A_127 = arith.constant 999936 : i32
    %sub3A_128 = vector.broadcast %sub3A_127 : i32 to vector<16xi32>
    %sub3A_129 = arith.subi %get3A_116, %sub3A_128 : vector<16xi32>
    %and3A_130 = arith.constant 15 : i32
    %and3A_131 = vector.broadcast %and3A_130 : i32 to vector<16xi32>
    %and3A_132 = arith.andi %sub3A_129, %and3A_131 : vector<16xi32>
    %add3A_133 = arith.constant 249984 : i32
    %add3A_134 = vector.broadcast %add3A_133 : i32 to vector<16xi32>
    %add3A_135 = arith.addi %add3A_134, %and3A_132 : vector<16xi32>
    %lt3A_136 = arith.constant 999936 : i32
    %lt3A_137 = vector.broadcast %lt3A_136 : i32 to vector<16xi32>
    %lt3A_138 = arith.cmpi slt, %get3A_116, %lt3A_137 : vector<16xi32>
    %select_n3A_139 = arith.select %lt3A_138, %or3A_126, %add3A_135 : vector<16xi1>, vector<16xi32>
    %swap3A_140 = arith.constant 64 : index
    %swap3A_141 = tpu.vector_load %arg9[%swap3A_140] {strides = array<i32>} : memref<512xi32, #tpu.memory_space<vmem>>, vector<16xi32>,
    %swap3A_142 = vector.shape_cast %swap3A_141 : vector<16xi32> to vector<16xi32>
    %swap3A_143 = vector.shape_cast %select_n3A_139 : vector<16xi32> to vector<16xi32>
    tpu.vector_store %arg9[%swap3A_140], %swap3A_143 {strides = array<i32>} : memref<512xi32, #tpu.memory_space<vmem>>, vector<16xi32>,
    %get3A_144 = arith.constant 80 : index
    %get3A_145 = tpu.vector_load %arg8[%get3A_144] {strides = array<i32>} : memref<512xi32, #tpu.memory_space<vmem>>, vector<16xi32>,
    %get3A_146 = vector.shape_cast %get3A_145 : vector<16xi32> to vector<16xi32>
    %shift_right_arithmetic3A_147 = arith.constant 9 : i32
    %shift_right_arithmetic3A_148 = vector.broadcast %shift_right_arithmetic3A_147 : i32 to vector<16xi32>
    %shift_right_arithmetic3A_149 = arith.shrsi %get3A_146, %shift_right_arithmetic3A_148 : vector<16xi32>
    %shift_left3A_150 = arith.constant 7 : i32
    %shift_left3A_151 = vector.broadcast %shift_left3A_150 : i32 to vector<16xi32>
    %shift_left3A_152 = arith.shli %shift_right_arithmetic3A_149, %shift_left3A_151 : vector<16xi32>
    %and3A_153 = arith.constant 127 : i32
    %and3A_154 = vector.broadcast %and3A_153 : i32 to vector<16xi32>
    %and3A_155 = arith.andi %get3A_146, %and3A_154 : vector<16xi32>
    %or3A_156 = arith.ori %shift_left3A_152, %and3A_155 : vector<16xi32>
    %sub3A_157 = arith.constant 999936 : i32
    %sub3A_158 = vector.broadcast %sub3A_157 : i32 to vector<16xi32>
    %sub3A_159 = arith.subi %get3A_146, %sub3A_158 : vector<16xi32>
    %and3A_160 = arith.constant 15 : i32
    %and3A_161 = vector.broadcast %and3A_160 : i32 to vector<16xi32>
    %and3A_162 = arith.andi %sub3A_159, %and3A_161 : vector<16xi32>
    %add3A_163 = arith.constant 249984 : i32
    %add3A_164 = vector.broadcast %add3A_163 : i32 to vector<16xi32>
    %add3A_165 = arith.addi %add3A_164, %and3A_162 : vector<16xi32>
    %lt3A_166 = arith.constant 999936 : i32
    %lt3A_167 = vector.broadcast %lt3A_166 : i32 to vector<16xi32>
    %lt3A_168 = arith.cmpi slt, %get3A_146, %lt3A_167 : vector<16xi32>
    %select_n3A_169 = arith.select %lt3A_168, %or3A_156, %add3A_165 : vector<16xi1>, vector<16xi32>
    %swap3A_170 = arith.constant 80 : index
    %swap3A_171 = tpu.vector_load %arg9[%swap3A_170] {strides = array<i32>} : memref<512xi32, #tpu.memory_space<vmem>>, vector<16xi32>,
    %swap3A_172 = vector.shape_cast %swap3A_171 : vector<16xi32> to vector<16xi32>
    %swap3A_173 = vector.shape_cast %select_n3A_169 : vector<16xi32> to vector<16xi32>
    tpu.vector_store %arg9[%swap3A_170], %swap3A_173 {strides = array<i32>} : memref<512xi32, #tpu.memory_space<vmem>>, vector<16xi32>,
    %get3A_174 = arith.constant 96 : index
    %get3A_175 = tpu.vector_load %arg8[%get3A_174] {strides = array<i32>} : memref<512xi32, #tpu.memory_space<vmem>>, vector<16xi32>,
    %get3A_176 = vector.shape_cast %get3A_175 : vector<16xi32> to vector<16xi32>
    %shift_right_arithmetic3A_177 = arith.constant 9 : i32
    %shift_right_arithmetic3A_178 = vector.broadcast %shift_right_arithmetic3A_177 : i32 to vector<16xi32>
    %shift_right_arithmetic3A_179 = arith.shrsi %get3A_176, %shift_right_arithmetic3A_178 : vector<16xi32>
    %shift_left3A_180 = arith.constant 7 : i32
    %shift_left3A_181 = vector.broadcast %shift_left3A_180 : i32 to vector<16xi32>
    %shift_left3A_182 = arith.shli %shift_right_arithmetic3A_179, %shift_left3A_181 : vector<16xi32>
    %and3A_183 = arith.constant 127 : i32
    %and3A_184 = vector.broadcast %and3A_183 : i32 to vector<16xi32>
    %and3A_185 = arith.andi %get3A_176, %and3A_184 : vector<16xi32>
    %or3A_186 = arith.ori %shift_left3A_182, %and3A_185 : vector<16xi32>
    %sub3A_187 = arith.constant 999936 : i32
    %sub3A_188 = vector.broadcast %sub3A_187 : i32 to vector<16xi32>
    %sub3A_189 = arith.subi %get3A_176, %sub3A_188 : vector<16xi32>
    %and3A_190 = arith.constant 15 : i32
    %and3A_191 = vector.broadcast %and3A_190 : i32 to vector<16xi32>
    %and3A_192 = arith.andi %sub3A_189, %and3A_191 : vector<16xi32>
    %add3A_193 = arith.constant 249984 : i32
    %add3A_194 = vector.broadcast %add3A_193 : i32 to vector<16xi32>
    %add3A_195 = arith.addi %add3A_194, %and3A_192 : vector<16xi32>
    %lt3A_196 = arith.constant 999936 : i32
    %lt3A_197 = vector.broadcast %lt3A_196 : i32 to vector<16xi32>
    %lt3A_198 = arith.cmpi slt, %get3A_176, %lt3A_197 : vector<16xi32>
    %select_n3A_199 = arith.select %lt3A_198, %or3A_186, %add3A_195 : vector<16xi1>, vector<16xi32>
    %swap3A_200 = arith.constant 96 : index
    %swap3A_201 = tpu.vector_load %arg9[%swap3A_200] {strides = array<i32>} : memref<512xi32, #tpu.memory_space<vmem>>, vector<16xi32>,
    %swap3A_202 = vector.shape_cast %swap3A_201 : vector<16xi32> to vector<16xi32>
    %swap3A_203 = vector.shape_cast %select_n3A_199 : vector<16xi32> to vector<16xi32>
    tpu.vector_store %arg9[%swap3A_200], %swap3A_203 {strides = array<i32>} : memref<512xi32, #tpu.memory_space<vmem>>, vector<16xi32>,
    %get3A_204 = arith.constant 112 : index
    %get3A_205 = tpu.vector_load %arg8[%get3A_204] {strides = array<i32>} : memref<512xi32, #tpu.memory_space<vmem>>, vector<16xi32>,
    %get3A_206 = vector.shape_cast %get3A_205 : vector<16xi32> to vector<16xi32>
    %shift_right_arithmetic3A_207 = arith.constant 9 : i32
    %shift_right_arithmetic3A_208 = vector.broadcast %shift_right_arithmetic3A_207 : i32 to vector<16xi32>
    %shift_right_arithmetic3A_209 = arith.shrsi %get3A_206, %shift_right_arithmetic3A_208 : vector<16xi32>
    %shift_left3A_210 = arith.constant 7 : i32
    %shift_left3A_211 = vector.broadcast %shift_left3A_210 : i32 to vector<16xi32>
    %shift_left3A_212 = arith.shli %shift_right_arithmetic3A_209, %shift_left3A_211 : vector<16xi32>
    %and3A_213 = arith.constant 127 : i32
    %and3A_214 = vector.broadcast %and3A_213 : i32 to vector<16xi32>
    %and3A_215 = arith.andi %get3A_206, %and3A_214 : vector<16xi32>
    %or3A_216 = arith.ori %shift_left3A_212, %and3A_215 : vector<16xi32>
    %sub3A_217 = arith.constant 999936 : i32
    %sub3A_218 = vector.broadcast %sub3A_217 : i32 to vector<16xi32>
    %sub3A_219 = arith.subi %get3A_206, %sub3A_218 : vector<16xi32>
    %and3A_220 = arith.constant 15 : i32
    %and3A_221 = vector.broadcast %and3A_220 : i32 to vector<16xi32>
    %and3A_222 = arith.andi %sub3A_219, %and3A_221 : vector<16xi32>
    %add3A_223 = arith.constant 249984 : i32
    %add3A_224 = vector.broadcast %add3A_223 : i32 to vector<16xi32>
    %add3A_225 = arith.addi %add3A_224, %and3A_222 : vector<16xi32>
    %lt3A_226 = arith.constant 999936 : i32
    %lt3A_227 = vector.broadcast %lt3A_226 : i32 to vector<16xi32>
    %lt3A_228 = arith.cmpi slt, %get3A_206, %lt3A_227 : vector<16xi32>
    %select_n3A_229 = arith.select %lt3A_228, %or3A_216, %add3A_225 : vector<16xi1>, vector<16xi32>
    %swap3A_230 = arith.constant 112 : index
    %swap3A_231 = tpu.vector_load %arg9[%swap3A_230] {strides = array<i32>} : memref<512xi32, #tpu.memory_space<vmem>>, vector<16xi32>,
    %swap3A_232 = vector.shape_cast %swap3A_231 : vector<16xi32> to vector<16xi32>
    %swap3A_233 = vector.shape_cast %select_n3A_229 : vector<16xi32> to vector<16xi32>
    tpu.vector_store %arg9[%swap3A_230], %swap3A_233 {strides = array<i32>} : memref<512xi32, #tpu.memory_space<vmem>>, vector<16xi32>,
    %get3A_234 = arith.constant 128 : index
    %get3A_235 = tpu.vector_load %arg8[%get3A_234] {strides = array<i32>} : memref<512xi32, #tpu.memory_space<vmem>>, vector<16xi32>,
    %get3A_236 = vector.shape_cast %get3A_235 : vector<16xi32> to vector<16xi32>
    %shift_right_arithmetic3A_237 = arith.constant 9 : i32
    %shift_right_arithmetic3A_238 = vector.broadcast %shift_right_arithmetic3A_237 : i32 to vector<16xi32>
    %shift_right_arithmetic3A_239 = arith.shrsi %get3A_236, %shift_right_arithmetic3A_238 : vector<16xi32>
    %shift_left3A_240 = arith.constant 7 : i32
    %shift_left3A_241 = vector.broadcast %shift_left3A_240 : i32 to vector<16xi32>
    %shift_left3A_242 = arith.shli %shift_right_arithmetic3A_239, %shift_left3A_241 : vector<16xi32>
    %and3A_243 = arith.constant 127 : i32
    %and3A_244 = vector.broadcast %and3A_243 : i32 to vector<16xi32>
    %and3A_245 = arith.andi %get3A_236, %and3A_244 : vector<16xi32>
    %or3A_246 = arith.ori %shift_left3A_242, %and3A_245 : vector<16xi32>
    %sub3A_247 = arith.constant 999936 : i32
    %sub3A_248 = vector.broadcast %sub3A_247 : i32 to vector<16xi32>
    %sub3A_249 = arith.subi %get3A_236, %sub3A_248 : vector<16xi32>
    %and3A_250 = arith.constant 15 : i32
    %and3A_251 = vector.broadcast %and3A_250 : i32 to vector<16xi32>
    %and3A_252 = arith.andi %sub3A_249, %and3A_251 : vector<16xi32>
    %add3A_253 = arith.constant 249984 : i32
    %add3A_254 = vector.broadcast %add3A_253 : i32 to vector<16xi32>
    %add3A_255 = arith.addi %add3A_254, %and3A_252 : vector<16xi32>
    %lt3A_256 = arith.constant 999936 : i32
    %lt3A_257 = vector.broadcast %lt3A_256 : i32 to vector<16xi32>
    %lt3A_258 = arith.cmpi slt, %get3A_236, %lt3A_257 : vector<16xi32>
    %select_n3A_259 = arith.select %lt3A_258, %or3A_246, %add3A_255 : vector<16xi1>, vector<16xi32>
    %swap3A_260 = arith.constant 128 : index
    %swap3A_261 = tpu.vector_load %arg9[%swap3A_260] {strides = array<i32>} : memref<512xi32, #tpu.memory_space<vmem>>, vector<16xi32>,
    %swap3A_262 = vector.shape_cast %swap3A_261 : vector<16xi32> to vector<16xi32>
    %swap3A_263 = vector.shape_cast %select_n3A_259 : vector<16xi32> to vector<16xi32>
    tpu.vector_store %arg9[%swap3A_260], %swap3A_263 {strides = array<i32>} : memref<512xi32, #tpu.memory_space<vmem>>, vector<16xi32>,
    %get3A_264 = arith.constant 144 : index
    %get3A_265 = tpu.vector_load %arg8[%get3A_264] {strides = array<i32>} : memref<512xi32, #tpu.memory_space<vmem>>, vector<16xi32>,
    %get3A_266 = vector.shape_cast %get3A_265 : vector<16xi32> to vector<16xi32>
    %shift_right_arithmetic3A_267 = arith.constant 9 : i32
    %shift_right_arithmetic3A_268 = vector.broadcast %shift_right_arithmetic3A_267 : i32 to vector<16xi32>
    %shift_right_arithmetic3A_269 = arith.shrsi %get3A_266, %shift_right_arithmetic3A_268 : vector<16xi32>
    %shift_left3A_270 = arith.constant 7 : i32
    %shift_left3A_271 = vector.broadcast %shift_left3A_270 : i32 to vector<16xi32>
    %shift_left3A_272 = arith.shli %shift_right_arithmetic3A_269, %shift_left3A_271 : vector<16xi32>
    %and3A_273 = arith.constant 127 : i32
    %and3A_274 = vector.broadcast %and3A_273 : i32 to vector<16xi32>
    %and3A_275 = arith.andi %get3A_266, %and3A_274 : vector<16xi32>
    %or3A_276 = arith.ori %shift_left3A_272, %and3A_275 : vector<16xi32>
    %sub3A_277 = arith.constant 999936 : i32
    %sub3A_278 = vector.broadcast %sub3A_277 : i32 to vector<16xi32>
    %sub3A_279 = arith.subi %get3A_266, %sub3A_278 : vector<16xi32>
    %and3A_280 = arith.constant 15 : i32
    %and3A_281 = vector.broadcast %and3A_280 : i32 to vector<16xi32>
    %and3A_282 = arith.andi %sub3A_279, %and3A_281 : vector<16xi32>
    %add3A_283 = arith.constant 249984 : i32
    %add3A_284 = vector.broadcast %add3A_283 : i32 to vector<16xi32>
    %add3A_285 = arith.addi %add3A_284, %and3A_282 : vector<16xi32>
    %lt3A_286 = arith.constant 999936 : i32
    %lt3A_287 = vector.broadcast %lt3A_286 : i32 to vector<16xi32>
    %lt3A_288 = arith.cmpi slt, %get3A_266, %lt3A_287 : vector<16xi32>
    %select_n3A_289 = arith.select %lt3A_288, %or3A_276, %add3A_285 : vector<16xi1>, vector<16xi32>
    %swap3A_290 = arith.constant 144 : index
    %swap3A_291 = tpu.vector_load %arg9[%swap3A_290] {strides = array<i32>} : memref<512xi32, #tpu.memory_space<vmem>>, vector<16xi32>,
    %swap3A_292 = vector.shape_cast %swap3A_291 : vector<16xi32> to vector<16xi32>
    %swap3A_293 = vector.shape_cast %select_n3A_289 : vector<16xi32> to vector<16xi32>
    tpu.vector_store %arg9[%swap3A_290], %swap3A_293 {strides = array<i32>} : memref<512xi32, #tpu.memory_space<vmem>>, vector<16xi32>,
    %get3A_294 = arith.constant 160 : index
    %get3A_295 = tpu.vector_load %arg8[%get3A_294] {strides = array<i32>} : memref<512xi32, #tpu.memory_space<vmem>>, vector<16xi32>,
    %get3A_296 = vector.shape_cast %get3A_295 : vector<16xi32> to vector<16xi32>
    %shift_right_arithmetic3A_297 = arith.constant 9 : i32
    %shift_right_arithmetic3A_298 = vector.broadcast %shift_right_arithmetic3A_297 : i32 to vector<16xi32>
    %shift_right_arithmetic3A_299 = arith.shrsi %get3A_296, %shift_right_arithmetic3A_298 : vector<16xi32>
    %shift_left3A_300 = arith.constant 7 : i32
    %shift_left3A_301 = vector.broadcast %shift_left3A_300 : i32 to vector<16xi32>
    %shift_left3A_302 = arith.shli %shift_right_arithmetic3A_299, %shift_left3A_301 : vector<16xi32>
    %and3A_303 = arith.constant 127 : i32
    %and3A_304 = vector.broadcast %and3A_303 : i32 to vector<16xi32>
    %and3A_305 = arith.andi %get3A_296, %and3A_304 : vector<16xi32>
    %or3A_306 = arith.ori %shift_left3A_302, %and3A_305 : vector<16xi32>
    %sub3A_307 = arith.constant 999936 : i32
    %sub3A_308 = vector.broadcast %sub3A_307 : i32 to vector<16xi32>
    %sub3A_309 = arith.subi %get3A_296, %sub3A_308 : vector<16xi32>
    %and3A_310 = arith.constant 15 : i32
    %and3A_311 = vector.broadcast %and3A_310 : i32 to vector<16xi32>
    %and3A_312 = arith.andi %sub3A_309, %and3A_311 : vector<16xi32>
    %add3A_313 = arith.constant 249984 : i32
    %add3A_314 = vector.broadcast %add3A_313 : i32 to vector<16xi32>
    %add3A_315 = arith.addi %add3A_314, %and3A_312 : vector<16xi32>
    %lt3A_316 = arith.constant 999936 : i32
    %lt3A_317 = vector.broadcast %lt3A_316 : i32 to vector<16xi32>
    %lt3A_318 = arith.cmpi slt, %get3A_296, %lt3A_317 : vector<16xi32>
    %select_n3A_319 = arith.select %lt3A_318, %or3A_306, %add3A_315 : vector<16xi1>, vector<16xi32>
    %swap3A_320 = arith.constant 160 : index
    %swap3A_321 = tpu.vector_load %arg9[%swap3A_320] {strides = array<i32>} : memref<512xi32, #tpu.memory_space<vmem>>, vector<16xi32>,
    %swap3A_322 = vector.shape_cast %swap3A_321 : vector<16xi32> to vector<16xi32>
    %swap3A_323 = vector.shape_cast %select_n3A_319 : vector<16xi32> to vector<16xi32>
    tpu.vector_store %arg9[%swap3A_320], %swap3A_323 {strides = array<i32>} : memref<512xi32, #tpu.memory_space<vmem>>, vector<16xi32>,
    %get3A_324 = arith.constant 176 : index
    %get3A_325 = tpu.vector_load %arg8[%get3A_324] {strides = array<i32>} : memref<512xi32, #tpu.memory_space<vmem>>, vector<16xi32>,
    %get3A_326 = vector.shape_cast %get3A_325 : vector<16xi32> to vector<16xi32>
    %shift_right_arithmetic3A_327 = arith.constant 9 : i32
    %shift_right_arithmetic3A_328 = vector.broadcast %shift_right_arithmetic3A_327 : i32 to vector<16xi32>
    %shift_right_arithmetic3A_329 = arith.shrsi %get3A_326, %shift_right_arithmetic3A_328 : vector<16xi32>
    %shift_left3A_330 = arith.constant 7 : i32
    %shift_left3A_331 = vector.broadcast %shift_left3A_330 : i32 to vector<16xi32>
    %shift_left3A_332 = arith.shli %shift_right_arithmetic3A_329, %shift_left3A_331 : vector<16xi32>
    %and3A_333 = arith.constant 127 : i32
    %and3A_334 = vector.broadcast %and3A_333 : i32 to vector<16xi32>
    %and3A_335 = arith.andi %get3A_326, %and3A_334 : vector<16xi32>
    %or3A_336 = arith.ori %shift_left3A_332, %and3A_335 : vector<16xi32>
    %sub3A_337 = arith.constant 999936 : i32
    %sub3A_338 = vector.broadcast %sub3A_337 : i32 to vector<16xi32>
    %sub3A_339 = arith.subi %get3A_326, %sub3A_338 : vector<16xi32>
    %and3A_340 = arith.constant 15 : i32
    %and3A_341 = vector.broadcast %and3A_340 : i32 to vector<16xi32>
    %and3A_342 = arith.andi %sub3A_339, %and3A_341 : vector<16xi32>
    %add3A_343 = arith.constant 249984 : i32
    %add3A_344 = vector.broadcast %add3A_343 : i32 to vector<16xi32>
    %add3A_345 = arith.addi %add3A_344, %and3A_342 : vector<16xi32>
    %lt3A_346 = arith.constant 999936 : i32
    %lt3A_347 = vector.broadcast %lt3A_346 : i32 to vector<16xi32>
    %lt3A_348 = arith.cmpi slt, %get3A_326, %lt3A_347 : vector<16xi32>
    %select_n3A_349 = arith.select %lt3A_348, %or3A_336, %add3A_345 : vector<16xi1>, vector<16xi32>
    %swap3A_350 = arith.constant 176 : index
    %swap3A_351 = tpu.vector_load %arg9[%swap3A_350] {strides = array<i32>} : memref<512xi32, #tpu.memory_space<vmem>>, vector<16xi32>,
    %swap3A_352 = vector.shape_cast %swap3A_351 : vector<16xi32> to vector<16xi32>
    %swap3A_353 = vector.shape_cast %select_n3A_349 : vector<16xi32> to vector<16xi32>
    tpu.vector_store %arg9[%swap3A_350], %swap3A_353 {strides = array<i32>} : memref<512xi32, #tpu.memory_space<vmem>>, vector<16xi32>,
    %get3A_354 = arith.constant 192 : index
    %get3A_355 = tpu.vector_load %arg8[%get3A_354] {strides = array<i32>} : memref<512xi32, #tpu.memory_space<vmem>>, vector<16xi32>,
    %get3A_356 = vector.shape_cast %get3A_355 : vector<16xi32> to vector<16xi32>
    %shift_right_arithmetic3A_357 = arith.constant 9 : i32
    %shift_right_arithmetic3A_358 = vector.broadcast %shift_right_arithmetic3A_357 : i32 to vector<16xi32>
    %shift_right_arithmetic3A_359 = arith.shrsi %get3A_356, %shift_right_arithmetic3A_358 : vector<16xi32>
    %shift_left3A_360 = arith.constant 7 : i32
    %shift_left3A_361 = vector.broadcast %shift_left3A_360 : i32 to vector<16xi32>
    %shift_left3A_362 = arith.shli %shift_right_arithmetic3A_359, %shift_left3A_361 : vector<16xi32>
    %and3A_363 = arith.constant 127 : i32
    %and3A_364 = vector.broadcast %and3A_363 : i32 to vector<16xi32>
    %and3A_365 = arith.andi %get3A_356, %and3A_364 : vector<16xi32>
    %or3A_366 = arith.ori %shift_left3A_362, %and3A_365 : vector<16xi32>
    %sub3A_367 = arith.constant 999936 : i32
    %sub3A_368 = vector.broadcast %sub3A_367 : i32 to vector<16xi32>
    %sub3A_369 = arith.subi %get3A_356, %sub3A_368 : vector<16xi32>
    %and3A_370 = arith.constant 15 : i32
    %and3A_371 = vector.broadcast %and3A_370 : i32 to vector<16xi32>
    %and3A_372 = arith.andi %sub3A_369, %and3A_371 : vector<16xi32>
    %add3A_373 = arith.constant 249984 : i32
    %add3A_374 = vector.broadcast %add3A_373 : i32 to vector<16xi32>
    %add3A_375 = arith.addi %add3A_374, %and3A_372 : vector<16xi32>
    %lt3A_376 = arith.constant 999936 : i32
    %lt3A_377 = vector.broadcast %lt3A_376 : i32 to vector<16xi32>
    %lt3A_378 = arith.cmpi slt, %get3A_356, %lt3A_377 : vector<16xi32>
    %select_n3A_379 = arith.select %lt3A_378, %or3A_366, %add3A_375 : vector<16xi1>, vector<16xi32>
    %swap3A_380 = arith.constant 192 : index
    %swap3A_381 = tpu.vector_load %arg9[%swap3A_380] {strides = array<i32>} : memref<512xi32, #tpu.memory_space<vmem>>, vector<16xi32>,
    %swap3A_382 = vector.shape_cast %swap3A_381 : vector<16xi32> to vector<16xi32>
    %swap3A_383 = vector.shape_cast %select_n3A_379 : vector<16xi32> to vector<16xi32>
    tpu.vector_store %arg9[%swap3A_380], %swap3A_383 {strides = array<i32>} : memref<512xi32, #tpu.memory_space<vmem>>, vector<16xi32>,
    %get3A_384 = arith.constant 208 : index
    %get3A_385 = tpu.vector_load %arg8[%get3A_384] {strides = array<i32>} : memref<512xi32, #tpu.memory_space<vmem>>, vector<16xi32>,
    %get3A_386 = vector.shape_cast %get3A_385 : vector<16xi32> to vector<16xi32>
    %shift_right_arithmetic3A_387 = arith.constant 9 : i32
    %shift_right_arithmetic3A_388 = vector.broadcast %shift_right_arithmetic3A_387 : i32 to vector<16xi32>
    %shift_right_arithmetic3A_389 = arith.shrsi %get3A_386, %shift_right_arithmetic3A_388 : vector<16xi32>
    %shift_left3A_390 = arith.constant 7 : i32
    %shift_left3A_391 = vector.broadcast %shift_left3A_390 : i32 to vector<16xi32>
    %shift_left3A_392 = arith.shli %shift_right_arithmetic3A_389, %shift_left3A_391 : vector<16xi32>
    %and3A_393 = arith.constant 127 : i32
    %and3A_394 = vector.broadcast %and3A_393 : i32 to vector<16xi32>
    %and3A_395 = arith.andi %get3A_386, %and3A_394 : vector<16xi32>
    %or3A_396 = arith.ori %shift_left3A_392, %and3A_395 : vector<16xi32>
    %sub3A_397 = arith.constant 999936 : i32
    %sub3A_398 = vector.broadcast %sub3A_397 : i32 to vector<16xi32>
    %sub3A_399 = arith.subi %get3A_386, %sub3A_398 : vector<16xi32>
    %and3A_400 = arith.constant 15 : i32
    %and3A_401 = vector.broadcast %and3A_400 : i32 to vector<16xi32>
    %and3A_402 = arith.andi %sub3A_399, %and3A_401 : vector<16xi32>
    %add3A_403 = arith.constant 249984 : i32
    %add3A_404 = vector.broadcast %add3A_403 : i32 to vector<16xi32>
    %add3A_405 = arith.addi %add3A_404, %and3A_402 : vector<16xi32>
    %lt3A_406 = arith.constant 999936 : i32
    %lt3A_407 = vector.broadcast %lt3A_406 : i32 to vector<16xi32>
    %lt3A_408 = arith.cmpi slt, %get3A_386, %lt3A_407 : vector<16xi32>
    %select_n3A_409 = arith.select %lt3A_408, %or3A_396, %add3A_405 : vector<16xi1>, vector<16xi32>
    %swap3A_410 = arith.constant 208 : index
    %swap3A_411 = tpu.vector_load %arg9[%swap3A_410] {strides = array<i32>} : memref<512xi32, #tpu.memory_space<vmem>>, vector<16xi32>,
    %swap3A_412 = vector.shape_cast %swap3A_411 : vector<16xi32> to vector<16xi32>
    %swap3A_413 = vector.shape_cast %select_n3A_409 : vector<16xi32> to vector<16xi32>
    tpu.vector_store %arg9[%swap3A_410], %swap3A_413 {strides = array<i32>} : memref<512xi32, #tpu.memory_space<vmem>>, vector<16xi32>,
    %get3A_414 = arith.constant 224 : index
    %get3A_415 = tpu.vector_load %arg8[%get3A_414] {strides = array<i32>} : memref<512xi32, #tpu.memory_space<vmem>>, vector<16xi32>,
    %get3A_416 = vector.shape_cast %get3A_415 : vector<16xi32> to vector<16xi32>
    %shift_right_arithmetic3A_417 = arith.constant 9 : i32
    %shift_right_arithmetic3A_418 = vector.broadcast %shift_right_arithmetic3A_417 : i32 to vector<16xi32>
    %shift_right_arithmetic3A_419 = arith.shrsi %get3A_416, %shift_right_arithmetic3A_418 : vector<16xi32>
    %shift_left3A_420 = arith.constant 7 : i32
    %shift_left3A_421 = vector.broadcast %shift_left3A_420 : i32 to vector<16xi32>
    %shift_left3A_422 = arith.shli %shift_right_arithmetic3A_419, %shift_left3A_421 : vector<16xi32>
    %and3A_423 = arith.constant 127 : i32
    %and3A_424 = vector.broadcast %and3A_423 : i32 to vector<16xi32>
    %and3A_425 = arith.andi %get3A_416, %and3A_424 : vector<16xi32>
    %or3A_426 = arith.ori %shift_left3A_422, %and3A_425 : vector<16xi32>
    %sub3A_427 = arith.constant 999936 : i32
    %sub3A_428 = vector.broadcast %sub3A_427 : i32 to vector<16xi32>
    %sub3A_429 = arith.subi %get3A_416, %sub3A_428 : vector<16xi32>
    %and3A_430 = arith.constant 15 : i32
    %and3A_431 = vector.broadcast %and3A_430 : i32 to vector<16xi32>
    %and3A_432 = arith.andi %sub3A_429, %and3A_431 : vector<16xi32>
    %add3A_433 = arith.constant 249984 : i32
    %add3A_434 = vector.broadcast %add3A_433 : i32 to vector<16xi32>
    %add3A_435 = arith.addi %add3A_434, %and3A_432 : vector<16xi32>
    %lt3A_436 = arith.constant 999936 : i32
    %lt3A_437 = vector.broadcast %lt3A_436 : i32 to vector<16xi32>
    %lt3A_438 = arith.cmpi slt, %get3A_416, %lt3A_437 : vector<16xi32>
    %select_n3A_439 = arith.select %lt3A_438, %or3A_426, %add3A_435 : vector<16xi1>, vector<16xi32>
    %swap3A_440 = arith.constant 224 : index
    %swap3A_441 = tpu.vector_load %arg9[%swap3A_440] {strides = array<i32>} : memref<512xi32, #tpu.memory_space<vmem>>, vector<16xi32>,
    %swap3A_442 = vector.shape_cast %swap3A_441 : vector<16xi32> to vector<16xi32>
    %swap3A_443 = vector.shape_cast %select_n3A_439 : vector<16xi32> to vector<16xi32>
    tpu.vector_store %arg9[%swap3A_440], %swap3A_443 {strides = array<i32>} : memref<512xi32, #tpu.memory_space<vmem>>, vector<16xi32>,
    %get3A_444 = arith.constant 240 : index
    %get3A_445 = tpu.vector_load %arg8[%get3A_444] {strides = array<i32>} : memref<512xi32, #tpu.memory_space<vmem>>, vector<16xi32>,
    %get3A_446 = vector.shape_cast %get3A_445 : vector<16xi32> to vector<16xi32>
    %shift_right_arithmetic3A_447 = arith.constant 9 : i32
    %shift_right_arithmetic3A_448 = vector.broadcast %shift_right_arithmetic3A_447 : i32 to vector<16xi32>
    %shift_right_arithmetic3A_449 = arith.shrsi %get3A_446, %shift_right_arithmetic3A_448 : vector<16xi32>
    %shift_left3A_450 = arith.constant 7 : i32
    %shift_left3A_451 = vector.broadcast %shift_left3A_450 : i32 to vector<16xi32>
    %shift_left3A_452 = arith.shli %shift_right_arithmetic3A_449, %shift_left3A_451 : vector<16xi32>
    %and3A_453 = arith.constant 127 : i32
    %and3A_454 = vector.broadcast %and3A_453 : i32 to vector<16xi32>
    %and3A_455 = arith.andi %get3A_446, %and3A_454 : vector<16xi32>
    %or3A_456 = arith.ori %shift_left3A_452, %and3A_455 : vector<16xi32>
    %sub3A_457 = arith.constant 999936 : i32
    %sub3A_458 = vector.broadcast %sub3A_457 : i32 to vector<16xi32>
    %sub3A_459 = arith.subi %get3A_446, %sub3A_458 : vector<16xi32>
    %and3A_460 = arith.constant 15 : i32
    %and3A_461 = vector.broadcast %and3A_460 : i32 to vector<16xi32>
    %and3A_462 = arith.andi %sub3A_459, %and3A_461 : vector<16xi32>
    %add3A_463 = arith.constant 249984 : i32
    %add3A_464 = vector.broadcast %add3A_463 : i32 to vector<16xi32>
    %add3A_465 = arith.addi %add3A_464, %and3A_462 : vector<16xi32>
    %lt3A_466 = arith.constant 999936 : i32
    %lt3A_467 = vector.broadcast %lt3A_466 : i32 to vector<16xi32>
    %lt3A_468 = arith.cmpi slt, %get3A_446, %lt3A_467 : vector<16xi32>
    %select_n3A_469 = arith.select %lt3A_468, %or3A_456, %add3A_465 : vector<16xi1>, vector<16xi32>
    %swap3A_470 = arith.constant 240 : index
    %swap3A_471 = tpu.vector_load %arg9[%swap3A_470] {strides = array<i32>} : memref<512xi32, #tpu.memory_space<vmem>>, vector<16xi32>,
    %swap3A_472 = vector.shape_cast %swap3A_471 : vector<16xi32> to vector<16xi32>
    %swap3A_473 = vector.shape_cast %select_n3A_469 : vector<16xi32> to vector<16xi32>
    tpu.vector_store %arg9[%swap3A_470], %swap3A_473 {strides = array<i32>} : memref<512xi32, #tpu.memory_space<vmem>>, vector<16xi32>,
    %get3A_474 = arith.constant 256 : index
    %get3A_475 = tpu.vector_load %arg8[%get3A_474] {strides = array<i32>} : memref<512xi32, #tpu.memory_space<vmem>>, vector<16xi32>,
    %get3A_476 = vector.shape_cast %get3A_475 : vector<16xi32> to vector<16xi32>
    %shift_right_arithmetic3A_477 = arith.constant 9 : i32
    %shift_right_arithmetic3A_478 = vector.broadcast %shift_right_arithmetic3A_477 : i32 to vector<16xi32>
    %shift_right_arithmetic3A_479 = arith.shrsi %get3A_476, %shift_right_arithmetic3A_478 : vector<16xi32>
    %shift_left3A_480 = arith.constant 7 : i32
    %shift_left3A_481 = vector.broadcast %shift_left3A_480 : i32 to vector<16xi32>
    %shift_left3A_482 = arith.shli %shift_right_arithmetic3A_479, %shift_left3A_481 : vector<16xi32>
    %and3A_483 = arith.constant 127 : i32
    %and3A_484 = vector.broadcast %and3A_483 : i32 to vector<16xi32>
    %and3A_485 = arith.andi %get3A_476, %and3A_484 : vector<16xi32>
    %or3A_486 = arith.ori %shift_left3A_482, %and3A_485 : vector<16xi32>
    %sub3A_487 = arith.constant 999936 : i32
    %sub3A_488 = vector.broadcast %sub3A_487 : i32 to vector<16xi32>
    %sub3A_489 = arith.subi %get3A_476, %sub3A_488 : vector<16xi32>
    %and3A_490 = arith.constant 15 : i32
    %and3A_491 = vector.broadcast %and3A_490 : i32 to vector<16xi32>
    %and3A_492 = arith.andi %sub3A_489, %and3A_491 : vector<16xi32>
    %add3A_493 = arith.constant 249984 : i32
    %add3A_494 = vector.broadcast %add3A_493 : i32 to vector<16xi32>
    %add3A_495 = arith.addi %add3A_494, %and3A_492 : vector<16xi32>
    %lt3A_496 = arith.constant 999936 : i32
    %lt3A_497 = vector.broadcast %lt3A_496 : i32 to vector<16xi32>
    %lt3A_498 = arith.cmpi slt, %get3A_476, %lt3A_497 : vector<16xi32>
    %select_n3A_499 = arith.select %lt3A_498, %or3A_486, %add3A_495 : vector<16xi1>, vector<16xi32>
    %swap3A_500 = arith.constant 256 : index
    %swap3A_501 = tpu.vector_load %arg9[%swap3A_500] {strides = array<i32>} : memref<512xi32, #tpu.memory_space<vmem>>, vector<16xi32>,
    %swap3A_502 = vector.shape_cast %swap3A_501 : vector<16xi32> to vector<16xi32>
    %swap3A_503 = vector.shape_cast %select_n3A_499 : vector<16xi32> to vector<16xi32>
    tpu.vector_store %arg9[%swap3A_500], %swap3A_503 {strides = array<i32>} : memref<512xi32, #tpu.memory_space<vmem>>, vector<16xi32>,
    %get3A_504 = arith.constant 272 : index
    %get3A_505 = tpu.vector_load %arg8[%get3A_504] {strides = array<i32>} : memref<512xi32, #tpu.memory_space<vmem>>, vector<16xi32>,
    %get3A_506 = vector.shape_cast %get3A_505 : vector<16xi32> to vector<16xi32>
    %shift_right_arithmetic3A_507 = arith.constant 9 : i32
    %shift_right_arithmetic3A_508 = vector.broadcast %shift_right_arithmetic3A_507 : i32 to vector<16xi32>
    %shift_right_arithmetic3A_509 = arith.shrsi %get3A_506, %shift_right_arithmetic3A_508 : vector<16xi32>
    %shift_left3A_510 = arith.constant 7 : i32
    %shift_left3A_511 = vector.broadcast %shift_left3A_510 : i32 to vector<16xi32>
    %shift_left3A_512 = arith.shli %shift_right_arithmetic3A_509, %shift_left3A_511 : vector<16xi32>
    %and3A_513 = arith.constant 127 : i32
    %and3A_514 = vector.broadcast %and3A_513 : i32 to vector<16xi32>
    %and3A_515 = arith.andi %get3A_506, %and3A_514 : vector<16xi32>
    %or3A_516 = arith.ori %shift_left3A_512, %and3A_515 : vector<16xi32>
    %sub3A_517 = arith.constant 999936 : i32
    %sub3A_518 = vector.broadcast %sub3A_517 : i32 to vector<16xi32>
    %sub3A_519 = arith.subi %get3A_506, %sub3A_518 : vector<16xi32>
    %and3A_520 = arith.constant 15 : i32
    %and3A_521 = vector.broadcast %and3A_520 : i32 to vector<16xi32>
    %and3A_522 = arith.andi %sub3A_519, %and3A_521 : vector<16xi32>
    %add3A_523 = arith.constant 249984 : i32
    %add3A_524 = vector.broadcast %add3A_523 : i32 to vector<16xi32>
    %add3A_525 = arith.addi %add3A_524, %and3A_522 : vector<16xi32>
    %lt3A_526 = arith.constant 999936 : i32
    %lt3A_527 = vector.broadcast %lt3A_526 : i32 to vector<16xi32>
    %lt3A_528 = arith.cmpi slt, %get3A_506, %lt3A_527 : vector<16xi32>
    %select_n3A_529 = arith.select %lt3A_528, %or3A_516, %add3A_525 : vector<16xi1>, vector<16xi32>
    %swap3A_530 = arith.constant 272 : index
    %swap3A_531 = tpu.vector_load %arg9[%swap3A_530] {strides = array<i32>} : memref<512xi32, #tpu.memory_space<vmem>>, vector<16xi32>,
    %swap3A_532 = vector.shape_cast %swap3A_531 : vector<16xi32> to vector<16xi32>
    %swap3A_533 = vector.shape_cast %select_n3A_529 : vector<16xi32> to vector<16xi32>
    tpu.vector_store %arg9[%swap3A_530], %swap3A_533 {strides = array<i32>} : memref<512xi32, #tpu.memory_space<vmem>>, vector<16xi32>,
    %get3A_534 = arith.constant 288 : index
    %get3A_535 = tpu.vector_load %arg8[%get3A_534] {strides = array<i32>} : memref<512xi32, #tpu.memory_space<vmem>>, vector<16xi32>,
    %get3A_536 = vector.shape_cast %get3A_535 : vector<16xi32> to vector<16xi32>
    %shift_right_arithmetic3A_537 = arith.constant 9 : i32
    %shift_right_arithmetic3A_538 = vector.broadcast %shift_right_arithmetic3A_537 : i32 to vector<16xi32>
    %shift_right_arithmetic3A_539 = arith.shrsi %get3A_536, %shift_right_arithmetic3A_538 : vector<16xi32>
    %shift_left3A_540 = arith.constant 7 : i32
    %shift_left3A_541 = vector.broadcast %shift_left3A_540 : i32 to vector<16xi32>
    %shift_left3A_542 = arith.shli %shift_right_arithmetic3A_539, %shift_left3A_541 : vector<16xi32>
    %and3A_543 = arith.constant 127 : i32
    %and3A_544 = vector.broadcast %and3A_543 : i32 to vector<16xi32>
    %and3A_545 = arith.andi %get3A_536, %and3A_544 : vector<16xi32>
    %or3A_546 = arith.ori %shift_left3A_542, %and3A_545 : vector<16xi32>
    %sub3A_547 = arith.constant 999936 : i32
    %sub3A_548 = vector.broadcast %sub3A_547 : i32 to vector<16xi32>
    %sub3A_549 = arith.subi %get3A_536, %sub3A_548 : vector<16xi32>
    %and3A_550 = arith.constant 15 : i32
    %and3A_551 = vector.broadcast %and3A_550 : i32 to vector<16xi32>
    %and3A_552 = arith.andi %sub3A_549, %and3A_551 : vector<16xi32>
    %add3A_553 = arith.constant 249984 : i32
    %add3A_554 = vector.broadcast %add3A_553 : i32 to vector<16xi32>
    %add3A_555 = arith.addi %add3A_554, %and3A_552 : vector<16xi32>
    %lt3A_556 = arith.constant 999936 : i32
    %lt3A_557 = vector.broadcast %lt3A_556 : i32 to vector<16xi32>
    %lt3A_558 = arith.cmpi slt, %get3A_536, %lt3A_557 : vector<16xi32>
    %select_n3A_559 = arith.select %lt3A_558, %or3A_546, %add3A_555 : vector<16xi1>, vector<16xi32>
    %swap3A_560 = arith.constant 288 : index
    %swap3A_561 = tpu.vector_load %arg9[%swap3A_560] {strides = array<i32>} : memref<512xi32, #tpu.memory_space<vmem>>, vector<16xi32>,
    %swap3A_562 = vector.shape_cast %swap3A_561 : vector<16xi32> to vector<16xi32>
    %swap3A_563 = vector.shape_cast %select_n3A_559 : vector<16xi32> to vector<16xi32>
    tpu.vector_store %arg9[%swap3A_560], %swap3A_563 {strides = array<i32>} : memref<512xi32, #tpu.memory_space<vmem>>, vector<16xi32>,
    %get3A_564 = arith.constant 304 : index
    %get3A_565 = tpu.vector_load %arg8[%get3A_564] {strides = array<i32>} : memref<512xi32, #tpu.memory_space<vmem>>, vector<16xi32>,
    %get3A_566 = vector.shape_cast %get3A_565 : vector<16xi32> to vector<16xi32>
    %shift_right_arithmetic3A_567 = arith.constant 9 : i32
    %shift_right_arithmetic3A_568 = vector.broadcast %shift_right_arithmetic3A_567 : i32 to vector<16xi32>
    %shift_right_arithmetic3A_569 = arith.shrsi %get3A_566, %shift_right_arithmetic3A_568 : vector<16xi32>
    %shift_left3A_570 = arith.constant 7 : i32
    %shift_left3A_571 = vector.broadcast %shift_left3A_570 : i32 to vector<16xi32>
    %shift_left3A_572 = arith.shli %shift_right_arithmetic3A_569, %shift_left3A_571 : vector<16xi32>
    %and3A_573 = arith.constant 127 : i32
    %and3A_574 = vector.broadcast %and3A_573 : i32 to vector<16xi32>
    %and3A_575 = arith.andi %get3A_566, %and3A_574 : vector<16xi32>
    %or3A_576 = arith.ori %shift_left3A_572, %and3A_575 : vector<16xi32>
    %sub3A_577 = arith.constant 999936 : i32
    %sub3A_578 = vector.broadcast %sub3A_577 : i32 to vector<16xi32>
    %sub3A_579 = arith.subi %get3A_566, %sub3A_578 : vector<16xi32>
    %and3A_580 = arith.constant 15 : i32
    %and3A_581 = vector.broadcast %and3A_580 : i32 to vector<16xi32>
    %and3A_582 = arith.andi %sub3A_579, %and3A_581 : vector<16xi32>
    %add3A_583 = arith.constant 249984 : i32
    %add3A_584 = vector.broadcast %add3A_583 : i32 to vector<16xi32>
    %add3A_585 = arith.addi %add3A_584, %and3A_582 : vector<16xi32>
    %lt3A_586 = arith.constant 999936 : i32
    %lt3A_587 = vector.broadcast %lt3A_586 : i32 to vector<16xi32>
    %lt3A_588 = arith.cmpi slt, %get3A_566, %lt3A_587 : vector<16xi32>
    %select_n3A_589 = arith.select %lt3A_588, %or3A_576, %add3A_585 : vector<16xi1>, vector<16xi32>
    %swap3A_590 = arith.constant 304 : index
    %swap3A_591 = tpu.vector_load %arg9[%swap3A_590] {strides = array<i32>} : memref<512xi32, #tpu.memory_space<vmem>>, vector<16xi32>,
    %swap3A_592 = vector.shape_cast %swap3A_591 : vector<16xi32> to vector<16xi32>
    %swap3A_593 = vector.shape_cast %select_n3A_589 : vector<16xi32> to vector<16xi32>
    tpu.vector_store %arg9[%swap3A_590], %swap3A_593 {strides = array<i32>} : memref<512xi32, #tpu.memory_space<vmem>>, vector<16xi32>,
    %get3A_594 = arith.constant 320 : index
    %get3A_595 = tpu.vector_load %arg8[%get3A_594] {strides = array<i32>} : memref<512xi32, #tpu.memory_space<vmem>>, vector<16xi32>,
    %get3A_596 = vector.shape_cast %get3A_595 : vector<16xi32> to vector<16xi32>
    %shift_right_arithmetic3A_597 = arith.constant 9 : i32
    %shift_right_arithmetic3A_598 = vector.broadcast %shift_right_arithmetic3A_597 : i32 to vector<16xi32>
    %shift_right_arithmetic3A_599 = arith.shrsi %get3A_596, %shift_right_arithmetic3A_598 : vector<16xi32>
    %shift_left3A_600 = arith.constant 7 : i32
    %shift_left3A_601 = vector.broadcast %shift_left3A_600 : i32 to vector<16xi32>
    %shift_left3A_602 = arith.shli %shift_right_arithmetic3A_599, %shift_left3A_601 : vector<16xi32>
    %and3A_603 = arith.constant 127 : i32
    %and3A_604 = vector.broadcast %and3A_603 : i32 to vector<16xi32>
    %and3A_605 = arith.andi %get3A_596, %and3A_604 : vector<16xi32>
    %or3A_606 = arith.ori %shift_left3A_602, %and3A_605 : vector<16xi32>
    %sub3A_607 = arith.constant 999936 : i32
    %sub3A_608 = vector.broadcast %sub3A_607 : i32 to vector<16xi32>
    %sub3A_609 = arith.subi %get3A_596, %sub3A_608 : vector<16xi32>
    %and3A_610 = arith.constant 15 : i32
    %and3A_611 = vector.broadcast %and3A_610 : i32 to vector<16xi32>
    %and3A_612 = arith.andi %sub3A_609, %and3A_611 : vector<16xi32>
    %add3A_613 = arith.constant 249984 : i32
    %add3A_614 = vector.broadcast %add3A_613 : i32 to vector<16xi32>
    %add3A_615 = arith.addi %add3A_614, %and3A_612 : vector<16xi32>
    %lt3A_616 = arith.constant 999936 : i32
    %lt3A_617 = vector.broadcast %lt3A_616 : i32 to vector<16xi32>
    %lt3A_618 = arith.cmpi slt, %get3A_596, %lt3A_617 : vector<16xi32>
    %select_n3A_619 = arith.select %lt3A_618, %or3A_606, %add3A_615 : vector<16xi1>, vector<16xi32>
    %swap3A_620 = arith.constant 320 : index
    %swap3A_621 = tpu.vector_load %arg9[%swap3A_620] {strides = array<i32>} : memref<512xi32, #tpu.memory_space<vmem>>, vector<16xi32>,
    %swap3A_622 = vector.shape_cast %swap3A_621 : vector<16xi32> to vector<16xi32>
    %swap3A_623 = vector.shape_cast %select_n3A_619 : vector<16xi32> to vector<16xi32>
    tpu.vector_store %arg9[%swap3A_620], %swap3A_623 {strides = array<i32>} : memref<512xi32, #tpu.memory_space<vmem>>, vector<16xi32>,
    %get3A_624 = arith.constant 336 : index
    %get3A_625 = tpu.vector_load %arg8[%get3A_624] {strides = array<i32>} : memref<512xi32, #tpu.memory_space<vmem>>, vector<16xi32>,
    %get3A_626 = vector.shape_cast %get3A_625 : vector<16xi32> to vector<16xi32>
    %shift_right_arithmetic3A_627 = arith.constant 9 : i32
    %shift_right_arithmetic3A_628 = vector.broadcast %shift_right_arithmetic3A_627 : i32 to vector<16xi32>
    %shift_right_arithmetic3A_629 = arith.shrsi %get3A_626, %shift_right_arithmetic3A_628 : vector<16xi32>
    %shift_left3A_630 = arith.constant 7 : i32
    %shift_left3A_631 = vector.broadcast %shift_left3A_630 : i32 to vector<16xi32>
    %shift_left3A_632 = arith.shli %shift_right_arithmetic3A_629, %shift_left3A_631 : vector<16xi32>
    %and3A_633 = arith.constant 127 : i32
    %and3A_634 = vector.broadcast %and3A_633 : i32 to vector<16xi32>
    %and3A_635 = arith.andi %get3A_626, %and3A_634 : vector<16xi32>
    %or3A_636 = arith.ori %shift_left3A_632, %and3A_635 : vector<16xi32>
    %sub3A_637 = arith.constant 999936 : i32
    %sub3A_638 = vector.broadcast %sub3A_637 : i32 to vector<16xi32>
    %sub3A_639 = arith.subi %get3A_626, %sub3A_638 : vector<16xi32>
    %and3A_640 = arith.constant 15 : i32
    %and3A_641 = vector.broadcast %and3A_640 : i32 to vector<16xi32>
    %and3A_642 = arith.andi %sub3A_639, %and3A_641 : vector<16xi32>
    %add3A_643 = arith.constant 249984 : i32
    %add3A_644 = vector.broadcast %add3A_643 : i32 to vector<16xi32>
    %add3A_645 = arith.addi %add3A_644, %and3A_642 : vector<16xi32>
    %lt3A_646 = arith.constant 999936 : i32
    %lt3A_647 = vector.broadcast %lt3A_646 : i32 to vector<16xi32>
    %lt3A_648 = arith.cmpi slt, %get3A_626, %lt3A_647 : vector<16xi32>
    %select_n3A_649 = arith.select %lt3A_648, %or3A_636, %add3A_645 : vector<16xi1>, vector<16xi32>
    %swap3A_650 = arith.constant 336 : index
    %swap3A_651 = tpu.vector_load %arg9[%swap3A_650] {strides = array<i32>} : memref<512xi32, #tpu.memory_space<vmem>>, vector<16xi32>,
    %swap3A_652 = vector.shape_cast %swap3A_651 : vector<16xi32> to vector<16xi32>
    %swap3A_653 = vector.shape_cast %select_n3A_649 : vector<16xi32> to vector<16xi32>
    tpu.vector_store %arg9[%swap3A_650], %swap3A_653 {strides = array<i32>} : memref<512xi32, #tpu.memory_space<vmem>>, vector<16xi32>,
    %get3A_654 = arith.constant 352 : index
    %get3A_655 = tpu.vector_load %arg8[%get3A_654] {strides = array<i32>} : memref<512xi32, #tpu.memory_space<vmem>>, vector<16xi32>,
    %get3A_656 = vector.shape_cast %get3A_655 : vector<16xi32> to vector<16xi32>
    %shift_right_arithmetic3A_657 = arith.constant 9 : i32
    %shift_right_arithmetic3A_658 = vector.broadcast %shift_right_arithmetic3A_657 : i32 to vector<16xi32>
    %shift_right_arithmetic3A_659 = arith.shrsi %get3A_656, %shift_right_arithmetic3A_658 : vector<16xi32>
    %shift_left3A_660 = arith.constant 7 : i32
    %shift_left3A_661 = vector.broadcast %shift_left3A_660 : i32 to vector<16xi32>
    %shift_left3A_662 = arith.shli %shift_right_arithmetic3A_659, %shift_left3A_661 : vector<16xi32>
    %and3A_663 = arith.constant 127 : i32
    %and3A_664 = vector.broadcast %and3A_663 : i32 to vector<16xi32>
    %and3A_665 = arith.andi %get3A_656, %and3A_664 : vector<16xi32>
    %or3A_666 = arith.ori %shift_left3A_662, %and3A_665 : vector<16xi32>
    %sub3A_667 = arith.constant 999936 : i32
    %sub3A_668 = vector.broadcast %sub3A_667 : i32 to vector<16xi32>
    %sub3A_669 = arith.subi %get3A_656, %sub3A_668 : vector<16xi32>
    %and3A_670 = arith.constant 15 : i32
    %and3A_671 = vector.broadcast %and3A_670 : i32 to vector<16xi32>
    %and3A_672 = arith.andi %sub3A_669, %and3A_671 : vector<16xi32>
    %add3A_673 = arith.constant 249984 : i32
    %add3A_674 = vector.broadcast %add3A_673 : i32 to vector<16xi32>
    %add3A_675 = arith.addi %add3A_674, %and3A_672 : vector<16xi32>
    %lt3A_676 = arith.constant 999936 : i32
    %lt3A_677 = vector.broadcast %lt3A_676 : i32 to vector<16xi32>
    %lt3A_678 = arith.cmpi slt, %get3A_656, %lt3A_677 : vector<16xi32>
    %select_n3A_679 = arith.select %lt3A_678, %or3A_666, %add3A_675 : vector<16xi1>, vector<16xi32>
    %swap3A_680 = arith.constant 352 : index
    %swap3A_681 = tpu.vector_load %arg9[%swap3A_680] {strides = array<i32>} : memref<512xi32, #tpu.memory_space<vmem>>, vector<16xi32>,
    %swap3A_682 = vector.shape_cast %swap3A_681 : vector<16xi32> to vector<16xi32>
    %swap3A_683 = vector.shape_cast %select_n3A_679 : vector<16xi32> to vector<16xi32>
    tpu.vector_store %arg9[%swap3A_680], %swap3A_683 {strides = array<i32>} : memref<512xi32, #tpu.memory_space<vmem>>, vector<16xi32>,
    %get3A_684 = arith.constant 368 : index
    %get3A_685 = tpu.vector_load %arg8[%get3A_684] {strides = array<i32>} : memref<512xi32, #tpu.memory_space<vmem>>, vector<16xi32>,
    %get3A_686 = vector.shape_cast %get3A_685 : vector<16xi32> to vector<16xi32>
    %shift_right_arithmetic3A_687 = arith.constant 9 : i32
    %shift_right_arithmetic3A_688 = vector.broadcast %shift_right_arithmetic3A_687 : i32 to vector<16xi32>
    %shift_right_arithmetic3A_689 = arith.shrsi %get3A_686, %shift_right_arithmetic3A_688 : vector<16xi32>
    %shift_left3A_690 = arith.constant 7 : i32
    %shift_left3A_691 = vector.broadcast %shift_left3A_690 : i32 to vector<16xi32>
    %shift_left3A_692 = arith.shli %shift_right_arithmetic3A_689, %shift_left3A_691 : vector<16xi32>
    %and3A_693 = arith.constant 127 : i32
    %and3A_694 = vector.broadcast %and3A_693 : i32 to vector<16xi32>
    %and3A_695 = arith.andi %get3A_686, %and3A_694 : vector<16xi32>
    %or3A_696 = arith.ori %shift_left3A_692, %and3A_695 : vector<16xi32>
    %sub3A_697 = arith.constant 999936 : i32
    %sub3A_698 = vector.broadcast %sub3A_697 : i32 to vector<16xi32>
    %sub3A_699 = arith.subi %get3A_686, %sub3A_698 : vector<16xi32>
    %and3A_700 = arith.constant 15 : i32
    %and3A_701 = vector.broadcast %and3A_700 : i32 to vector<16xi32>
    %and3A_702 = arith.andi %sub3A_699, %and3A_701 : vector<16xi32>
    %add3A_703 = arith.constant 249984 : i32
    %add3A_704 = vector.broadcast %add3A_703 : i32 to vector<16xi32>
    %add3A_705 = arith.addi %add3A_704, %and3A_702 : vector<16xi32>
    %lt3A_706 = arith.constant 999936 : i32
    %lt3A_707 = vector.broadcast %lt3A_706 : i32 to vector<16xi32>
    %lt3A_708 = arith.cmpi slt, %get3A_686, %lt3A_707 : vector<16xi32>
    %select_n3A_709 = arith.select %lt3A_708, %or3A_696, %add3A_705 : vector<16xi1>, vector<16xi32>
    %swap3A_710 = arith.constant 368 : index
    %swap3A_711 = tpu.vector_load %arg9[%swap3A_710] {strides = array<i32>} : memref<512xi32, #tpu.memory_space<vmem>>, vector<16xi32>,
    %swap3A_712 = vector.shape_cast %swap3A_711 : vector<16xi32> to vector<16xi32>
    %swap3A_713 = vector.shape_cast %select_n3A_709 : vector<16xi32> to vector<16xi32>
    tpu.vector_store %arg9[%swap3A_710], %swap3A_713 {strides = array<i32>} : memref<512xi32, #tpu.memory_space<vmem>>, vector<16xi32>,
    %get3A_714 = arith.constant 384 : index
    %get3A_715 = tpu.vector_load %arg8[%get3A_714] {strides = array<i32>} : memref<512xi32, #tpu.memory_space<vmem>>, vector<16xi32>,
    %get3A_716 = vector.shape_cast %get3A_715 : vector<16xi32> to vector<16xi32>
    %shift_right_arithmetic3A_717 = arith.constant 9 : i32
    %shift_right_arithmetic3A_718 = vector.broadcast %shift_right_arithmetic3A_717 : i32 to vector<16xi32>
    %shift_right_arithmetic3A_719 = arith.shrsi %get3A_716, %shift_right_arithmetic3A_718 : vector<16xi32>
    %shift_left3A_720 = arith.constant 7 : i32
    %shift_left3A_721 = vector.broadcast %shift_left3A_720 : i32 to vector<16xi32>
    %shift_left3A_722 = arith.shli %shift_right_arithmetic3A_719, %shift_left3A_721 : vector<16xi32>
    %and3A_723 = arith.constant 127 : i32
    %and3A_724 = vector.broadcast %and3A_723 : i32 to vector<16xi32>
    %and3A_725 = arith.andi %get3A_716, %and3A_724 : vector<16xi32>
    %or3A_726 = arith.ori %shift_left3A_722, %and3A_725 : vector<16xi32>
    %sub3A_727 = arith.constant 999936 : i32
    %sub3A_728 = vector.broadcast %sub3A_727 : i32 to vector<16xi32>
    %sub3A_729 = arith.subi %get3A_716, %sub3A_728 : vector<16xi32>
    %and3A_730 = arith.constant 15 : i32
    %and3A_731 = vector.broadcast %and3A_730 : i32 to vector<16xi32>
    %and3A_732 = arith.andi %sub3A_729, %and3A_731 : vector<16xi32>
    %add3A_733 = arith.constant 249984 : i32
    %add3A_734 = vector.broadcast %add3A_733 : i32 to vector<16xi32>
    %add3A_735 = arith.addi %add3A_734, %and3A_732 : vector<16xi32>
    %lt3A_736 = arith.constant 999936 : i32
    %lt3A_737 = vector.broadcast %lt3A_736 : i32 to vector<16xi32>
    %lt3A_738 = arith.cmpi slt, %get3A_716, %lt3A_737 : vector<16xi32>
    %select_n3A_739 = arith.select %lt3A_738, %or3A_726, %add3A_735 : vector<16xi1>, vector<16xi32>
    %swap3A_740 = arith.constant 384 : index
    %swap3A_741 = tpu.vector_load %arg9[%swap3A_740] {strides = array<i32>} : memref<512xi32, #tpu.memory_space<vmem>>, vector<16xi32>,
    %swap3A_742 = vector.shape_cast %swap3A_741 : vector<16xi32> to vector<16xi32>
    %swap3A_743 = vector.shape_cast %select_n3A_739 : vector<16xi32> to vector<16xi32>
    tpu.vector_store %arg9[%swap3A_740], %swap3A_743 {strides = array<i32>} : memref<512xi32, #tpu.memory_space<vmem>>, vector<16xi32>,
    %get3A_744 = arith.constant 400 : index
    %get3A_745 = tpu.vector_load %arg8[%get3A_744] {strides = array<i32>} : memref<512xi32, #tpu.memory_space<vmem>>, vector<16xi32>,
    %get3A_746 = vector.shape_cast %get3A_745 : vector<16xi32> to vector<16xi32>
    %shift_right_arithmetic3A_747 = arith.constant 9 : i32
    %shift_right_arithmetic3A_748 = vector.broadcast %shift_right_arithmetic3A_747 : i32 to vector<16xi32>
    %shift_right_arithmetic3A_749 = arith.shrsi %get3A_746, %shift_right_arithmetic3A_748 : vector<16xi32>
    %shift_left3A_750 = arith.constant 7 : i32
    %shift_left3A_751 = vector.broadcast %shift_left3A_750 : i32 to vector<16xi32>
    %shift_left3A_752 = arith.shli %shift_right_arithmetic3A_749, %shift_left3A_751 : vector<16xi32>
    %and3A_753 = arith.constant 127 : i32
    %and3A_754 = vector.broadcast %and3A_753 : i32 to vector<16xi32>
    %and3A_755 = arith.andi %get3A_746, %and3A_754 : vector<16xi32>
    %or3A_756 = arith.ori %shift_left3A_752, %and3A_755 : vector<16xi32>
    %sub3A_757 = arith.constant 999936 : i32
    %sub3A_758 = vector.broadcast %sub3A_757 : i32 to vector<16xi32>
    %sub3A_759 = arith.subi %get3A_746, %sub3A_758 : vector<16xi32>
    %and3A_760 = arith.constant 15 : i32
    %and3A_761 = vector.broadcast %and3A_760 : i32 to vector<16xi32>
    %and3A_762 = arith.andi %sub3A_759, %and3A_761 : vector<16xi32>
    %add3A_763 = arith.constant 249984 : i32
    %add3A_764 = vector.broadcast %add3A_763 : i32 to vector<16xi32>
    %add3A_765 = arith.addi %add3A_764, %and3A_762 : vector<16xi32>
    %lt3A_766 = arith.constant 999936 : i32
    %lt3A_767 = vector.broadcast %lt3A_766 : i32 to vector<16xi32>
    %lt3A_768 = arith.cmpi slt, %get3A_746, %lt3A_767 : vector<16xi32>
    %select_n3A_769 = arith.select %lt3A_768, %or3A_756, %add3A_765 : vector<16xi1>, vector<16xi32>
    %swap3A_770 = arith.constant 400 : index
    %swap3A_771 = tpu.vector_load %arg9[%swap3A_770] {strides = array<i32>} : memref<512xi32, #tpu.memory_space<vmem>>, vector<16xi32>,
    %swap3A_772 = vector.shape_cast %swap3A_771 : vector<16xi32> to vector<16xi32>
    %swap3A_773 = vector.shape_cast %select_n3A_769 : vector<16xi32> to vector<16xi32>
    tpu.vector_store %arg9[%swap3A_770], %swap3A_773 {strides = array<i32>} : memref<512xi32, #tpu.memory_space<vmem>>, vector<16xi32>,
    %get3A_774 = arith.constant 416 : index
    %get3A_775 = tpu.vector_load %arg8[%get3A_774] {strides = array<i32>} : memref<512xi32, #tpu.memory_space<vmem>>, vector<16xi32>,
    %get3A_776 = vector.shape_cast %get3A_775 : vector<16xi32> to vector<16xi32>
    %shift_right_arithmetic3A_777 = arith.constant 9 : i32
    %shift_right_arithmetic3A_778 = vector.broadcast %shift_right_arithmetic3A_777 : i32 to vector<16xi32>
    %shift_right_arithmetic3A_779 = arith.shrsi %get3A_776, %shift_right_arithmetic3A_778 : vector<16xi32>
    %shift_left3A_780 = arith.constant 7 : i32
    %shift_left3A_781 = vector.broadcast %shift_left3A_780 : i32 to vector<16xi32>
    %shift_left3A_782 = arith.shli %shift_right_arithmetic3A_779, %shift_left3A_781 : vector<16xi32>
    %and3A_783 = arith.constant 127 : i32
    %and3A_784 = vector.broadcast %and3A_783 : i32 to vector<16xi32>
    %and3A_785 = arith.andi %get3A_776, %and3A_784 : vector<16xi32>
    %or3A_786 = arith.ori %shift_left3A_782, %and3A_785 : vector<16xi32>
    %sub3A_787 = arith.constant 999936 : i32
    %sub3A_788 = vector.broadcast %sub3A_787 : i32 to vector<16xi32>
    %sub3A_789 = arith.subi %get3A_776, %sub3A_788 : vector<16xi32>
    %and3A_790 = arith.constant 15 : i32
    %and3A_791 = vector.broadcast %and3A_790 : i32 to vector<16xi32>
    %and3A_792 = arith.andi %sub3A_789, %and3A_791 : vector<16xi32>
    %add3A_793 = arith.constant 249984 : i32
    %add3A_794 = vector.broadcast %add3A_793 : i32 to vector<16xi32>
    %add3A_795 = arith.addi %add3A_794, %and3A_792 : vector<16xi32>
    %lt3A_796 = arith.constant 999936 : i32
    %lt3A_797 = vector.broadcast %lt3A_796 : i32 to vector<16xi32>
    %lt3A_798 = arith.cmpi slt, %get3A_776, %lt3A_797 : vector<16xi32>
    %select_n3A_799 = arith.select %lt3A_798, %or3A_786, %add3A_795 : vector<16xi1>, vector<16xi32>
    %swap3A_800 = arith.constant 416 : index
    %swap3A_801 = tpu.vector_load %arg9[%swap3A_800] {strides = array<i32>} : memref<512xi32, #tpu.memory_space<vmem>>, vector<16xi32>,
    %swap3A_802 = vector.shape_cast %swap3A_801 : vector<16xi32> to vector<16xi32>
    %swap3A_803 = vector.shape_cast %select_n3A_799 : vector<16xi32> to vector<16xi32>
    tpu.vector_store %arg9[%swap3A_800], %swap3A_803 {strides = array<i32>} : memref<512xi32, #tpu.memory_space<vmem>>, vector<16xi32>,
    %get3A_804 = arith.constant 432 : index
    %get3A_805 = tpu.vector_load %arg8[%get3A_804] {strides = array<i32>} : memref<512xi32, #tpu.memory_space<vmem>>, vector<16xi32>,
    %get3A_806 = vector.shape_cast %get3A_805 : vector<16xi32> to vector<16xi32>
    %shift_right_arithmetic3A_807 = arith.constant 9 : i32
    %shift_right_arithmetic3A_808 = vector.broadcast %shift_right_arithmetic3A_807 : i32 to vector<16xi32>
    %shift_right_arithmetic3A_809 = arith.shrsi %get3A_806, %shift_right_arithmetic3A_808 : vector<16xi32>
    %shift_left3A_810 = arith.constant 7 : i32
    %shift_left3A_811 = vector.broadcast %shift_left3A_810 : i32 to vector<16xi32>
    %shift_left3A_812 = arith.shli %shift_right_arithmetic3A_809, %shift_left3A_811 : vector<16xi32>
    %and3A_813 = arith.constant 127 : i32
    %and3A_814 = vector.broadcast %and3A_813 : i32 to vector<16xi32>
    %and3A_815 = arith.andi %get3A_806, %and3A_814 : vector<16xi32>
    %or3A_816 = arith.ori %shift_left3A_812, %and3A_815 : vector<16xi32>
    %sub3A_817 = arith.constant 999936 : i32
    %sub3A_818 = vector.broadcast %sub3A_817 : i32 to vector<16xi32>
    %sub3A_819 = arith.subi %get3A_806, %sub3A_818 : vector<16xi32>
    %and3A_820 = arith.constant 15 : i32
    %and3A_821 = vector.broadcast %and3A_820 : i32 to vector<16xi32>
    %and3A_822 = arith.andi %sub3A_819, %and3A_821 : vector<16xi32>
    %add3A_823 = arith.constant 249984 : i32
    %add3A_824 = vector.broadcast %add3A_823 : i32 to vector<16xi32>
    %add3A_825 = arith.addi %add3A_824, %and3A_822 : vector<16xi32>
    %lt3A_826 = arith.constant 999936 : i32
    %lt3A_827 = vector.broadcast %lt3A_826 : i32 to vector<16xi32>
    %lt3A_828 = arith.cmpi slt, %get3A_806, %lt3A_827 : vector<16xi32>
    %select_n3A_829 = arith.select %lt3A_828, %or3A_816, %add3A_825 : vector<16xi1>, vector<16xi32>
    %swap3A_830 = arith.constant 432 : index
    %swap3A_831 = tpu.vector_load %arg9[%swap3A_830] {strides = array<i32>} : memref<512xi32, #tpu.memory_space<vmem>>, vector<16xi32>,
    %swap3A_832 = vector.shape_cast %swap3A_831 : vector<16xi32> to vector<16xi32>
    %swap3A_833 = vector.shape_cast %select_n3A_829 : vector<16xi32> to vector<16xi32>
    tpu.vector_store %arg9[%swap3A_830], %swap3A_833 {strides = array<i32>} : memref<512xi32, #tpu.memory_space<vmem>>, vector<16xi32>,
    %get3A_834 = arith.constant 448 : index
    %get3A_835 = tpu.vector_load %arg8[%get3A_834] {strides = array<i32>} : memref<512xi32, #tpu.memory_space<vmem>>, vector<16xi32>,
    %get3A_836 = vector.shape_cast %get3A_835 : vector<16xi32> to vector<16xi32>
    %shift_right_arithmetic3A_837 = arith.constant 9 : i32
    %shift_right_arithmetic3A_838 = vector.broadcast %shift_right_arithmetic3A_837 : i32 to vector<16xi32>
    %shift_right_arithmetic3A_839 = arith.shrsi %get3A_836, %shift_right_arithmetic3A_838 : vector<16xi32>
    %shift_left3A_840 = arith.constant 7 : i32
    %shift_left3A_841 = vector.broadcast %shift_left3A_840 : i32 to vector<16xi32>
    %shift_left3A_842 = arith.shli %shift_right_arithmetic3A_839, %shift_left3A_841 : vector<16xi32>
    %and3A_843 = arith.constant 127 : i32
    %and3A_844 = vector.broadcast %and3A_843 : i32 to vector<16xi32>
    %and3A_845 = arith.andi %get3A_836, %and3A_844 : vector<16xi32>
    %or3A_846 = arith.ori %shift_left3A_842, %and3A_845 : vector<16xi32>
    %sub3A_847 = arith.constant 999936 : i32
    %sub3A_848 = vector.broadcast %sub3A_847 : i32 to vector<16xi32>
    %sub3A_849 = arith.subi %get3A_836, %sub3A_848 : vector<16xi32>
    %and3A_850 = arith.constant 15 : i32
    %and3A_851 = vector.broadcast %and3A_850 : i32 to vector<16xi32>
    %and3A_852 = arith.andi %sub3A_849, %and3A_851 : vector<16xi32>
    %add3A_853 = arith.constant 249984 : i32
    %add3A_854 = vector.broadcast %add3A_853 : i32 to vector<16xi32>
    %add3A_855 = arith.addi %add3A_854, %and3A_852 : vector<16xi32>
    %lt3A_856 = arith.constant 999936 : i32
    %lt3A_857 = vector.broadcast %lt3A_856 : i32 to vector<16xi32>
    %lt3A_858 = arith.cmpi slt, %get3A_836, %lt3A_857 : vector<16xi32>
    %select_n3A_859 = arith.select %lt3A_858, %or3A_846, %add3A_855 : vector<16xi1>, vector<16xi32>
    %swap3A_860 = arith.constant 448 : index
    %swap3A_861 = tpu.vector_load %arg9[%swap3A_860] {strides = array<i32>} : memref<512xi32, #tpu.memory_space<vmem>>, vector<16xi32>,
    %swap3A_862 = vector.shape_cast %swap3A_861 : vector<16xi32> to vector<16xi32>
    %swap3A_863 = vector.shape_cast %select_n3A_859 : vector<16xi32> to vector<16xi32>
    tpu.vector_store %arg9[%swap3A_860], %swap3A_863 {strides = array<i32>} : memref<512xi32, #tpu.memory_space<vmem>>, vector<16xi32>,
    %get3A_864 = arith.constant 464 : index
    %get3A_865 = tpu.vector_load %arg8[%get3A_864] {strides = array<i32>} : memref<512xi32, #tpu.memory_space<vmem>>, vector<16xi32>,
    %get3A_866 = vector.shape_cast %get3A_865 : vector<16xi32> to vector<16xi32>
    %shift_right_arithmetic3A_867 = arith.constant 9 : i32
    %shift_right_arithmetic3A_868 = vector.broadcast %shift_right_arithmetic3A_867 : i32 to vector<16xi32>
    %shift_right_arithmetic3A_869 = arith.shrsi %get3A_866, %shift_right_arithmetic3A_868 : vector<16xi32>
    %shift_left3A_870 = arith.constant 7 : i32
    %shift_left3A_871 = vector.broadcast %shift_left3A_870 : i32 to vector<16xi32>
    %shift_left3A_872 = arith.shli %shift_right_arithmetic3A_869, %shift_left3A_871 : vector<16xi32>
    %and3A_873 = arith.constant 127 : i32
    %and3A_874 = vector.broadcast %and3A_873 : i32 to vector<16xi32>
    %and3A_875 = arith.andi %get3A_866, %and3A_874 : vector<16xi32>
    %or3A_876 = arith.ori %shift_left3A_872, %and3A_875 : vector<16xi32>
    %sub3A_877 = arith.constant 999936 : i32
    %sub3A_878 = vector.broadcast %sub3A_877 : i32 to vector<16xi32>
    %sub3A_879 = arith.subi %get3A_866, %sub3A_878 : vector<16xi32>
    %and3A_880 = arith.constant 15 : i32
    %and3A_881 = vector.broadcast %and3A_880 : i32 to vector<16xi32>
    %and3A_882 = arith.andi %sub3A_879, %and3A_881 : vector<16xi32>
    %add3A_883 = arith.constant 249984 : i32
    %add3A_884 = vector.broadcast %add3A_883 : i32 to vector<16xi32>
    %add3A_885 = arith.addi %add3A_884, %and3A_882 : vector<16xi32>
    %lt3A_886 = arith.constant 999936 : i32
    %lt3A_887 = vector.broadcast %lt3A_886 : i32 to vector<16xi32>
    %lt3A_888 = arith.cmpi slt, %get3A_866, %lt3A_887 : vector<16xi32>
    %select_n3A_889 = arith.select %lt3A_888, %or3A_876, %add3A_885 : vector<16xi1>, vector<16xi32>
    %swap3A_890 = arith.constant 464 : index
    %swap3A_891 = tpu.vector_load %arg9[%swap3A_890] {strides = array<i32>} : memref<512xi32, #tpu.memory_space<vmem>>, vector<16xi32>,
    %swap3A_892 = vector.shape_cast %swap3A_891 : vector<16xi32> to vector<16xi32>
    %swap3A_893 = vector.shape_cast %select_n3A_889 : vector<16xi32> to vector<16xi32>
    tpu.vector_store %arg9[%swap3A_890], %swap3A_893 {strides = array<i32>} : memref<512xi32, #tpu.memory_space<vmem>>, vector<16xi32>,
    %get3A_894 = arith.constant 480 : index
    %get3A_895 = tpu.vector_load %arg8[%get3A_894] {strides = array<i32>} : memref<512xi32, #tpu.memory_space<vmem>>, vector<16xi32>,
    %get3A_896 = vector.shape_cast %get3A_895 : vector<16xi32> to vector<16xi32>
    %shift_right_arithmetic3A_897 = arith.constant 9 : i32
    %shift_right_arithmetic3A_898 = vector.broadcast %shift_right_arithmetic3A_897 : i32 to vector<16xi32>
    %shift_right_arithmetic3A_899 = arith.shrsi %get3A_896, %shift_right_arithmetic3A_898 : vector<16xi32>
    %shift_left3A_900 = arith.constant 7 : i32
    %shift_left3A_901 = vector.broadcast %shift_left3A_900 : i32 to vector<16xi32>
    %shift_left3A_902 = arith.shli %shift_right_arithmetic3A_899, %shift_left3A_901 : vector<16xi32>
    %and3A_903 = arith.constant 127 : i32
    %and3A_904 = vector.broadcast %and3A_903 : i32 to vector<16xi32>
    %and3A_905 = arith.andi %get3A_896, %and3A_904 : vector<16xi32>
    %or3A_906 = arith.ori %shift_left3A_902, %and3A_905 : vector<16xi32>
    %sub3A_907 = arith.constant 999936 : i32
    %sub3A_908 = vector.broadcast %sub3A_907 : i32 to vector<16xi32>
    %sub3A_909 = arith.subi %get3A_896, %sub3A_908 : vector<16xi32>
    %and3A_910 = arith.constant 15 : i32
    %and3A_911 = vector.broadcast %and3A_910 : i32 to vector<16xi32>
    %and3A_912 = arith.andi %sub3A_909, %and3A_911 : vector<16xi32>
    %add3A_913 = arith.constant 249984 : i32
    %add3A_914 = vector.broadcast %add3A_913 : i32 to vector<16xi32>
    %add3A_915 = arith.addi %add3A_914, %and3A_912 : vector<16xi32>
    %lt3A_916 = arith.constant 999936 : i32
    %lt3A_917 = vector.broadcast %lt3A_916 : i32 to vector<16xi32>
    %lt3A_918 = arith.cmpi slt, %get3A_896, %lt3A_917 : vector<16xi32>
    %select_n3A_919 = arith.select %lt3A_918, %or3A_906, %add3A_915 : vector<16xi1>, vector<16xi32>
    %swap3A_920 = arith.constant 480 : index
    %swap3A_921 = tpu.vector_load %arg9[%swap3A_920] {strides = array<i32>} : memref<512xi32, #tpu.memory_space<vmem>>, vector<16xi32>,
    %swap3A_922 = vector.shape_cast %swap3A_921 : vector<16xi32> to vector<16xi32>
    %swap3A_923 = vector.shape_cast %select_n3A_919 : vector<16xi32> to vector<16xi32>
    tpu.vector_store %arg9[%swap3A_920], %swap3A_923 {strides = array<i32>} : memref<512xi32, #tpu.memory_space<vmem>>, vector<16xi32>,
    %get3A_924 = arith.constant 496 : index
    %get3A_925 = tpu.vector_load %arg8[%get3A_924] {strides = array<i32>} : memref<512xi32, #tpu.memory_space<vmem>>, vector<16xi32>,
    %get3A_926 = vector.shape_cast %get3A_925 : vector<16xi32> to vector<16xi32>
    %shift_right_arithmetic3A_927 = arith.constant 9 : i32
    %shift_right_arithmetic3A_928 = vector.broadcast %shift_right_arithmetic3A_927 : i32 to vector<16xi32>
    %shift_right_arithmetic3A_929 = arith.shrsi %get3A_926, %shift_right_arithmetic3A_928 : vector<16xi32>
    %shift_left3A_930 = arith.constant 7 : i32
    %shift_left3A_931 = vector.broadcast %shift_left3A_930 : i32 to vector<16xi32>
    %shift_left3A_932 = arith.shli %shift_right_arithmetic3A_929, %shift_left3A_931 : vector<16xi32>
    %and3A_933 = arith.constant 127 : i32
    %and3A_934 = vector.broadcast %and3A_933 : i32 to vector<16xi32>
    %and3A_935 = arith.andi %get3A_926, %and3A_934 : vector<16xi32>
    %or3A_936 = arith.ori %shift_left3A_932, %and3A_935 : vector<16xi32>
    %sub3A_937 = arith.constant 999936 : i32
    %sub3A_938 = vector.broadcast %sub3A_937 : i32 to vector<16xi32>
    %sub3A_939 = arith.subi %get3A_926, %sub3A_938 : vector<16xi32>
    %and3A_940 = arith.constant 15 : i32
    %and3A_941 = vector.broadcast %and3A_940 : i32 to vector<16xi32>
    %and3A_942 = arith.andi %sub3A_939, %and3A_941 : vector<16xi32>
    %add3A_943 = arith.constant 249984 : i32
    %add3A_944 = vector.broadcast %add3A_943 : i32 to vector<16xi32>
    %add3A_945 = arith.addi %add3A_944, %and3A_942 : vector<16xi32>
    %lt3A_946 = arith.constant 999936 : i32
    %lt3A_947 = vector.broadcast %lt3A_946 : i32 to vector<16xi32>
    %lt3A_948 = arith.cmpi slt, %get3A_926, %lt3A_947 : vector<16xi32>
    %select_n3A_949 = arith.select %lt3A_948, %or3A_936, %add3A_945 : vector<16xi1>, vector<16xi32>
    %swap3A_950 = arith.constant 496 : index
    %swap3A_951 = tpu.vector_load %arg9[%swap3A_950] {strides = array<i32>} : memref<512xi32, #tpu.memory_space<vmem>>, vector<16xi32>,
    %swap3A_952 = vector.shape_cast %swap3A_951 : vector<16xi32> to vector<16xi32>
    %swap3A_953 = vector.shape_cast %select_n3A_949 : vector<16xi32> to vector<16xi32>
    tpu.vector_store %arg9[%swap3A_950], %swap3A_953 {strides = array<i32>} : memref<512xi32, #tpu.memory_space<vmem>>, vector<16xi32>,
    %dma_start3A = arith.constant 0 : i32
    %dma_start3A_954 = arith.constant 0 : i32
    %dma_start3A_955 = tpu.memref_slice %arg10[%dma_start3A, %dma_start3A_954] : memref<512x128xf32, #tpu.memory_space<vmem>> -> memref<128x128xf32, #tpu.memory_space<vmem>>
    %dma_start3A_956 = arith.constant 0 : i32
    %dma_start3A_957 = tpu.memref_slice %arg9[%dma_start3A_956] : memref<512xi32, #tpu.memory_space<vmem>> -> memref<128xi32, #tpu.memory_space<vmem>>
    %dma_start3A_958 = arith.constant 0 : i32
    %dma_start3A_959 = arith.constant 0 : i32
    %dma_start3A_960 = tpu.memref_slice %arg4[%dma_start3A_958, %dma_start3A_959] : memref<250000x128xf32, #tpu.memory_space<hbm>> -> memref<250000x128xf32, #tpu.memory_space<hbm>>
    tpu.enqueue_indirect_dma source(%dma_start3A_960 : memref<250000x128xf32, #tpu.memory_space<hbm>>) target(%dma_start3A_955 : memref<128x128xf32, #tpu.memory_space<vmem>>) offsets(%dma_start3A_957 : memref<128xi32, #tpu.memory_space<vmem>>) semaphore(%arg11 : memref<!tpu.dma_semaphore, #tpu.memory_space<semaphore_mem>>)
    %dma_start3A_961 = arith.constant 128 : i32
    %dma_start3A_962 = arith.constant 0 : i32
    %dma_start3A_963 = tpu.memref_slice %arg10[%dma_start3A_961, %dma_start3A_962] : memref<512x128xf32, #tpu.memory_space<vmem>> -> memref<128x128xf32, #tpu.memory_space<vmem>>
    %dma_start3A_964 = arith.constant 128 : i32
    %dma_start3A_965 = tpu.memref_slice %arg9[%dma_start3A_964] : memref<512xi32, #tpu.memory_space<vmem>> -> memref<128xi32, #tpu.memory_space<vmem>>
    %dma_start3A_966 = arith.constant 0 : i32
    %dma_start3A_967 = arith.constant 0 : i32
    %dma_start3A_968 = tpu.memref_slice %arg4[%dma_start3A_966, %dma_start3A_967] : memref<250000x128xf32, #tpu.memory_space<hbm>> -> memref<250000x128xf32, #tpu.memory_space<hbm>>
    tpu.enqueue_indirect_dma source(%dma_start3A_968 : memref<250000x128xf32, #tpu.memory_space<hbm>>) target(%dma_start3A_963 : memref<128x128xf32, #tpu.memory_space<vmem>>) offsets(%dma_start3A_965 : memref<128xi32, #tpu.memory_space<vmem>>) semaphore(%arg11 : memref<!tpu.dma_semaphore, #tpu.memory_space<semaphore_mem>>)
    %dma_start3A_969 = arith.constant 256 : i32
    %dma_start3A_970 = arith.constant 0 : i32
    %dma_start3A_971 = tpu.memref_slice %arg10[%dma_start3A_969, %dma_start3A_970] : memref<512x128xf32, #tpu.memory_space<vmem>> -> memref<128x128xf32, #tpu.memory_space<vmem>>
    %dma_start3A_972 = arith.constant 256 : i32
    %dma_start3A_973 = tpu.memref_slice %arg9[%dma_start3A_972] : memref<512xi32, #tpu.memory_space<vmem>> -> memref<128xi32, #tpu.memory_space<vmem>>
    %dma_start3A_974 = arith.constant 0 : i32
    %dma_start3A_975 = arith.constant 0 : i32
    %dma_start3A_976 = tpu.memref_slice %arg4[%dma_start3A_974, %dma_start3A_975] : memref<250000x128xf32, #tpu.memory_space<hbm>> -> memref<250000x128xf32, #tpu.memory_space<hbm>>
    tpu.enqueue_indirect_dma source(%dma_start3A_976 : memref<250000x128xf32, #tpu.memory_space<hbm>>) target(%dma_start3A_971 : memref<128x128xf32, #tpu.memory_space<vmem>>) offsets(%dma_start3A_973 : memref<128xi32, #tpu.memory_space<vmem>>) semaphore(%arg11 : memref<!tpu.dma_semaphore, #tpu.memory_space<semaphore_mem>>)
    %dma_start3A_977 = arith.constant 384 : i32
    %dma_start3A_978 = arith.constant 0 : i32
    %dma_start3A_979 = tpu.memref_slice %arg10[%dma_start3A_977, %dma_start3A_978] : memref<512x128xf32, #tpu.memory_space<vmem>> -> memref<128x128xf32, #tpu.memory_space<vmem>>
    %dma_start3A_980 = arith.constant 384 : i32
    %dma_start3A_981 = tpu.memref_slice %arg9[%dma_start3A_980] : memref<512xi32, #tpu.memory_space<vmem>> -> memref<128xi32, #tpu.memory_space<vmem>>
    %dma_start3A_982 = arith.constant 0 : i32
    %dma_start3A_983 = arith.constant 0 : i32
    %dma_start3A_984 = tpu.memref_slice %arg4[%dma_start3A_982, %dma_start3A_983] : memref<250000x128xf32, #tpu.memory_space<hbm>> -> memref<250000x128xf32, #tpu.memory_space<hbm>>
    tpu.enqueue_indirect_dma source(%dma_start3A_984 : memref<250000x128xf32, #tpu.memory_space<hbm>>) target(%dma_start3A_979 : memref<128x128xf32, #tpu.memory_space<vmem>>) offsets(%dma_start3A_981 : memref<128xi32, #tpu.memory_space<vmem>>) semaphore(%arg11 : memref<!tpu.dma_semaphore, #tpu.memory_space<semaphore_mem>>)
    %dma_wait3A = arith.constant 0 : i32
    %dma_wait3A_985 = arith.constant 0 : i32
    %dma_wait3A_986 = tpu.memref_slice %arg10[%dma_wait3A, %dma_wait3A_985] : memref<512x128xf32, #tpu.memory_space<vmem>> -> memref<128x128xf32, #tpu.memory_space<vmem>>
    %dma_wait3A_987 = arith.constant 0 : i32
    %dma_wait3A_988 = tpu.memref_slice %arg9[%dma_wait3A_987] : memref<512xi32, #tpu.memory_space<vmem>> -> memref<128xi32, #tpu.memory_space<vmem>>
    %dma_wait3A_989 = arith.constant 0 : i32
    %dma_wait3A_990 = arith.constant 0 : i32
    %dma_wait3A_991 = tpu.memref_slice %arg4[%dma_wait3A_989, %dma_wait3A_990] : memref<250000x128xf32, #tpu.memory_space<hbm>> -> memref<250000x128xf32, #tpu.memory_space<hbm>>
    tpu.wait_indirect_dma semaphore(%arg11 : memref<!tpu.dma_semaphore, #tpu.memory_space<semaphore_mem>>) src(%dma_wait3A_991 : memref<250000x128xf32, #tpu.memory_space<hbm>>) dst(%dma_wait3A_986 : memref<128x128xf32, #tpu.memory_space<vmem>>)
    %dma_wait3A_992 = arith.constant 128 : i32
    %dma_wait3A_993 = arith.constant 0 : i32
    %dma_wait3A_994 = tpu.memref_slice %arg10[%dma_wait3A_992, %dma_wait3A_993] : memref<512x128xf32, #tpu.memory_space<vmem>> -> memref<128x128xf32, #tpu.memory_space<vmem>>
    %dma_wait3A_995 = arith.constant 128 : i32
    %dma_wait3A_996 = tpu.memref_slice %arg9[%dma_wait3A_995] : memref<512xi32, #tpu.memory_space<vmem>> -> memref<128xi32, #tpu.memory_space<vmem>>
    %dma_wait3A_997 = arith.constant 0 : i32
    %dma_wait3A_998 = arith.constant 0 : i32
    %dma_wait3A_999 = tpu.memref_slice %arg4[%dma_wait3A_997, %dma_wait3A_998] : memref<250000x128xf32, #tpu.memory_space<hbm>> -> memref<250000x128xf32, #tpu.memory_space<hbm>>
    tpu.wait_indirect_dma semaphore(%arg11 : memref<!tpu.dma_semaphore, #tpu.memory_space<semaphore_mem>>) src(%dma_wait3A_999 : memref<250000x128xf32, #tpu.memory_space<hbm>>) dst(%dma_wait3A_994 : memref<128x128xf32, #tpu.memory_space<vmem>>)
    %dma_wait3A_1000 = arith.constant 256 : i32
    %dma_wait3A_1001 = arith.constant 0 : i32
    %dma_wait3A_1002 = tpu.memref_slice %arg10[%dma_wait3A_1000, %dma_wait3A_1001] : memref<512x128xf32, #tpu.memory_space<vmem>> -> memref<128x128xf32, #tpu.memory_space<vmem>>
    %dma_wait3A_1003 = arith.constant 256 : i32
    %dma_wait3A_1004 = tpu.memref_slice %arg9[%dma_wait3A_1003] : memref<512xi32, #tpu.memory_space<vmem>> -> memref<128xi32, #tpu.memory_space<vmem>>
    %dma_wait3A_1005 = arith.constant 0 : i32
    %dma_wait3A_1006 = arith.constant 0 : i32
    %dma_wait3A_1007 = tpu.memref_slice %arg4[%dma_wait3A_1005, %dma_wait3A_1006] : memref<250000x128xf32, #tpu.memory_space<hbm>> -> memref<250000x128xf32, #tpu.memory_space<hbm>>
    tpu.wait_indirect_dma semaphore(%arg11 : memref<!tpu.dma_semaphore, #tpu.memory_space<semaphore_mem>>) src(%dma_wait3A_1007 : memref<250000x128xf32, #tpu.memory_space<hbm>>) dst(%dma_wait3A_1002 : memref<128x128xf32, #tpu.memory_space<vmem>>)
    %dma_wait3A_1008 = arith.constant 384 : i32
    %dma_wait3A_1009 = arith.constant 0 : i32
    %dma_wait3A_1010 = tpu.memref_slice %arg10[%dma_wait3A_1008, %dma_wait3A_1009] : memref<512x128xf32, #tpu.memory_space<vmem>> -> memref<128x128xf32, #tpu.memory_space<vmem>>
    %dma_wait3A_1011 = arith.constant 384 : i32
    %dma_wait3A_1012 = tpu.memref_slice %arg9[%dma_wait3A_1011] : memref<512xi32, #tpu.memory_space<vmem>> -> memref<128xi32, #tpu.memory_space<vmem>>
    %dma_wait3A_1013 = arith.constant 0 : i32
    %dma_wait3A_1014 = arith.constant 0 : i32
    %dma_wait3A_1015 = tpu.memref_slice %arg4[%dma_wait3A_1013, %dma_wait3A_1014] : memref<250000x128xf32, #tpu.memory_space<hbm>> -> memref<250000x128xf32, #tpu.memory_space<hbm>>
    tpu.wait_indirect_dma semaphore(%arg11 : memref<!tpu.dma_semaphore, #tpu.memory_space<semaphore_mem>>) src(%dma_wait3A_1015 : memref<250000x128xf32, #tpu.memory_space<hbm>>) dst(%dma_wait3A_1010 : memref<128x128xf32, #tpu.memory_space<vmem>>)
    "tpu.region"() ({
      %run_scoped3A = tpu.sem_alloc : memref<!tpu.dma_semaphore, #tpu.memory_space<semaphore_mem>>
      %dma_start3A_2040 = arith.constant 0 : i32
      %dma_start3A_2041 = tpu.memref_slice %arg6[%mul3A_2, %dma_start3A_2040] : memref<16384x128xf32, #tpu.memory_space<hbm>> -> memref<512x128xf32, #tpu.memory_space<hbm>>
      %dma_start3A_2042 = arith.constant 0 : i32
      %dma_start3A_2043 = tpu.memref_slice %arg6[%mul3A_2, %dma_start3A_2042] : memref<16384x128xf32, #tpu.memory_space<hbm>> -> memref<512x128xf32, #tpu.memory_space<hbm>>
      tpu.enqueue_dma source(%arg10 : memref<512x128xf32, #tpu.memory_space<vmem>>) target(%dma_start3A_2043 : memref<512x128xf32, #tpu.memory_space<hbm>>) target_semaphore(%run_scoped3A : memref<!tpu.dma_semaphore, #tpu.memory_space<semaphore_mem>>)
      %dma_wait3A_2044 = arith.constant 0 : i32
      %dma_wait3A_2045 = tpu.memref_slice %arg6[%mul3A_2, %dma_wait3A_2044] : memref<16384x128xf32, #tpu.memory_space<hbm>> -> memref<512x128xf32, #tpu.memory_space<hbm>>
      %dma_wait3A_2046 = arith.constant 0 : i32
      %dma_wait3A_2047 = tpu.memref_slice %arg6[%mul3A_2, %dma_wait3A_2046] : memref<16384x128xf32, #tpu.memory_space<hbm>> -> memref<512x128xf32, #tpu.memory_space<hbm>>
      tpu.wait_dma2 semaphore(%run_scoped3A : memref<!tpu.dma_semaphore, #tpu.memory_space<semaphore_mem>>) src(%arg10 : memref<512x128xf32, #tpu.memory_space<vmem>>) dst(%dma_wait3A_2047 : memref<512x128xf32, #tpu.memory_space<hbm>>)
      tpu.yield
    }) : () -> ()
    "tpu.region"() ({
      %run_scoped3A = tpu.sem_alloc : memref<!tpu.dma_semaphore, #tpu.memory_space<semaphore_mem>>
      %dma_start3A_2040 = tpu.memref_slice %arg3[%mul3A_2] : memref<16384xi32, #tpu.memory_space<hbm>> -> memref<512xi32, #tpu.memory_space<hbm>>
      %dma_start3A_2041 = tpu.memref_slice %arg3[%mul3A_2] : memref<16384xi32, #tpu.memory_space<hbm>> -> memref<512xi32, #tpu.memory_space<hbm>>
      tpu.enqueue_dma source(%dma_start3A_2041 : memref<512xi32, #tpu.memory_space<hbm>>) target(%arg8 : memref<512xi32, #tpu.memory_space<vmem>>) target_semaphore(%run_scoped3A : memref<!tpu.dma_semaphore, #tpu.memory_space<semaphore_mem>>)
      %dma_wait3A_2042 = tpu.memref_slice %arg3[%mul3A_2] : memref<16384xi32, #tpu.memory_space<hbm>> -> memref<512xi32, #tpu.memory_space<hbm>>
      %dma_wait3A_2043 = tpu.memref_slice %arg3[%mul3A_2] : memref<16384xi32, #tpu.memory_space<hbm>> -> memref<512xi32, #tpu.memory_space<hbm>>
      tpu.wait_dma2 semaphore(%run_scoped3A : memref<!tpu.dma_semaphore, #tpu.memory_space<semaphore_mem>>) src(%dma_wait3A_2043 : memref<512xi32, #tpu.memory_space<hbm>>) dst(%arg8 : memref<512xi32, #tpu.memory_space<vmem>>)
      tpu.yield
    }) : () -> ()
    %get3A_1016 = arith.constant 0 : index
    %get3A_1017 = tpu.vector_load %arg8[%get3A_1016] {strides = array<i32>} : memref<512xi32, #tpu.memory_space<vmem>>, vector<16xi32>,
    %get3A_1018 = vector.shape_cast %get3A_1017 : vector<16xi32> to vector<16xi32>
    %shift_right_arithmetic3A_1019 = arith.constant 9 : i32
    %shift_right_arithmetic3A_1020 = vector.broadcast %shift_right_arithmetic3A_1019 : i32 to vector<16xi32>
    %shift_right_arithmetic3A_1021 = arith.shrsi %get3A_1018, %shift_right_arithmetic3A_1020 : vector<16xi32>
    %shift_left3A_1022 = arith.constant 7 : i32
    %shift_left3A_1023 = vector.broadcast %shift_left3A_1022 : i32 to vector<16xi32>
    %shift_left3A_1024 = arith.shli %shift_right_arithmetic3A_1021, %shift_left3A_1023 : vector<16xi32>
    %and3A_1025 = arith.constant 127 : i32
    %and3A_1026 = vector.broadcast %and3A_1025 : i32 to vector<16xi32>
    %and3A_1027 = arith.andi %get3A_1018, %and3A_1026 : vector<16xi32>
    %or3A_1028 = arith.ori %shift_left3A_1024, %and3A_1027 : vector<16xi32>
    %sub3A_1029 = arith.constant 999936 : i32
    %sub3A_1030 = vector.broadcast %sub3A_1029 : i32 to vector<16xi32>
    %sub3A_1031 = arith.subi %get3A_1018, %sub3A_1030 : vector<16xi32>
    %and3A_1032 = arith.constant 15 : i32
    %and3A_1033 = vector.broadcast %and3A_1032 : i32 to vector<16xi32>
    %and3A_1034 = arith.andi %sub3A_1031, %and3A_1033 : vector<16xi32>
    %add3A_1035 = arith.constant 249984 : i32
    %add3A_1036 = vector.broadcast %add3A_1035 : i32 to vector<16xi32>
    %add3A_1037 = arith.addi %add3A_1036, %and3A_1034 : vector<16xi32>
    %lt3A_1038 = arith.constant 999936 : i32
    %lt3A_1039 = vector.broadcast %lt3A_1038 : i32 to vector<16xi32>
    %lt3A_1040 = arith.cmpi slt, %get3A_1018, %lt3A_1039 : vector<16xi32>
    %select_n3A_1041 = arith.select %lt3A_1040, %or3A_1028, %add3A_1037 : vector<16xi1>, vector<16xi32>
    %swap3A_1042 = arith.constant 0 : index
    %swap3A_1043 = tpu.vector_load %arg9[%swap3A_1042] {strides = array<i32>} : memref<512xi32, #tpu.memory_space<vmem>>, vector<16xi32>,
    %swap3A_1044 = vector.shape_cast %swap3A_1043 : vector<16xi32> to vector<16xi32>
    %swap3A_1045 = vector.shape_cast %select_n3A_1041 : vector<16xi32> to vector<16xi32>
    tpu.vector_store %arg9[%swap3A_1042], %swap3A_1045 {strides = array<i32>} : memref<512xi32, #tpu.memory_space<vmem>>, vector<16xi32>,
    %get3A_1046 = arith.constant 16 : index
    %get3A_1047 = tpu.vector_load %arg8[%get3A_1046] {strides = array<i32>} : memref<512xi32, #tpu.memory_space<vmem>>, vector<16xi32>,
    %get3A_1048 = vector.shape_cast %get3A_1047 : vector<16xi32> to vector<16xi32>
    %shift_right_arithmetic3A_1049 = arith.constant 9 : i32
    %shift_right_arithmetic3A_1050 = vector.broadcast %shift_right_arithmetic3A_1049 : i32 to vector<16xi32>
    %shift_right_arithmetic3A_1051 = arith.shrsi %get3A_1048, %shift_right_arithmetic3A_1050 : vector<16xi32>
    %shift_left3A_1052 = arith.constant 7 : i32
    %shift_left3A_1053 = vector.broadcast %shift_left3A_1052 : i32 to vector<16xi32>
    %shift_left3A_1054 = arith.shli %shift_right_arithmetic3A_1051, %shift_left3A_1053 : vector<16xi32>
    %and3A_1055 = arith.constant 127 : i32
    %and3A_1056 = vector.broadcast %and3A_1055 : i32 to vector<16xi32>
    %and3A_1057 = arith.andi %get3A_1048, %and3A_1056 : vector<16xi32>
    %or3A_1058 = arith.ori %shift_left3A_1054, %and3A_1057 : vector<16xi32>
    %sub3A_1059 = arith.constant 999936 : i32
    %sub3A_1060 = vector.broadcast %sub3A_1059 : i32 to vector<16xi32>
    %sub3A_1061 = arith.subi %get3A_1048, %sub3A_1060 : vector<16xi32>
    %and3A_1062 = arith.constant 15 : i32
    %and3A_1063 = vector.broadcast %and3A_1062 : i32 to vector<16xi32>
    %and3A_1064 = arith.andi %sub3A_1061, %and3A_1063 : vector<16xi32>
    %add3A_1065 = arith.constant 249984 : i32
    %add3A_1066 = vector.broadcast %add3A_1065 : i32 to vector<16xi32>
    %add3A_1067 = arith.addi %add3A_1066, %and3A_1064 : vector<16xi32>
    %lt3A_1068 = arith.constant 999936 : i32
    %lt3A_1069 = vector.broadcast %lt3A_1068 : i32 to vector<16xi32>
    %lt3A_1070 = arith.cmpi slt, %get3A_1048, %lt3A_1069 : vector<16xi32>
    %select_n3A_1071 = arith.select %lt3A_1070, %or3A_1058, %add3A_1067 : vector<16xi1>, vector<16xi32>
    %swap3A_1072 = arith.constant 16 : index
    %swap3A_1073 = tpu.vector_load %arg9[%swap3A_1072] {strides = array<i32>} : memref<512xi32, #tpu.memory_space<vmem>>, vector<16xi32>,
    %swap3A_1074 = vector.shape_cast %swap3A_1073 : vector<16xi32> to vector<16xi32>
    %swap3A_1075 = vector.shape_cast %select_n3A_1071 : vector<16xi32> to vector<16xi32>
    tpu.vector_store %arg9[%swap3A_1072], %swap3A_1075 {strides = array<i32>} : memref<512xi32, #tpu.memory_space<vmem>>, vector<16xi32>,
    %get3A_1076 = arith.constant 32 : index
    %get3A_1077 = tpu.vector_load %arg8[%get3A_1076] {strides = array<i32>} : memref<512xi32, #tpu.memory_space<vmem>>, vector<16xi32>,
    %get3A_1078 = vector.shape_cast %get3A_1077 : vector<16xi32> to vector<16xi32>
    %shift_right_arithmetic3A_1079 = arith.constant 9 : i32
    %shift_right_arithmetic3A_1080 = vector.broadcast %shift_right_arithmetic3A_1079 : i32 to vector<16xi32>
    %shift_right_arithmetic3A_1081 = arith.shrsi %get3A_1078, %shift_right_arithmetic3A_1080 : vector<16xi32>
    %shift_left3A_1082 = arith.constant 7 : i32
    %shift_left3A_1083 = vector.broadcast %shift_left3A_1082 : i32 to vector<16xi32>
    %shift_left3A_1084 = arith.shli %shift_right_arithmetic3A_1081, %shift_left3A_1083 : vector<16xi32>
    %and3A_1085 = arith.constant 127 : i32
    %and3A_1086 = vector.broadcast %and3A_1085 : i32 to vector<16xi32>
    %and3A_1087 = arith.andi %get3A_1078, %and3A_1086 : vector<16xi32>
    %or3A_1088 = arith.ori %shift_left3A_1084, %and3A_1087 : vector<16xi32>
    %sub3A_1089 = arith.constant 999936 : i32
    %sub3A_1090 = vector.broadcast %sub3A_1089 : i32 to vector<16xi32>
    %sub3A_1091 = arith.subi %get3A_1078, %sub3A_1090 : vector<16xi32>
    %and3A_1092 = arith.constant 15 : i32
    %and3A_1093 = vector.broadcast %and3A_1092 : i32 to vector<16xi32>
    %and3A_1094 = arith.andi %sub3A_1091, %and3A_1093 : vector<16xi32>
    %add3A_1095 = arith.constant 249984 : i32
    %add3A_1096 = vector.broadcast %add3A_1095 : i32 to vector<16xi32>
    %add3A_1097 = arith.addi %add3A_1096, %and3A_1094 : vector<16xi32>
    %lt3A_1098 = arith.constant 999936 : i32
    %lt3A_1099 = vector.broadcast %lt3A_1098 : i32 to vector<16xi32>
    %lt3A_1100 = arith.cmpi slt, %get3A_1078, %lt3A_1099 : vector<16xi32>
    %select_n3A_1101 = arith.select %lt3A_1100, %or3A_1088, %add3A_1097 : vector<16xi1>, vector<16xi32>
    %swap3A_1102 = arith.constant 32 : index
    %swap3A_1103 = tpu.vector_load %arg9[%swap3A_1102] {strides = array<i32>} : memref<512xi32, #tpu.memory_space<vmem>>, vector<16xi32>,
    %swap3A_1104 = vector.shape_cast %swap3A_1103 : vector<16xi32> to vector<16xi32>
    %swap3A_1105 = vector.shape_cast %select_n3A_1101 : vector<16xi32> to vector<16xi32>
    tpu.vector_store %arg9[%swap3A_1102], %swap3A_1105 {strides = array<i32>} : memref<512xi32, #tpu.memory_space<vmem>>, vector<16xi32>,
    %get3A_1106 = arith.constant 48 : index
    %get3A_1107 = tpu.vector_load %arg8[%get3A_1106] {strides = array<i32>} : memref<512xi32, #tpu.memory_space<vmem>>, vector<16xi32>,
    %get3A_1108 = vector.shape_cast %get3A_1107 : vector<16xi32> to vector<16xi32>
    %shift_right_arithmetic3A_1109 = arith.constant 9 : i32
    %shift_right_arithmetic3A_1110 = vector.broadcast %shift_right_arithmetic3A_1109 : i32 to vector<16xi32>
    %shift_right_arithmetic3A_1111 = arith.shrsi %get3A_1108, %shift_right_arithmetic3A_1110 : vector<16xi32>
    %shift_left3A_1112 = arith.constant 7 : i32
    %shift_left3A_1113 = vector.broadcast %shift_left3A_1112 : i32 to vector<16xi32>
    %shift_left3A_1114 = arith.shli %shift_right_arithmetic3A_1111, %shift_left3A_1113 : vector<16xi32>
    %and3A_1115 = arith.constant 127 : i32
    %and3A_1116 = vector.broadcast %and3A_1115 : i32 to vector<16xi32>
    %and3A_1117 = arith.andi %get3A_1108, %and3A_1116 : vector<16xi32>
    %or3A_1118 = arith.ori %shift_left3A_1114, %and3A_1117 : vector<16xi32>
    %sub3A_1119 = arith.constant 999936 : i32
    %sub3A_1120 = vector.broadcast %sub3A_1119 : i32 to vector<16xi32>
    %sub3A_1121 = arith.subi %get3A_1108, %sub3A_1120 : vector<16xi32>
    %and3A_1122 = arith.constant 15 : i32
    %and3A_1123 = vector.broadcast %and3A_1122 : i32 to vector<16xi32>
    %and3A_1124 = arith.andi %sub3A_1121, %and3A_1123 : vector<16xi32>
    %add3A_1125 = arith.constant 249984 : i32
    %add3A_1126 = vector.broadcast %add3A_1125 : i32 to vector<16xi32>
    %add3A_1127 = arith.addi %add3A_1126, %and3A_1124 : vector<16xi32>
    %lt3A_1128 = arith.constant 999936 : i32
    %lt3A_1129 = vector.broadcast %lt3A_1128 : i32 to vector<16xi32>
    %lt3A_1130 = arith.cmpi slt, %get3A_1108, %lt3A_1129 : vector<16xi32>
    %select_n3A_1131 = arith.select %lt3A_1130, %or3A_1118, %add3A_1127 : vector<16xi1>, vector<16xi32>
    %swap3A_1132 = arith.constant 48 : index
    %swap3A_1133 = tpu.vector_load %arg9[%swap3A_1132] {strides = array<i32>} : memref<512xi32, #tpu.memory_space<vmem>>, vector<16xi32>,
    %swap3A_1134 = vector.shape_cast %swap3A_1133 : vector<16xi32> to vector<16xi32>
    %swap3A_1135 = vector.shape_cast %select_n3A_1131 : vector<16xi32> to vector<16xi32>
    tpu.vector_store %arg9[%swap3A_1132], %swap3A_1135 {strides = array<i32>} : memref<512xi32, #tpu.memory_space<vmem>>, vector<16xi32>,
    %get3A_1136 = arith.constant 64 : index
    %get3A_1137 = tpu.vector_load %arg8[%get3A_1136] {strides = array<i32>} : memref<512xi32, #tpu.memory_space<vmem>>, vector<16xi32>,
    %get3A_1138 = vector.shape_cast %get3A_1137 : vector<16xi32> to vector<16xi32>
    %shift_right_arithmetic3A_1139 = arith.constant 9 : i32
    %shift_right_arithmetic3A_1140 = vector.broadcast %shift_right_arithmetic3A_1139 : i32 to vector<16xi32>
    %shift_right_arithmetic3A_1141 = arith.shrsi %get3A_1138, %shift_right_arithmetic3A_1140 : vector<16xi32>
    %shift_left3A_1142 = arith.constant 7 : i32
    %shift_left3A_1143 = vector.broadcast %shift_left3A_1142 : i32 to vector<16xi32>
    %shift_left3A_1144 = arith.shli %shift_right_arithmetic3A_1141, %shift_left3A_1143 : vector<16xi32>
    %and3A_1145 = arith.constant 127 : i32
    %and3A_1146 = vector.broadcast %and3A_1145 : i32 to vector<16xi32>
    %and3A_1147 = arith.andi %get3A_1138, %and3A_1146 : vector<16xi32>
    %or3A_1148 = arith.ori %shift_left3A_1144, %and3A_1147 : vector<16xi32>
    %sub3A_1149 = arith.constant 999936 : i32
    %sub3A_1150 = vector.broadcast %sub3A_1149 : i32 to vector<16xi32>
    %sub3A_1151 = arith.subi %get3A_1138, %sub3A_1150 : vector<16xi32>
    %and3A_1152 = arith.constant 15 : i32
    %and3A_1153 = vector.broadcast %and3A_1152 : i32 to vector<16xi32>
    %and3A_1154 = arith.andi %sub3A_1151, %and3A_1153 : vector<16xi32>
    %add3A_1155 = arith.constant 249984 : i32
    %add3A_1156 = vector.broadcast %add3A_1155 : i32 to vector<16xi32>
    %add3A_1157 = arith.addi %add3A_1156, %and3A_1154 : vector<16xi32>
    %lt3A_1158 = arith.constant 999936 : i32
    %lt3A_1159 = vector.broadcast %lt3A_1158 : i32 to vector<16xi32>
    %lt3A_1160 = arith.cmpi slt, %get3A_1138, %lt3A_1159 : vector<16xi32>
    %select_n3A_1161 = arith.select %lt3A_1160, %or3A_1148, %add3A_1157 : vector<16xi1>, vector<16xi32>
    %swap3A_1162 = arith.constant 64 : index
    %swap3A_1163 = tpu.vector_load %arg9[%swap3A_1162] {strides = array<i32>} : memref<512xi32, #tpu.memory_space<vmem>>, vector<16xi32>,
    %swap3A_1164 = vector.shape_cast %swap3A_1163 : vector<16xi32> to vector<16xi32>
    %swap3A_1165 = vector.shape_cast %select_n3A_1161 : vector<16xi32> to vector<16xi32>
    tpu.vector_store %arg9[%swap3A_1162], %swap3A_1165 {strides = array<i32>} : memref<512xi32, #tpu.memory_space<vmem>>, vector<16xi32>,
    %get3A_1166 = arith.constant 80 : index
    %get3A_1167 = tpu.vector_load %arg8[%get3A_1166] {strides = array<i32>} : memref<512xi32, #tpu.memory_space<vmem>>, vector<16xi32>,
    %get3A_1168 = vector.shape_cast %get3A_1167 : vector<16xi32> to vector<16xi32>
    %shift_right_arithmetic3A_1169 = arith.constant 9 : i32
    %shift_right_arithmetic3A_1170 = vector.broadcast %shift_right_arithmetic3A_1169 : i32 to vector<16xi32>
    %shift_right_arithmetic3A_1171 = arith.shrsi %get3A_1168, %shift_right_arithmetic3A_1170 : vector<16xi32>
    %shift_left3A_1172 = arith.constant 7 : i32
    %shift_left3A_1173 = vector.broadcast %shift_left3A_1172 : i32 to vector<16xi32>
    %shift_left3A_1174 = arith.shli %shift_right_arithmetic3A_1171, %shift_left3A_1173 : vector<16xi32>
    %and3A_1175 = arith.constant 127 : i32
    %and3A_1176 = vector.broadcast %and3A_1175 : i32 to vector<16xi32>
    %and3A_1177 = arith.andi %get3A_1168, %and3A_1176 : vector<16xi32>
    %or3A_1178 = arith.ori %shift_left3A_1174, %and3A_1177 : vector<16xi32>
    %sub3A_1179 = arith.constant 999936 : i32
    %sub3A_1180 = vector.broadcast %sub3A_1179 : i32 to vector<16xi32>
    %sub3A_1181 = arith.subi %get3A_1168, %sub3A_1180 : vector<16xi32>
    %and3A_1182 = arith.constant 15 : i32
    %and3A_1183 = vector.broadcast %and3A_1182 : i32 to vector<16xi32>
    %and3A_1184 = arith.andi %sub3A_1181, %and3A_1183 : vector<16xi32>
    %add3A_1185 = arith.constant 249984 : i32
    %add3A_1186 = vector.broadcast %add3A_1185 : i32 to vector<16xi32>
    %add3A_1187 = arith.addi %add3A_1186, %and3A_1184 : vector<16xi32>
    %lt3A_1188 = arith.constant 999936 : i32
    %lt3A_1189 = vector.broadcast %lt3A_1188 : i32 to vector<16xi32>
    %lt3A_1190 = arith.cmpi slt, %get3A_1168, %lt3A_1189 : vector<16xi32>
    %select_n3A_1191 = arith.select %lt3A_1190, %or3A_1178, %add3A_1187 : vector<16xi1>, vector<16xi32>
    %swap3A_1192 = arith.constant 80 : index
    %swap3A_1193 = tpu.vector_load %arg9[%swap3A_1192] {strides = array<i32>} : memref<512xi32, #tpu.memory_space<vmem>>, vector<16xi32>,
    %swap3A_1194 = vector.shape_cast %swap3A_1193 : vector<16xi32> to vector<16xi32>
    %swap3A_1195 = vector.shape_cast %select_n3A_1191 : vector<16xi32> to vector<16xi32>
    tpu.vector_store %arg9[%swap3A_1192], %swap3A_1195 {strides = array<i32>} : memref<512xi32, #tpu.memory_space<vmem>>, vector<16xi32>,
    %get3A_1196 = arith.constant 96 : index
    %get3A_1197 = tpu.vector_load %arg8[%get3A_1196] {strides = array<i32>} : memref<512xi32, #tpu.memory_space<vmem>>, vector<16xi32>,
    %get3A_1198 = vector.shape_cast %get3A_1197 : vector<16xi32> to vector<16xi32>
    %shift_right_arithmetic3A_1199 = arith.constant 9 : i32
    %shift_right_arithmetic3A_1200 = vector.broadcast %shift_right_arithmetic3A_1199 : i32 to vector<16xi32>
    %shift_right_arithmetic3A_1201 = arith.shrsi %get3A_1198, %shift_right_arithmetic3A_1200 : vector<16xi32>
    %shift_left3A_1202 = arith.constant 7 : i32
    %shift_left3A_1203 = vector.broadcast %shift_left3A_1202 : i32 to vector<16xi32>
    %shift_left3A_1204 = arith.shli %shift_right_arithmetic3A_1201, %shift_left3A_1203 : vector<16xi32>
    %and3A_1205 = arith.constant 127 : i32
    %and3A_1206 = vector.broadcast %and3A_1205 : i32 to vector<16xi32>
    %and3A_1207 = arith.andi %get3A_1198, %and3A_1206 : vector<16xi32>
    %or3A_1208 = arith.ori %shift_left3A_1204, %and3A_1207 : vector<16xi32>
    %sub3A_1209 = arith.constant 999936 : i32
    %sub3A_1210 = vector.broadcast %sub3A_1209 : i32 to vector<16xi32>
    %sub3A_1211 = arith.subi %get3A_1198, %sub3A_1210 : vector<16xi32>
    %and3A_1212 = arith.constant 15 : i32
    %and3A_1213 = vector.broadcast %and3A_1212 : i32 to vector<16xi32>
    %and3A_1214 = arith.andi %sub3A_1211, %and3A_1213 : vector<16xi32>
    %add3A_1215 = arith.constant 249984 : i32
    %add3A_1216 = vector.broadcast %add3A_1215 : i32 to vector<16xi32>
    %add3A_1217 = arith.addi %add3A_1216, %and3A_1214 : vector<16xi32>
    %lt3A_1218 = arith.constant 999936 : i32
    %lt3A_1219 = vector.broadcast %lt3A_1218 : i32 to vector<16xi32>
    %lt3A_1220 = arith.cmpi slt, %get3A_1198, %lt3A_1219 : vector<16xi32>
    %select_n3A_1221 = arith.select %lt3A_1220, %or3A_1208, %add3A_1217 : vector<16xi1>, vector<16xi32>
    %swap3A_1222 = arith.constant 96 : index
    %swap3A_1223 = tpu.vector_load %arg9[%swap3A_1222] {strides = array<i32>} : memref<512xi32, #tpu.memory_space<vmem>>, vector<16xi32>,
    %swap3A_1224 = vector.shape_cast %swap3A_1223 : vector<16xi32> to vector<16xi32>
    %swap3A_1225 = vector.shape_cast %select_n3A_1221 : vector<16xi32> to vector<16xi32>
    tpu.vector_store %arg9[%swap3A_1222], %swap3A_1225 {strides = array<i32>} : memref<512xi32, #tpu.memory_space<vmem>>, vector<16xi32>,
    %get3A_1226 = arith.constant 112 : index
    %get3A_1227 = tpu.vector_load %arg8[%get3A_1226] {strides = array<i32>} : memref<512xi32, #tpu.memory_space<vmem>>, vector<16xi32>,
    %get3A_1228 = vector.shape_cast %get3A_1227 : vector<16xi32> to vector<16xi32>
    %shift_right_arithmetic3A_1229 = arith.constant 9 : i32
    %shift_right_arithmetic3A_1230 = vector.broadcast %shift_right_arithmetic3A_1229 : i32 to vector<16xi32>
    %shift_right_arithmetic3A_1231 = arith.shrsi %get3A_1228, %shift_right_arithmetic3A_1230 : vector<16xi32>
    %shift_left3A_1232 = arith.constant 7 : i32
    %shift_left3A_1233 = vector.broadcast %shift_left3A_1232 : i32 to vector<16xi32>
    %shift_left3A_1234 = arith.shli %shift_right_arithmetic3A_1231, %shift_left3A_1233 : vector<16xi32>
    %and3A_1235 = arith.constant 127 : i32
    %and3A_1236 = vector.broadcast %and3A_1235 : i32 to vector<16xi32>
    %and3A_1237 = arith.andi %get3A_1228, %and3A_1236 : vector<16xi32>
    %or3A_1238 = arith.ori %shift_left3A_1234, %and3A_1237 : vector<16xi32>
    %sub3A_1239 = arith.constant 999936 : i32
    %sub3A_1240 = vector.broadcast %sub3A_1239 : i32 to vector<16xi32>
    %sub3A_1241 = arith.subi %get3A_1228, %sub3A_1240 : vector<16xi32>
    %and3A_1242 = arith.constant 15 : i32
    %and3A_1243 = vector.broadcast %and3A_1242 : i32 to vector<16xi32>
    %and3A_1244 = arith.andi %sub3A_1241, %and3A_1243 : vector<16xi32>
    %add3A_1245 = arith.constant 249984 : i32
    %add3A_1246 = vector.broadcast %add3A_1245 : i32 to vector<16xi32>
    %add3A_1247 = arith.addi %add3A_1246, %and3A_1244 : vector<16xi32>
    %lt3A_1248 = arith.constant 999936 : i32
    %lt3A_1249 = vector.broadcast %lt3A_1248 : i32 to vector<16xi32>
    %lt3A_1250 = arith.cmpi slt, %get3A_1228, %lt3A_1249 : vector<16xi32>
    %select_n3A_1251 = arith.select %lt3A_1250, %or3A_1238, %add3A_1247 : vector<16xi1>, vector<16xi32>
    %swap3A_1252 = arith.constant 112 : index
    %swap3A_1253 = tpu.vector_load %arg9[%swap3A_1252] {strides = array<i32>} : memref<512xi32, #tpu.memory_space<vmem>>, vector<16xi32>,
    %swap3A_1254 = vector.shape_cast %swap3A_1253 : vector<16xi32> to vector<16xi32>
    %swap3A_1255 = vector.shape_cast %select_n3A_1251 : vector<16xi32> to vector<16xi32>
    tpu.vector_store %arg9[%swap3A_1252], %swap3A_1255 {strides = array<i32>} : memref<512xi32, #tpu.memory_space<vmem>>, vector<16xi32>,
    %get3A_1256 = arith.constant 128 : index
    %get3A_1257 = tpu.vector_load %arg8[%get3A_1256] {strides = array<i32>} : memref<512xi32, #tpu.memory_space<vmem>>, vector<16xi32>,
    %get3A_1258 = vector.shape_cast %get3A_1257 : vector<16xi32> to vector<16xi32>
    %shift_right_arithmetic3A_1259 = arith.constant 9 : i32
    %shift_right_arithmetic3A_1260 = vector.broadcast %shift_right_arithmetic3A_1259 : i32 to vector<16xi32>
    %shift_right_arithmetic3A_1261 = arith.shrsi %get3A_1258, %shift_right_arithmetic3A_1260 : vector<16xi32>
    %shift_left3A_1262 = arith.constant 7 : i32
    %shift_left3A_1263 = vector.broadcast %shift_left3A_1262 : i32 to vector<16xi32>
    %shift_left3A_1264 = arith.shli %shift_right_arithmetic3A_1261, %shift_left3A_1263 : vector<16xi32>
    %and3A_1265 = arith.constant 127 : i32
    %and3A_1266 = vector.broadcast %and3A_1265 : i32 to vector<16xi32>
    %and3A_1267 = arith.andi %get3A_1258, %and3A_1266 : vector<16xi32>
    %or3A_1268 = arith.ori %shift_left3A_1264, %and3A_1267 : vector<16xi32>
    %sub3A_1269 = arith.constant 999936 : i32
    %sub3A_1270 = vector.broadcast %sub3A_1269 : i32 to vector<16xi32>
    %sub3A_1271 = arith.subi %get3A_1258, %sub3A_1270 : vector<16xi32>
    %and3A_1272 = arith.constant 15 : i32
    %and3A_1273 = vector.broadcast %and3A_1272 : i32 to vector<16xi32>
    %and3A_1274 = arith.andi %sub3A_1271, %and3A_1273 : vector<16xi32>
    %add3A_1275 = arith.constant 249984 : i32
    %add3A_1276 = vector.broadcast %add3A_1275 : i32 to vector<16xi32>
    %add3A_1277 = arith.addi %add3A_1276, %and3A_1274 : vector<16xi32>
    %lt3A_1278 = arith.constant 999936 : i32
    %lt3A_1279 = vector.broadcast %lt3A_1278 : i32 to vector<16xi32>
    %lt3A_1280 = arith.cmpi slt, %get3A_1258, %lt3A_1279 : vector<16xi32>
    %select_n3A_1281 = arith.select %lt3A_1280, %or3A_1268, %add3A_1277 : vector<16xi1>, vector<16xi32>
    %swap3A_1282 = arith.constant 128 : index
    %swap3A_1283 = tpu.vector_load %arg9[%swap3A_1282] {strides = array<i32>} : memref<512xi32, #tpu.memory_space<vmem>>, vector<16xi32>,
    %swap3A_1284 = vector.shape_cast %swap3A_1283 : vector<16xi32> to vector<16xi32>
    %swap3A_1285 = vector.shape_cast %select_n3A_1281 : vector<16xi32> to vector<16xi32>
    tpu.vector_store %arg9[%swap3A_1282], %swap3A_1285 {strides = array<i32>} : memref<512xi32, #tpu.memory_space<vmem>>, vector<16xi32>,
    %get3A_1286 = arith.constant 144 : index
    %get3A_1287 = tpu.vector_load %arg8[%get3A_1286] {strides = array<i32>} : memref<512xi32, #tpu.memory_space<vmem>>, vector<16xi32>,
    %get3A_1288 = vector.shape_cast %get3A_1287 : vector<16xi32> to vector<16xi32>
    %shift_right_arithmetic3A_1289 = arith.constant 9 : i32
    %shift_right_arithmetic3A_1290 = vector.broadcast %shift_right_arithmetic3A_1289 : i32 to vector<16xi32>
    %shift_right_arithmetic3A_1291 = arith.shrsi %get3A_1288, %shift_right_arithmetic3A_1290 : vector<16xi32>
    %shift_left3A_1292 = arith.constant 7 : i32
    %shift_left3A_1293 = vector.broadcast %shift_left3A_1292 : i32 to vector<16xi32>
    %shift_left3A_1294 = arith.shli %shift_right_arithmetic3A_1291, %shift_left3A_1293 : vector<16xi32>
    %and3A_1295 = arith.constant 127 : i32
    %and3A_1296 = vector.broadcast %and3A_1295 : i32 to vector<16xi32>
    %and3A_1297 = arith.andi %get3A_1288, %and3A_1296 : vector<16xi32>
    %or3A_1298 = arith.ori %shift_left3A_1294, %and3A_1297 : vector<16xi32>
    %sub3A_1299 = arith.constant 999936 : i32
    %sub3A_1300 = vector.broadcast %sub3A_1299 : i32 to vector<16xi32>
    %sub3A_1301 = arith.subi %get3A_1288, %sub3A_1300 : vector<16xi32>
    %and3A_1302 = arith.constant 15 : i32
    %and3A_1303 = vector.broadcast %and3A_1302 : i32 to vector<16xi32>
    %and3A_1304 = arith.andi %sub3A_1301, %and3A_1303 : vector<16xi32>
    %add3A_1305 = arith.constant 249984 : i32
    %add3A_1306 = vector.broadcast %add3A_1305 : i32 to vector<16xi32>
    %add3A_1307 = arith.addi %add3A_1306, %and3A_1304 : vector<16xi32>
    %lt3A_1308 = arith.constant 999936 : i32
    %lt3A_1309 = vector.broadcast %lt3A_1308 : i32 to vector<16xi32>
    %lt3A_1310 = arith.cmpi slt, %get3A_1288, %lt3A_1309 : vector<16xi32>
    %select_n3A_1311 = arith.select %lt3A_1310, %or3A_1298, %add3A_1307 : vector<16xi1>, vector<16xi32>
    %swap3A_1312 = arith.constant 144 : index
    %swap3A_1313 = tpu.vector_load %arg9[%swap3A_1312] {strides = array<i32>} : memref<512xi32, #tpu.memory_space<vmem>>, vector<16xi32>,
    %swap3A_1314 = vector.shape_cast %swap3A_1313 : vector<16xi32> to vector<16xi32>
    %swap3A_1315 = vector.shape_cast %select_n3A_1311 : vector<16xi32> to vector<16xi32>
    tpu.vector_store %arg9[%swap3A_1312], %swap3A_1315 {strides = array<i32>} : memref<512xi32, #tpu.memory_space<vmem>>, vector<16xi32>,
    %get3A_1316 = arith.constant 160 : index
    %get3A_1317 = tpu.vector_load %arg8[%get3A_1316] {strides = array<i32>} : memref<512xi32, #tpu.memory_space<vmem>>, vector<16xi32>,
    %get3A_1318 = vector.shape_cast %get3A_1317 : vector<16xi32> to vector<16xi32>
    %shift_right_arithmetic3A_1319 = arith.constant 9 : i32
    %shift_right_arithmetic3A_1320 = vector.broadcast %shift_right_arithmetic3A_1319 : i32 to vector<16xi32>
    %shift_right_arithmetic3A_1321 = arith.shrsi %get3A_1318, %shift_right_arithmetic3A_1320 : vector<16xi32>
    %shift_left3A_1322 = arith.constant 7 : i32
    %shift_left3A_1323 = vector.broadcast %shift_left3A_1322 : i32 to vector<16xi32>
    %shift_left3A_1324 = arith.shli %shift_right_arithmetic3A_1321, %shift_left3A_1323 : vector<16xi32>
    %and3A_1325 = arith.constant 127 : i32
    %and3A_1326 = vector.broadcast %and3A_1325 : i32 to vector<16xi32>
    %and3A_1327 = arith.andi %get3A_1318, %and3A_1326 : vector<16xi32>
    %or3A_1328 = arith.ori %shift_left3A_1324, %and3A_1327 : vector<16xi32>
    %sub3A_1329 = arith.constant 999936 : i32
    %sub3A_1330 = vector.broadcast %sub3A_1329 : i32 to vector<16xi32>
    %sub3A_1331 = arith.subi %get3A_1318, %sub3A_1330 : vector<16xi32>
    %and3A_1332 = arith.constant 15 : i32
    %and3A_1333 = vector.broadcast %and3A_1332 : i32 to vector<16xi32>
    %and3A_1334 = arith.andi %sub3A_1331, %and3A_1333 : vector<16xi32>
    %add3A_1335 = arith.constant 249984 : i32
    %add3A_1336 = vector.broadcast %add3A_1335 : i32 to vector<16xi32>
    %add3A_1337 = arith.addi %add3A_1336, %and3A_1334 : vector<16xi32>
    %lt3A_1338 = arith.constant 999936 : i32
    %lt3A_1339 = vector.broadcast %lt3A_1338 : i32 to vector<16xi32>
    %lt3A_1340 = arith.cmpi slt, %get3A_1318, %lt3A_1339 : vector<16xi32>
    %select_n3A_1341 = arith.select %lt3A_1340, %or3A_1328, %add3A_1337 : vector<16xi1>, vector<16xi32>
    %swap3A_1342 = arith.constant 160 : index
    %swap3A_1343 = tpu.vector_load %arg9[%swap3A_1342] {strides = array<i32>} : memref<512xi32, #tpu.memory_space<vmem>>, vector<16xi32>,
    %swap3A_1344 = vector.shape_cast %swap3A_1343 : vector<16xi32> to vector<16xi32>
    %swap3A_1345 = vector.shape_cast %select_n3A_1341 : vector<16xi32> to vector<16xi32>
    tpu.vector_store %arg9[%swap3A_1342], %swap3A_1345 {strides = array<i32>} : memref<512xi32, #tpu.memory_space<vmem>>, vector<16xi32>,
    %get3A_1346 = arith.constant 176 : index
    %get3A_1347 = tpu.vector_load %arg8[%get3A_1346] {strides = array<i32>} : memref<512xi32, #tpu.memory_space<vmem>>, vector<16xi32>,
    %get3A_1348 = vector.shape_cast %get3A_1347 : vector<16xi32> to vector<16xi32>
    %shift_right_arithmetic3A_1349 = arith.constant 9 : i32
    %shift_right_arithmetic3A_1350 = vector.broadcast %shift_right_arithmetic3A_1349 : i32 to vector<16xi32>
    %shift_right_arithmetic3A_1351 = arith.shrsi %get3A_1348, %shift_right_arithmetic3A_1350 : vector<16xi32>
    %shift_left3A_1352 = arith.constant 7 : i32
    %shift_left3A_1353 = vector.broadcast %shift_left3A_1352 : i32 to vector<16xi32>
    %shift_left3A_1354 = arith.shli %shift_right_arithmetic3A_1351, %shift_left3A_1353 : vector<16xi32>
    %and3A_1355 = arith.constant 127 : i32
    %and3A_1356 = vector.broadcast %and3A_1355 : i32 to vector<16xi32>
    %and3A_1357 = arith.andi %get3A_1348, %and3A_1356 : vector<16xi32>
    %or3A_1358 = arith.ori %shift_left3A_1354, %and3A_1357 : vector<16xi32>
    %sub3A_1359 = arith.constant 999936 : i32
    %sub3A_1360 = vector.broadcast %sub3A_1359 : i32 to vector<16xi32>
    %sub3A_1361 = arith.subi %get3A_1348, %sub3A_1360 : vector<16xi32>
    %and3A_1362 = arith.constant 15 : i32
    %and3A_1363 = vector.broadcast %and3A_1362 : i32 to vector<16xi32>
    %and3A_1364 = arith.andi %sub3A_1361, %and3A_1363 : vector<16xi32>
    %add3A_1365 = arith.constant 249984 : i32
    %add3A_1366 = vector.broadcast %add3A_1365 : i32 to vector<16xi32>
    %add3A_1367 = arith.addi %add3A_1366, %and3A_1364 : vector<16xi32>
    %lt3A_1368 = arith.constant 999936 : i32
    %lt3A_1369 = vector.broadcast %lt3A_1368 : i32 to vector<16xi32>
    %lt3A_1370 = arith.cmpi slt, %get3A_1348, %lt3A_1369 : vector<16xi32>
    %select_n3A_1371 = arith.select %lt3A_1370, %or3A_1358, %add3A_1367 : vector<16xi1>, vector<16xi32>
    %swap3A_1372 = arith.constant 176 : index
    %swap3A_1373 = tpu.vector_load %arg9[%swap3A_1372] {strides = array<i32>} : memref<512xi32, #tpu.memory_space<vmem>>, vector<16xi32>,
    %swap3A_1374 = vector.shape_cast %swap3A_1373 : vector<16xi32> to vector<16xi32>
    %swap3A_1375 = vector.shape_cast %select_n3A_1371 : vector<16xi32> to vector<16xi32>
    tpu.vector_store %arg9[%swap3A_1372], %swap3A_1375 {strides = array<i32>} : memref<512xi32, #tpu.memory_space<vmem>>, vector<16xi32>,
    %get3A_1376 = arith.constant 192 : index
    %get3A_1377 = tpu.vector_load %arg8[%get3A_1376] {strides = array<i32>} : memref<512xi32, #tpu.memory_space<vmem>>, vector<16xi32>,
    %get3A_1378 = vector.shape_cast %get3A_1377 : vector<16xi32> to vector<16xi32>
    %shift_right_arithmetic3A_1379 = arith.constant 9 : i32
    %shift_right_arithmetic3A_1380 = vector.broadcast %shift_right_arithmetic3A_1379 : i32 to vector<16xi32>
    %shift_right_arithmetic3A_1381 = arith.shrsi %get3A_1378, %shift_right_arithmetic3A_1380 : vector<16xi32>
    %shift_left3A_1382 = arith.constant 7 : i32
    %shift_left3A_1383 = vector.broadcast %shift_left3A_1382 : i32 to vector<16xi32>
    %shift_left3A_1384 = arith.shli %shift_right_arithmetic3A_1381, %shift_left3A_1383 : vector<16xi32>
    %and3A_1385 = arith.constant 127 : i32
    %and3A_1386 = vector.broadcast %and3A_1385 : i32 to vector<16xi32>
    %and3A_1387 = arith.andi %get3A_1378, %and3A_1386 : vector<16xi32>
    %or3A_1388 = arith.ori %shift_left3A_1384, %and3A_1387 : vector<16xi32>
    %sub3A_1389 = arith.constant 999936 : i32
    %sub3A_1390 = vector.broadcast %sub3A_1389 : i32 to vector<16xi32>
    %sub3A_1391 = arith.subi %get3A_1378, %sub3A_1390 : vector<16xi32>
    %and3A_1392 = arith.constant 15 : i32
    %and3A_1393 = vector.broadcast %and3A_1392 : i32 to vector<16xi32>
    %and3A_1394 = arith.andi %sub3A_1391, %and3A_1393 : vector<16xi32>
    %add3A_1395 = arith.constant 249984 : i32
    %add3A_1396 = vector.broadcast %add3A_1395 : i32 to vector<16xi32>
    %add3A_1397 = arith.addi %add3A_1396, %and3A_1394 : vector<16xi32>
    %lt3A_1398 = arith.constant 999936 : i32
    %lt3A_1399 = vector.broadcast %lt3A_1398 : i32 to vector<16xi32>
    %lt3A_1400 = arith.cmpi slt, %get3A_1378, %lt3A_1399 : vector<16xi32>
    %select_n3A_1401 = arith.select %lt3A_1400, %or3A_1388, %add3A_1397 : vector<16xi1>, vector<16xi32>
    %swap3A_1402 = arith.constant 192 : index
    %swap3A_1403 = tpu.vector_load %arg9[%swap3A_1402] {strides = array<i32>} : memref<512xi32, #tpu.memory_space<vmem>>, vector<16xi32>,
    %swap3A_1404 = vector.shape_cast %swap3A_1403 : vector<16xi32> to vector<16xi32>
    %swap3A_1405 = vector.shape_cast %select_n3A_1401 : vector<16xi32> to vector<16xi32>
    tpu.vector_store %arg9[%swap3A_1402], %swap3A_1405 {strides = array<i32>} : memref<512xi32, #tpu.memory_space<vmem>>, vector<16xi32>,
    %get3A_1406 = arith.constant 208 : index
    %get3A_1407 = tpu.vector_load %arg8[%get3A_1406] {strides = array<i32>} : memref<512xi32, #tpu.memory_space<vmem>>, vector<16xi32>,
    %get3A_1408 = vector.shape_cast %get3A_1407 : vector<16xi32> to vector<16xi32>
    %shift_right_arithmetic3A_1409 = arith.constant 9 : i32
    %shift_right_arithmetic3A_1410 = vector.broadcast %shift_right_arithmetic3A_1409 : i32 to vector<16xi32>
    %shift_right_arithmetic3A_1411 = arith.shrsi %get3A_1408, %shift_right_arithmetic3A_1410 : vector<16xi32>
    %shift_left3A_1412 = arith.constant 7 : i32
    %shift_left3A_1413 = vector.broadcast %shift_left3A_1412 : i32 to vector<16xi32>
    %shift_left3A_1414 = arith.shli %shift_right_arithmetic3A_1411, %shift_left3A_1413 : vector<16xi32>
    %and3A_1415 = arith.constant 127 : i32
    %and3A_1416 = vector.broadcast %and3A_1415 : i32 to vector<16xi32>
    %and3A_1417 = arith.andi %get3A_1408, %and3A_1416 : vector<16xi32>
    %or3A_1418 = arith.ori %shift_left3A_1414, %and3A_1417 : vector<16xi32>
    %sub3A_1419 = arith.constant 999936 : i32
    %sub3A_1420 = vector.broadcast %sub3A_1419 : i32 to vector<16xi32>
    %sub3A_1421 = arith.subi %get3A_1408, %sub3A_1420 : vector<16xi32>
    %and3A_1422 = arith.constant 15 : i32
    %and3A_1423 = vector.broadcast %and3A_1422 : i32 to vector<16xi32>
    %and3A_1424 = arith.andi %sub3A_1421, %and3A_1423 : vector<16xi32>
    %add3A_1425 = arith.constant 249984 : i32
    %add3A_1426 = vector.broadcast %add3A_1425 : i32 to vector<16xi32>
    %add3A_1427 = arith.addi %add3A_1426, %and3A_1424 : vector<16xi32>
    %lt3A_1428 = arith.constant 999936 : i32
    %lt3A_1429 = vector.broadcast %lt3A_1428 : i32 to vector<16xi32>
    %lt3A_1430 = arith.cmpi slt, %get3A_1408, %lt3A_1429 : vector<16xi32>
    %select_n3A_1431 = arith.select %lt3A_1430, %or3A_1418, %add3A_1427 : vector<16xi1>, vector<16xi32>
    %swap3A_1432 = arith.constant 208 : index
    %swap3A_1433 = tpu.vector_load %arg9[%swap3A_1432] {strides = array<i32>} : memref<512xi32, #tpu.memory_space<vmem>>, vector<16xi32>,
    %swap3A_1434 = vector.shape_cast %swap3A_1433 : vector<16xi32> to vector<16xi32>
    %swap3A_1435 = vector.shape_cast %select_n3A_1431 : vector<16xi32> to vector<16xi32>
    tpu.vector_store %arg9[%swap3A_1432], %swap3A_1435 {strides = array<i32>} : memref<512xi32, #tpu.memory_space<vmem>>, vector<16xi32>,
    %get3A_1436 = arith.constant 224 : index
    %get3A_1437 = tpu.vector_load %arg8[%get3A_1436] {strides = array<i32>} : memref<512xi32, #tpu.memory_space<vmem>>, vector<16xi32>,
    %get3A_1438 = vector.shape_cast %get3A_1437 : vector<16xi32> to vector<16xi32>
    %shift_right_arithmetic3A_1439 = arith.constant 9 : i32
    %shift_right_arithmetic3A_1440 = vector.broadcast %shift_right_arithmetic3A_1439 : i32 to vector<16xi32>
    %shift_right_arithmetic3A_1441 = arith.shrsi %get3A_1438, %shift_right_arithmetic3A_1440 : vector<16xi32>
    %shift_left3A_1442 = arith.constant 7 : i32
    %shift_left3A_1443 = vector.broadcast %shift_left3A_1442 : i32 to vector<16xi32>
    %shift_left3A_1444 = arith.shli %shift_right_arithmetic3A_1441, %shift_left3A_1443 : vector<16xi32>
    %and3A_1445 = arith.constant 127 : i32
    %and3A_1446 = vector.broadcast %and3A_1445 : i32 to vector<16xi32>
    %and3A_1447 = arith.andi %get3A_1438, %and3A_1446 : vector<16xi32>
    %or3A_1448 = arith.ori %shift_left3A_1444, %and3A_1447 : vector<16xi32>
    %sub3A_1449 = arith.constant 999936 : i32
    %sub3A_1450 = vector.broadcast %sub3A_1449 : i32 to vector<16xi32>
    %sub3A_1451 = arith.subi %get3A_1438, %sub3A_1450 : vector<16xi32>
    %and3A_1452 = arith.constant 15 : i32
    %and3A_1453 = vector.broadcast %and3A_1452 : i32 to vector<16xi32>
    %and3A_1454 = arith.andi %sub3A_1451, %and3A_1453 : vector<16xi32>
    %add3A_1455 = arith.constant 249984 : i32
    %add3A_1456 = vector.broadcast %add3A_1455 : i32 to vector<16xi32>
    %add3A_1457 = arith.addi %add3A_1456, %and3A_1454 : vector<16xi32>
    %lt3A_1458 = arith.constant 999936 : i32
    %lt3A_1459 = vector.broadcast %lt3A_1458 : i32 to vector<16xi32>
    %lt3A_1460 = arith.cmpi slt, %get3A_1438, %lt3A_1459 : vector<16xi32>
    %select_n3A_1461 = arith.select %lt3A_1460, %or3A_1448, %add3A_1457 : vector<16xi1>, vector<16xi32>
    %swap3A_1462 = arith.constant 224 : index
    %swap3A_1463 = tpu.vector_load %arg9[%swap3A_1462] {strides = array<i32>} : memref<512xi32, #tpu.memory_space<vmem>>, vector<16xi32>,
    %swap3A_1464 = vector.shape_cast %swap3A_1463 : vector<16xi32> to vector<16xi32>
    %swap3A_1465 = vector.shape_cast %select_n3A_1461 : vector<16xi32> to vector<16xi32>
    tpu.vector_store %arg9[%swap3A_1462], %swap3A_1465 {strides = array<i32>} : memref<512xi32, #tpu.memory_space<vmem>>, vector<16xi32>,
    %get3A_1466 = arith.constant 240 : index
    %get3A_1467 = tpu.vector_load %arg8[%get3A_1466] {strides = array<i32>} : memref<512xi32, #tpu.memory_space<vmem>>, vector<16xi32>,
    %get3A_1468 = vector.shape_cast %get3A_1467 : vector<16xi32> to vector<16xi32>
    %shift_right_arithmetic3A_1469 = arith.constant 9 : i32
    %shift_right_arithmetic3A_1470 = vector.broadcast %shift_right_arithmetic3A_1469 : i32 to vector<16xi32>
    %shift_right_arithmetic3A_1471 = arith.shrsi %get3A_1468, %shift_right_arithmetic3A_1470 : vector<16xi32>
    %shift_left3A_1472 = arith.constant 7 : i32
    %shift_left3A_1473 = vector.broadcast %shift_left3A_1472 : i32 to vector<16xi32>
    %shift_left3A_1474 = arith.shli %shift_right_arithmetic3A_1471, %shift_left3A_1473 : vector<16xi32>
    %and3A_1475 = arith.constant 127 : i32
    %and3A_1476 = vector.broadcast %and3A_1475 : i32 to vector<16xi32>
    %and3A_1477 = arith.andi %get3A_1468, %and3A_1476 : vector<16xi32>
    %or3A_1478 = arith.ori %shift_left3A_1474, %and3A_1477 : vector<16xi32>
    %sub3A_1479 = arith.constant 999936 : i32
    %sub3A_1480 = vector.broadcast %sub3A_1479 : i32 to vector<16xi32>
    %sub3A_1481 = arith.subi %get3A_1468, %sub3A_1480 : vector<16xi32>
    %and3A_1482 = arith.constant 15 : i32
    %and3A_1483 = vector.broadcast %and3A_1482 : i32 to vector<16xi32>
    %and3A_1484 = arith.andi %sub3A_1481, %and3A_1483 : vector<16xi32>
    %add3A_1485 = arith.constant 249984 : i32
    %add3A_1486 = vector.broadcast %add3A_1485 : i32 to vector<16xi32>
    %add3A_1487 = arith.addi %add3A_1486, %and3A_1484 : vector<16xi32>
    %lt3A_1488 = arith.constant 999936 : i32
    %lt3A_1489 = vector.broadcast %lt3A_1488 : i32 to vector<16xi32>
    %lt3A_1490 = arith.cmpi slt, %get3A_1468, %lt3A_1489 : vector<16xi32>
    %select_n3A_1491 = arith.select %lt3A_1490, %or3A_1478, %add3A_1487 : vector<16xi1>, vector<16xi32>
    %swap3A_1492 = arith.constant 240 : index
    %swap3A_1493 = tpu.vector_load %arg9[%swap3A_1492] {strides = array<i32>} : memref<512xi32, #tpu.memory_space<vmem>>, vector<16xi32>,
    %swap3A_1494 = vector.shape_cast %swap3A_1493 : vector<16xi32> to vector<16xi32>
    %swap3A_1495 = vector.shape_cast %select_n3A_1491 : vector<16xi32> to vector<16xi32>
    tpu.vector_store %arg9[%swap3A_1492], %swap3A_1495 {strides = array<i32>} : memref<512xi32, #tpu.memory_space<vmem>>, vector<16xi32>,
    %get3A_1496 = arith.constant 256 : index
    %get3A_1497 = tpu.vector_load %arg8[%get3A_1496] {strides = array<i32>} : memref<512xi32, #tpu.memory_space<vmem>>, vector<16xi32>,
    %get3A_1498 = vector.shape_cast %get3A_1497 : vector<16xi32> to vector<16xi32>
    %shift_right_arithmetic3A_1499 = arith.constant 9 : i32
    %shift_right_arithmetic3A_1500 = vector.broadcast %shift_right_arithmetic3A_1499 : i32 to vector<16xi32>
    %shift_right_arithmetic3A_1501 = arith.shrsi %get3A_1498, %shift_right_arithmetic3A_1500 : vector<16xi32>
    %shift_left3A_1502 = arith.constant 7 : i32
    %shift_left3A_1503 = vector.broadcast %shift_left3A_1502 : i32 to vector<16xi32>
    %shift_left3A_1504 = arith.shli %shift_right_arithmetic3A_1501, %shift_left3A_1503 : vector<16xi32>
    %and3A_1505 = arith.constant 127 : i32
    %and3A_1506 = vector.broadcast %and3A_1505 : i32 to vector<16xi32>
    %and3A_1507 = arith.andi %get3A_1498, %and3A_1506 : vector<16xi32>
    %or3A_1508 = arith.ori %shift_left3A_1504, %and3A_1507 : vector<16xi32>
    %sub3A_1509 = arith.constant 999936 : i32
    %sub3A_1510 = vector.broadcast %sub3A_1509 : i32 to vector<16xi32>
    %sub3A_1511 = arith.subi %get3A_1498, %sub3A_1510 : vector<16xi32>
    %and3A_1512 = arith.constant 15 : i32
    %and3A_1513 = vector.broadcast %and3A_1512 : i32 to vector<16xi32>
    %and3A_1514 = arith.andi %sub3A_1511, %and3A_1513 : vector<16xi32>
    %add3A_1515 = arith.constant 249984 : i32
    %add3A_1516 = vector.broadcast %add3A_1515 : i32 to vector<16xi32>
    %add3A_1517 = arith.addi %add3A_1516, %and3A_1514 : vector<16xi32>
    %lt3A_1518 = arith.constant 999936 : i32
    %lt3A_1519 = vector.broadcast %lt3A_1518 : i32 to vector<16xi32>
    %lt3A_1520 = arith.cmpi slt, %get3A_1498, %lt3A_1519 : vector<16xi32>
    %select_n3A_1521 = arith.select %lt3A_1520, %or3A_1508, %add3A_1517 : vector<16xi1>, vector<16xi32>
    %swap3A_1522 = arith.constant 256 : index
    %swap3A_1523 = tpu.vector_load %arg9[%swap3A_1522] {strides = array<i32>} : memref<512xi32, #tpu.memory_space<vmem>>, vector<16xi32>,
    %swap3A_1524 = vector.shape_cast %swap3A_1523 : vector<16xi32> to vector<16xi32>
    %swap3A_1525 = vector.shape_cast %select_n3A_1521 : vector<16xi32> to vector<16xi32>
    tpu.vector_store %arg9[%swap3A_1522], %swap3A_1525 {strides = array<i32>} : memref<512xi32, #tpu.memory_space<vmem>>, vector<16xi32>,
    %get3A_1526 = arith.constant 272 : index
    %get3A_1527 = tpu.vector_load %arg8[%get3A_1526] {strides = array<i32>} : memref<512xi32, #tpu.memory_space<vmem>>, vector<16xi32>,
    %get3A_1528 = vector.shape_cast %get3A_1527 : vector<16xi32> to vector<16xi32>
    %shift_right_arithmetic3A_1529 = arith.constant 9 : i32
    %shift_right_arithmetic3A_1530 = vector.broadcast %shift_right_arithmetic3A_1529 : i32 to vector<16xi32>
    %shift_right_arithmetic3A_1531 = arith.shrsi %get3A_1528, %shift_right_arithmetic3A_1530 : vector<16xi32>
    %shift_left3A_1532 = arith.constant 7 : i32
    %shift_left3A_1533 = vector.broadcast %shift_left3A_1532 : i32 to vector<16xi32>
    %shift_left3A_1534 = arith.shli %shift_right_arithmetic3A_1531, %shift_left3A_1533 : vector<16xi32>
    %and3A_1535 = arith.constant 127 : i32
    %and3A_1536 = vector.broadcast %and3A_1535 : i32 to vector<16xi32>
    %and3A_1537 = arith.andi %get3A_1528, %and3A_1536 : vector<16xi32>
    %or3A_1538 = arith.ori %shift_left3A_1534, %and3A_1537 : vector<16xi32>
    %sub3A_1539 = arith.constant 999936 : i32
    %sub3A_1540 = vector.broadcast %sub3A_1539 : i32 to vector<16xi32>
    %sub3A_1541 = arith.subi %get3A_1528, %sub3A_1540 : vector<16xi32>
    %and3A_1542 = arith.constant 15 : i32
    %and3A_1543 = vector.broadcast %and3A_1542 : i32 to vector<16xi32>
    %and3A_1544 = arith.andi %sub3A_1541, %and3A_1543 : vector<16xi32>
    %add3A_1545 = arith.constant 249984 : i32
    %add3A_1546 = vector.broadcast %add3A_1545 : i32 to vector<16xi32>
    %add3A_1547 = arith.addi %add3A_1546, %and3A_1544 : vector<16xi32>
    %lt3A_1548 = arith.constant 999936 : i32
    %lt3A_1549 = vector.broadcast %lt3A_1548 : i32 to vector<16xi32>
    %lt3A_1550 = arith.cmpi slt, %get3A_1528, %lt3A_1549 : vector<16xi32>
    %select_n3A_1551 = arith.select %lt3A_1550, %or3A_1538, %add3A_1547 : vector<16xi1>, vector<16xi32>
    %swap3A_1552 = arith.constant 272 : index
    %swap3A_1553 = tpu.vector_load %arg9[%swap3A_1552] {strides = array<i32>} : memref<512xi32, #tpu.memory_space<vmem>>, vector<16xi32>,
    %swap3A_1554 = vector.shape_cast %swap3A_1553 : vector<16xi32> to vector<16xi32>
    %swap3A_1555 = vector.shape_cast %select_n3A_1551 : vector<16xi32> to vector<16xi32>
    tpu.vector_store %arg9[%swap3A_1552], %swap3A_1555 {strides = array<i32>} : memref<512xi32, #tpu.memory_space<vmem>>, vector<16xi32>,
    %get3A_1556 = arith.constant 288 : index
    %get3A_1557 = tpu.vector_load %arg8[%get3A_1556] {strides = array<i32>} : memref<512xi32, #tpu.memory_space<vmem>>, vector<16xi32>,
    %get3A_1558 = vector.shape_cast %get3A_1557 : vector<16xi32> to vector<16xi32>
    %shift_right_arithmetic3A_1559 = arith.constant 9 : i32
    %shift_right_arithmetic3A_1560 = vector.broadcast %shift_right_arithmetic3A_1559 : i32 to vector<16xi32>
    %shift_right_arithmetic3A_1561 = arith.shrsi %get3A_1558, %shift_right_arithmetic3A_1560 : vector<16xi32>
    %shift_left3A_1562 = arith.constant 7 : i32
    %shift_left3A_1563 = vector.broadcast %shift_left3A_1562 : i32 to vector<16xi32>
    %shift_left3A_1564 = arith.shli %shift_right_arithmetic3A_1561, %shift_left3A_1563 : vector<16xi32>
    %and3A_1565 = arith.constant 127 : i32
    %and3A_1566 = vector.broadcast %and3A_1565 : i32 to vector<16xi32>
    %and3A_1567 = arith.andi %get3A_1558, %and3A_1566 : vector<16xi32>
    %or3A_1568 = arith.ori %shift_left3A_1564, %and3A_1567 : vector<16xi32>
    %sub3A_1569 = arith.constant 999936 : i32
    %sub3A_1570 = vector.broadcast %sub3A_1569 : i32 to vector<16xi32>
    %sub3A_1571 = arith.subi %get3A_1558, %sub3A_1570 : vector<16xi32>
    %and3A_1572 = arith.constant 15 : i32
    %and3A_1573 = vector.broadcast %and3A_1572 : i32 to vector<16xi32>
    %and3A_1574 = arith.andi %sub3A_1571, %and3A_1573 : vector<16xi32>
    %add3A_1575 = arith.constant 249984 : i32
    %add3A_1576 = vector.broadcast %add3A_1575 : i32 to vector<16xi32>
    %add3A_1577 = arith.addi %add3A_1576, %and3A_1574 : vector<16xi32>
    %lt3A_1578 = arith.constant 999936 : i32
    %lt3A_1579 = vector.broadcast %lt3A_1578 : i32 to vector<16xi32>
    %lt3A_1580 = arith.cmpi slt, %get3A_1558, %lt3A_1579 : vector<16xi32>
    %select_n3A_1581 = arith.select %lt3A_1580, %or3A_1568, %add3A_1577 : vector<16xi1>, vector<16xi32>
    %swap3A_1582 = arith.constant 288 : index
    %swap3A_1583 = tpu.vector_load %arg9[%swap3A_1582] {strides = array<i32>} : memref<512xi32, #tpu.memory_space<vmem>>, vector<16xi32>,
    %swap3A_1584 = vector.shape_cast %swap3A_1583 : vector<16xi32> to vector<16xi32>
    %swap3A_1585 = vector.shape_cast %select_n3A_1581 : vector<16xi32> to vector<16xi32>
    tpu.vector_store %arg9[%swap3A_1582], %swap3A_1585 {strides = array<i32>} : memref<512xi32, #tpu.memory_space<vmem>>, vector<16xi32>,
    %get3A_1586 = arith.constant 304 : index
    %get3A_1587 = tpu.vector_load %arg8[%get3A_1586] {strides = array<i32>} : memref<512xi32, #tpu.memory_space<vmem>>, vector<16xi32>,
    %get3A_1588 = vector.shape_cast %get3A_1587 : vector<16xi32> to vector<16xi32>
    %shift_right_arithmetic3A_1589 = arith.constant 9 : i32
    %shift_right_arithmetic3A_1590 = vector.broadcast %shift_right_arithmetic3A_1589 : i32 to vector<16xi32>
    %shift_right_arithmetic3A_1591 = arith.shrsi %get3A_1588, %shift_right_arithmetic3A_1590 : vector<16xi32>
    %shift_left3A_1592 = arith.constant 7 : i32
    %shift_left3A_1593 = vector.broadcast %shift_left3A_1592 : i32 to vector<16xi32>
    %shift_left3A_1594 = arith.shli %shift_right_arithmetic3A_1591, %shift_left3A_1593 : vector<16xi32>
    %and3A_1595 = arith.constant 127 : i32
    %and3A_1596 = vector.broadcast %and3A_1595 : i32 to vector<16xi32>
    %and3A_1597 = arith.andi %get3A_1588, %and3A_1596 : vector<16xi32>
    %or3A_1598 = arith.ori %shift_left3A_1594, %and3A_1597 : vector<16xi32>
    %sub3A_1599 = arith.constant 999936 : i32
    %sub3A_1600 = vector.broadcast %sub3A_1599 : i32 to vector<16xi32>
    %sub3A_1601 = arith.subi %get3A_1588, %sub3A_1600 : vector<16xi32>
    %and3A_1602 = arith.constant 15 : i32
    %and3A_1603 = vector.broadcast %and3A_1602 : i32 to vector<16xi32>
    %and3A_1604 = arith.andi %sub3A_1601, %and3A_1603 : vector<16xi32>
    %add3A_1605 = arith.constant 249984 : i32
    %add3A_1606 = vector.broadcast %add3A_1605 : i32 to vector<16xi32>
    %add3A_1607 = arith.addi %add3A_1606, %and3A_1604 : vector<16xi32>
    %lt3A_1608 = arith.constant 999936 : i32
    %lt3A_1609 = vector.broadcast %lt3A_1608 : i32 to vector<16xi32>
    %lt3A_1610 = arith.cmpi slt, %get3A_1588, %lt3A_1609 : vector<16xi32>
    %select_n3A_1611 = arith.select %lt3A_1610, %or3A_1598, %add3A_1607 : vector<16xi1>, vector<16xi32>
    %swap3A_1612 = arith.constant 304 : index
    %swap3A_1613 = tpu.vector_load %arg9[%swap3A_1612] {strides = array<i32>} : memref<512xi32, #tpu.memory_space<vmem>>, vector<16xi32>,
    %swap3A_1614 = vector.shape_cast %swap3A_1613 : vector<16xi32> to vector<16xi32>
    %swap3A_1615 = vector.shape_cast %select_n3A_1611 : vector<16xi32> to vector<16xi32>
    tpu.vector_store %arg9[%swap3A_1612], %swap3A_1615 {strides = array<i32>} : memref<512xi32, #tpu.memory_space<vmem>>, vector<16xi32>,
    %get3A_1616 = arith.constant 320 : index
    %get3A_1617 = tpu.vector_load %arg8[%get3A_1616] {strides = array<i32>} : memref<512xi32, #tpu.memory_space<vmem>>, vector<16xi32>,
    %get3A_1618 = vector.shape_cast %get3A_1617 : vector<16xi32> to vector<16xi32>
    %shift_right_arithmetic3A_1619 = arith.constant 9 : i32
    %shift_right_arithmetic3A_1620 = vector.broadcast %shift_right_arithmetic3A_1619 : i32 to vector<16xi32>
    %shift_right_arithmetic3A_1621 = arith.shrsi %get3A_1618, %shift_right_arithmetic3A_1620 : vector<16xi32>
    %shift_left3A_1622 = arith.constant 7 : i32
    %shift_left3A_1623 = vector.broadcast %shift_left3A_1622 : i32 to vector<16xi32>
    %shift_left3A_1624 = arith.shli %shift_right_arithmetic3A_1621, %shift_left3A_1623 : vector<16xi32>
    %and3A_1625 = arith.constant 127 : i32
    %and3A_1626 = vector.broadcast %and3A_1625 : i32 to vector<16xi32>
    %and3A_1627 = arith.andi %get3A_1618, %and3A_1626 : vector<16xi32>
    %or3A_1628 = arith.ori %shift_left3A_1624, %and3A_1627 : vector<16xi32>
    %sub3A_1629 = arith.constant 999936 : i32
    %sub3A_1630 = vector.broadcast %sub3A_1629 : i32 to vector<16xi32>
    %sub3A_1631 = arith.subi %get3A_1618, %sub3A_1630 : vector<16xi32>
    %and3A_1632 = arith.constant 15 : i32
    %and3A_1633 = vector.broadcast %and3A_1632 : i32 to vector<16xi32>
    %and3A_1634 = arith.andi %sub3A_1631, %and3A_1633 : vector<16xi32>
    %add3A_1635 = arith.constant 249984 : i32
    %add3A_1636 = vector.broadcast %add3A_1635 : i32 to vector<16xi32>
    %add3A_1637 = arith.addi %add3A_1636, %and3A_1634 : vector<16xi32>
    %lt3A_1638 = arith.constant 999936 : i32
    %lt3A_1639 = vector.broadcast %lt3A_1638 : i32 to vector<16xi32>
    %lt3A_1640 = arith.cmpi slt, %get3A_1618, %lt3A_1639 : vector<16xi32>
    %select_n3A_1641 = arith.select %lt3A_1640, %or3A_1628, %add3A_1637 : vector<16xi1>, vector<16xi32>
    %swap3A_1642 = arith.constant 320 : index
    %swap3A_1643 = tpu.vector_load %arg9[%swap3A_1642] {strides = array<i32>} : memref<512xi32, #tpu.memory_space<vmem>>, vector<16xi32>,
    %swap3A_1644 = vector.shape_cast %swap3A_1643 : vector<16xi32> to vector<16xi32>
    %swap3A_1645 = vector.shape_cast %select_n3A_1641 : vector<16xi32> to vector<16xi32>
    tpu.vector_store %arg9[%swap3A_1642], %swap3A_1645 {strides = array<i32>} : memref<512xi32, #tpu.memory_space<vmem>>, vector<16xi32>,
    %get3A_1646 = arith.constant 336 : index
    %get3A_1647 = tpu.vector_load %arg8[%get3A_1646] {strides = array<i32>} : memref<512xi32, #tpu.memory_space<vmem>>, vector<16xi32>,
    %get3A_1648 = vector.shape_cast %get3A_1647 : vector<16xi32> to vector<16xi32>
    %shift_right_arithmetic3A_1649 = arith.constant 9 : i32
    %shift_right_arithmetic3A_1650 = vector.broadcast %shift_right_arithmetic3A_1649 : i32 to vector<16xi32>
    %shift_right_arithmetic3A_1651 = arith.shrsi %get3A_1648, %shift_right_arithmetic3A_1650 : vector<16xi32>
    %shift_left3A_1652 = arith.constant 7 : i32
    %shift_left3A_1653 = vector.broadcast %shift_left3A_1652 : i32 to vector<16xi32>
    %shift_left3A_1654 = arith.shli %shift_right_arithmetic3A_1651, %shift_left3A_1653 : vector<16xi32>
    %and3A_1655 = arith.constant 127 : i32
    %and3A_1656 = vector.broadcast %and3A_1655 : i32 to vector<16xi32>
    %and3A_1657 = arith.andi %get3A_1648, %and3A_1656 : vector<16xi32>
    %or3A_1658 = arith.ori %shift_left3A_1654, %and3A_1657 : vector<16xi32>
    %sub3A_1659 = arith.constant 999936 : i32
    %sub3A_1660 = vector.broadcast %sub3A_1659 : i32 to vector<16xi32>
    %sub3A_1661 = arith.subi %get3A_1648, %sub3A_1660 : vector<16xi32>
    %and3A_1662 = arith.constant 15 : i32
    %and3A_1663 = vector.broadcast %and3A_1662 : i32 to vector<16xi32>
    %and3A_1664 = arith.andi %sub3A_1661, %and3A_1663 : vector<16xi32>
    %add3A_1665 = arith.constant 249984 : i32
    %add3A_1666 = vector.broadcast %add3A_1665 : i32 to vector<16xi32>
    %add3A_1667 = arith.addi %add3A_1666, %and3A_1664 : vector<16xi32>
    %lt3A_1668 = arith.constant 999936 : i32
    %lt3A_1669 = vector.broadcast %lt3A_1668 : i32 to vector<16xi32>
    %lt3A_1670 = arith.cmpi slt, %get3A_1648, %lt3A_1669 : vector<16xi32>
    %select_n3A_1671 = arith.select %lt3A_1670, %or3A_1658, %add3A_1667 : vector<16xi1>, vector<16xi32>
    %swap3A_1672 = arith.constant 336 : index
    %swap3A_1673 = tpu.vector_load %arg9[%swap3A_1672] {strides = array<i32>} : memref<512xi32, #tpu.memory_space<vmem>>, vector<16xi32>,
    %swap3A_1674 = vector.shape_cast %swap3A_1673 : vector<16xi32> to vector<16xi32>
    %swap3A_1675 = vector.shape_cast %select_n3A_1671 : vector<16xi32> to vector<16xi32>
    tpu.vector_store %arg9[%swap3A_1672], %swap3A_1675 {strides = array<i32>} : memref<512xi32, #tpu.memory_space<vmem>>, vector<16xi32>,
    %get3A_1676 = arith.constant 352 : index
    %get3A_1677 = tpu.vector_load %arg8[%get3A_1676] {strides = array<i32>} : memref<512xi32, #tpu.memory_space<vmem>>, vector<16xi32>,
    %get3A_1678 = vector.shape_cast %get3A_1677 : vector<16xi32> to vector<16xi32>
    %shift_right_arithmetic3A_1679 = arith.constant 9 : i32
    %shift_right_arithmetic3A_1680 = vector.broadcast %shift_right_arithmetic3A_1679 : i32 to vector<16xi32>
    %shift_right_arithmetic3A_1681 = arith.shrsi %get3A_1678, %shift_right_arithmetic3A_1680 : vector<16xi32>
    %shift_left3A_1682 = arith.constant 7 : i32
    %shift_left3A_1683 = vector.broadcast %shift_left3A_1682 : i32 to vector<16xi32>
    %shift_left3A_1684 = arith.shli %shift_right_arithmetic3A_1681, %shift_left3A_1683 : vector<16xi32>
    %and3A_1685 = arith.constant 127 : i32
    %and3A_1686 = vector.broadcast %and3A_1685 : i32 to vector<16xi32>
    %and3A_1687 = arith.andi %get3A_1678, %and3A_1686 : vector<16xi32>
    %or3A_1688 = arith.ori %shift_left3A_1684, %and3A_1687 : vector<16xi32>
    %sub3A_1689 = arith.constant 999936 : i32
    %sub3A_1690 = vector.broadcast %sub3A_1689 : i32 to vector<16xi32>
    %sub3A_1691 = arith.subi %get3A_1678, %sub3A_1690 : vector<16xi32>
    %and3A_1692 = arith.constant 15 : i32
    %and3A_1693 = vector.broadcast %and3A_1692 : i32 to vector<16xi32>
    %and3A_1694 = arith.andi %sub3A_1691, %and3A_1693 : vector<16xi32>
    %add3A_1695 = arith.constant 249984 : i32
    %add3A_1696 = vector.broadcast %add3A_1695 : i32 to vector<16xi32>
    %add3A_1697 = arith.addi %add3A_1696, %and3A_1694 : vector<16xi32>
    %lt3A_1698 = arith.constant 999936 : i32
    %lt3A_1699 = vector.broadcast %lt3A_1698 : i32 to vector<16xi32>
    %lt3A_1700 = arith.cmpi slt, %get3A_1678, %lt3A_1699 : vector<16xi32>
    %select_n3A_1701 = arith.select %lt3A_1700, %or3A_1688, %add3A_1697 : vector<16xi1>, vector<16xi32>
    %swap3A_1702 = arith.constant 352 : index
    %swap3A_1703 = tpu.vector_load %arg9[%swap3A_1702] {strides = array<i32>} : memref<512xi32, #tpu.memory_space<vmem>>, vector<16xi32>,
    %swap3A_1704 = vector.shape_cast %swap3A_1703 : vector<16xi32> to vector<16xi32>
    %swap3A_1705 = vector.shape_cast %select_n3A_1701 : vector<16xi32> to vector<16xi32>
    tpu.vector_store %arg9[%swap3A_1702], %swap3A_1705 {strides = array<i32>} : memref<512xi32, #tpu.memory_space<vmem>>, vector<16xi32>,
    %get3A_1706 = arith.constant 368 : index
    %get3A_1707 = tpu.vector_load %arg8[%get3A_1706] {strides = array<i32>} : memref<512xi32, #tpu.memory_space<vmem>>, vector<16xi32>,
    %get3A_1708 = vector.shape_cast %get3A_1707 : vector<16xi32> to vector<16xi32>
    %shift_right_arithmetic3A_1709 = arith.constant 9 : i32
    %shift_right_arithmetic3A_1710 = vector.broadcast %shift_right_arithmetic3A_1709 : i32 to vector<16xi32>
    %shift_right_arithmetic3A_1711 = arith.shrsi %get3A_1708, %shift_right_arithmetic3A_1710 : vector<16xi32>
    %shift_left3A_1712 = arith.constant 7 : i32
    %shift_left3A_1713 = vector.broadcast %shift_left3A_1712 : i32 to vector<16xi32>
    %shift_left3A_1714 = arith.shli %shift_right_arithmetic3A_1711, %shift_left3A_1713 : vector<16xi32>
    %and3A_1715 = arith.constant 127 : i32
    %and3A_1716 = vector.broadcast %and3A_1715 : i32 to vector<16xi32>
    %and3A_1717 = arith.andi %get3A_1708, %and3A_1716 : vector<16xi32>
    %or3A_1718 = arith.ori %shift_left3A_1714, %and3A_1717 : vector<16xi32>
    %sub3A_1719 = arith.constant 999936 : i32
    %sub3A_1720 = vector.broadcast %sub3A_1719 : i32 to vector<16xi32>
    %sub3A_1721 = arith.subi %get3A_1708, %sub3A_1720 : vector<16xi32>
    %and3A_1722 = arith.constant 15 : i32
    %and3A_1723 = vector.broadcast %and3A_1722 : i32 to vector<16xi32>
    %and3A_1724 = arith.andi %sub3A_1721, %and3A_1723 : vector<16xi32>
    %add3A_1725 = arith.constant 249984 : i32
    %add3A_1726 = vector.broadcast %add3A_1725 : i32 to vector<16xi32>
    %add3A_1727 = arith.addi %add3A_1726, %and3A_1724 : vector<16xi32>
    %lt3A_1728 = arith.constant 999936 : i32
    %lt3A_1729 = vector.broadcast %lt3A_1728 : i32 to vector<16xi32>
    %lt3A_1730 = arith.cmpi slt, %get3A_1708, %lt3A_1729 : vector<16xi32>
    %select_n3A_1731 = arith.select %lt3A_1730, %or3A_1718, %add3A_1727 : vector<16xi1>, vector<16xi32>
    %swap3A_1732 = arith.constant 368 : index
    %swap3A_1733 = tpu.vector_load %arg9[%swap3A_1732] {strides = array<i32>} : memref<512xi32, #tpu.memory_space<vmem>>, vector<16xi32>,
    %swap3A_1734 = vector.shape_cast %swap3A_1733 : vector<16xi32> to vector<16xi32>
    %swap3A_1735 = vector.shape_cast %select_n3A_1731 : vector<16xi32> to vector<16xi32>
    tpu.vector_store %arg9[%swap3A_1732], %swap3A_1735 {strides = array<i32>} : memref<512xi32, #tpu.memory_space<vmem>>, vector<16xi32>,
    %get3A_1736 = arith.constant 384 : index
    %get3A_1737 = tpu.vector_load %arg8[%get3A_1736] {strides = array<i32>} : memref<512xi32, #tpu.memory_space<vmem>>, vector<16xi32>,
    %get3A_1738 = vector.shape_cast %get3A_1737 : vector<16xi32> to vector<16xi32>
    %shift_right_arithmetic3A_1739 = arith.constant 9 : i32
    %shift_right_arithmetic3A_1740 = vector.broadcast %shift_right_arithmetic3A_1739 : i32 to vector<16xi32>
    %shift_right_arithmetic3A_1741 = arith.shrsi %get3A_1738, %shift_right_arithmetic3A_1740 : vector<16xi32>
    %shift_left3A_1742 = arith.constant 7 : i32
    %shift_left3A_1743 = vector.broadcast %shift_left3A_1742 : i32 to vector<16xi32>
    %shift_left3A_1744 = arith.shli %shift_right_arithmetic3A_1741, %shift_left3A_1743 : vector<16xi32>
    %and3A_1745 = arith.constant 127 : i32
    %and3A_1746 = vector.broadcast %and3A_1745 : i32 to vector<16xi32>
    %and3A_1747 = arith.andi %get3A_1738, %and3A_1746 : vector<16xi32>
    %or3A_1748 = arith.ori %shift_left3A_1744, %and3A_1747 : vector<16xi32>
    %sub3A_1749 = arith.constant 999936 : i32
    %sub3A_1750 = vector.broadcast %sub3A_1749 : i32 to vector<16xi32>
    %sub3A_1751 = arith.subi %get3A_1738, %sub3A_1750 : vector<16xi32>
    %and3A_1752 = arith.constant 15 : i32
    %and3A_1753 = vector.broadcast %and3A_1752 : i32 to vector<16xi32>
    %and3A_1754 = arith.andi %sub3A_1751, %and3A_1753 : vector<16xi32>
    %add3A_1755 = arith.constant 249984 : i32
    %add3A_1756 = vector.broadcast %add3A_1755 : i32 to vector<16xi32>
    %add3A_1757 = arith.addi %add3A_1756, %and3A_1754 : vector<16xi32>
    %lt3A_1758 = arith.constant 999936 : i32
    %lt3A_1759 = vector.broadcast %lt3A_1758 : i32 to vector<16xi32>
    %lt3A_1760 = arith.cmpi slt, %get3A_1738, %lt3A_1759 : vector<16xi32>
    %select_n3A_1761 = arith.select %lt3A_1760, %or3A_1748, %add3A_1757 : vector<16xi1>, vector<16xi32>
    %swap3A_1762 = arith.constant 384 : index
    %swap3A_1763 = tpu.vector_load %arg9[%swap3A_1762] {strides = array<i32>} : memref<512xi32, #tpu.memory_space<vmem>>, vector<16xi32>,
    %swap3A_1764 = vector.shape_cast %swap3A_1763 : vector<16xi32> to vector<16xi32>
    %swap3A_1765 = vector.shape_cast %select_n3A_1761 : vector<16xi32> to vector<16xi32>
    tpu.vector_store %arg9[%swap3A_1762], %swap3A_1765 {strides = array<i32>} : memref<512xi32, #tpu.memory_space<vmem>>, vector<16xi32>,
    %get3A_1766 = arith.constant 400 : index
    %get3A_1767 = tpu.vector_load %arg8[%get3A_1766] {strides = array<i32>} : memref<512xi32, #tpu.memory_space<vmem>>, vector<16xi32>,
    %get3A_1768 = vector.shape_cast %get3A_1767 : vector<16xi32> to vector<16xi32>
    %shift_right_arithmetic3A_1769 = arith.constant 9 : i32
    %shift_right_arithmetic3A_1770 = vector.broadcast %shift_right_arithmetic3A_1769 : i32 to vector<16xi32>
    %shift_right_arithmetic3A_1771 = arith.shrsi %get3A_1768, %shift_right_arithmetic3A_1770 : vector<16xi32>
    %shift_left3A_1772 = arith.constant 7 : i32
    %shift_left3A_1773 = vector.broadcast %shift_left3A_1772 : i32 to vector<16xi32>
    %shift_left3A_1774 = arith.shli %shift_right_arithmetic3A_1771, %shift_left3A_1773 : vector<16xi32>
    %and3A_1775 = arith.constant 127 : i32
    %and3A_1776 = vector.broadcast %and3A_1775 : i32 to vector<16xi32>
    %and3A_1777 = arith.andi %get3A_1768, %and3A_1776 : vector<16xi32>
    %or3A_1778 = arith.ori %shift_left3A_1774, %and3A_1777 : vector<16xi32>
    %sub3A_1779 = arith.constant 999936 : i32
    %sub3A_1780 = vector.broadcast %sub3A_1779 : i32 to vector<16xi32>
    %sub3A_1781 = arith.subi %get3A_1768, %sub3A_1780 : vector<16xi32>
    %and3A_1782 = arith.constant 15 : i32
    %and3A_1783 = vector.broadcast %and3A_1782 : i32 to vector<16xi32>
    %and3A_1784 = arith.andi %sub3A_1781, %and3A_1783 : vector<16xi32>
    %add3A_1785 = arith.constant 249984 : i32
    %add3A_1786 = vector.broadcast %add3A_1785 : i32 to vector<16xi32>
    %add3A_1787 = arith.addi %add3A_1786, %and3A_1784 : vector<16xi32>
    %lt3A_1788 = arith.constant 999936 : i32
    %lt3A_1789 = vector.broadcast %lt3A_1788 : i32 to vector<16xi32>
    %lt3A_1790 = arith.cmpi slt, %get3A_1768, %lt3A_1789 : vector<16xi32>
    %select_n3A_1791 = arith.select %lt3A_1790, %or3A_1778, %add3A_1787 : vector<16xi1>, vector<16xi32>
    %swap3A_1792 = arith.constant 400 : index
    %swap3A_1793 = tpu.vector_load %arg9[%swap3A_1792] {strides = array<i32>} : memref<512xi32, #tpu.memory_space<vmem>>, vector<16xi32>,
    %swap3A_1794 = vector.shape_cast %swap3A_1793 : vector<16xi32> to vector<16xi32>
    %swap3A_1795 = vector.shape_cast %select_n3A_1791 : vector<16xi32> to vector<16xi32>
    tpu.vector_store %arg9[%swap3A_1792], %swap3A_1795 {strides = array<i32>} : memref<512xi32, #tpu.memory_space<vmem>>, vector<16xi32>,
    %get3A_1796 = arith.constant 416 : index
    %get3A_1797 = tpu.vector_load %arg8[%get3A_1796] {strides = array<i32>} : memref<512xi32, #tpu.memory_space<vmem>>, vector<16xi32>,
    %get3A_1798 = vector.shape_cast %get3A_1797 : vector<16xi32> to vector<16xi32>
    %shift_right_arithmetic3A_1799 = arith.constant 9 : i32
    %shift_right_arithmetic3A_1800 = vector.broadcast %shift_right_arithmetic3A_1799 : i32 to vector<16xi32>
    %shift_right_arithmetic3A_1801 = arith.shrsi %get3A_1798, %shift_right_arithmetic3A_1800 : vector<16xi32>
    %shift_left3A_1802 = arith.constant 7 : i32
    %shift_left3A_1803 = vector.broadcast %shift_left3A_1802 : i32 to vector<16xi32>
    %shift_left3A_1804 = arith.shli %shift_right_arithmetic3A_1801, %shift_left3A_1803 : vector<16xi32>
    %and3A_1805 = arith.constant 127 : i32
    %and3A_1806 = vector.broadcast %and3A_1805 : i32 to vector<16xi32>
    %and3A_1807 = arith.andi %get3A_1798, %and3A_1806 : vector<16xi32>
    %or3A_1808 = arith.ori %shift_left3A_1804, %and3A_1807 : vector<16xi32>
    %sub3A_1809 = arith.constant 999936 : i32
    %sub3A_1810 = vector.broadcast %sub3A_1809 : i32 to vector<16xi32>
    %sub3A_1811 = arith.subi %get3A_1798, %sub3A_1810 : vector<16xi32>
    %and3A_1812 = arith.constant 15 : i32
    %and3A_1813 = vector.broadcast %and3A_1812 : i32 to vector<16xi32>
    %and3A_1814 = arith.andi %sub3A_1811, %and3A_1813 : vector<16xi32>
    %add3A_1815 = arith.constant 249984 : i32
    %add3A_1816 = vector.broadcast %add3A_1815 : i32 to vector<16xi32>
    %add3A_1817 = arith.addi %add3A_1816, %and3A_1814 : vector<16xi32>
    %lt3A_1818 = arith.constant 999936 : i32
    %lt3A_1819 = vector.broadcast %lt3A_1818 : i32 to vector<16xi32>
    %lt3A_1820 = arith.cmpi slt, %get3A_1798, %lt3A_1819 : vector<16xi32>
    %select_n3A_1821 = arith.select %lt3A_1820, %or3A_1808, %add3A_1817 : vector<16xi1>, vector<16xi32>
    %swap3A_1822 = arith.constant 416 : index
    %swap3A_1823 = tpu.vector_load %arg9[%swap3A_1822] {strides = array<i32>} : memref<512xi32, #tpu.memory_space<vmem>>, vector<16xi32>,
    %swap3A_1824 = vector.shape_cast %swap3A_1823 : vector<16xi32> to vector<16xi32>
    %swap3A_1825 = vector.shape_cast %select_n3A_1821 : vector<16xi32> to vector<16xi32>
    tpu.vector_store %arg9[%swap3A_1822], %swap3A_1825 {strides = array<i32>} : memref<512xi32, #tpu.memory_space<vmem>>, vector<16xi32>,
    %get3A_1826 = arith.constant 432 : index
    %get3A_1827 = tpu.vector_load %arg8[%get3A_1826] {strides = array<i32>} : memref<512xi32, #tpu.memory_space<vmem>>, vector<16xi32>,
    %get3A_1828 = vector.shape_cast %get3A_1827 : vector<16xi32> to vector<16xi32>
    %shift_right_arithmetic3A_1829 = arith.constant 9 : i32
    %shift_right_arithmetic3A_1830 = vector.broadcast %shift_right_arithmetic3A_1829 : i32 to vector<16xi32>
    %shift_right_arithmetic3A_1831 = arith.shrsi %get3A_1828, %shift_right_arithmetic3A_1830 : vector<16xi32>
    %shift_left3A_1832 = arith.constant 7 : i32
    %shift_left3A_1833 = vector.broadcast %shift_left3A_1832 : i32 to vector<16xi32>
    %shift_left3A_1834 = arith.shli %shift_right_arithmetic3A_1831, %shift_left3A_1833 : vector<16xi32>
    %and3A_1835 = arith.constant 127 : i32
    %and3A_1836 = vector.broadcast %and3A_1835 : i32 to vector<16xi32>
    %and3A_1837 = arith.andi %get3A_1828, %and3A_1836 : vector<16xi32>
    %or3A_1838 = arith.ori %shift_left3A_1834, %and3A_1837 : vector<16xi32>
    %sub3A_1839 = arith.constant 999936 : i32
    %sub3A_1840 = vector.broadcast %sub3A_1839 : i32 to vector<16xi32>
    %sub3A_1841 = arith.subi %get3A_1828, %sub3A_1840 : vector<16xi32>
    %and3A_1842 = arith.constant 15 : i32
    %and3A_1843 = vector.broadcast %and3A_1842 : i32 to vector<16xi32>
    %and3A_1844 = arith.andi %sub3A_1841, %and3A_1843 : vector<16xi32>
    %add3A_1845 = arith.constant 249984 : i32
    %add3A_1846 = vector.broadcast %add3A_1845 : i32 to vector<16xi32>
    %add3A_1847 = arith.addi %add3A_1846, %and3A_1844 : vector<16xi32>
    %lt3A_1848 = arith.constant 999936 : i32
    %lt3A_1849 = vector.broadcast %lt3A_1848 : i32 to vector<16xi32>
    %lt3A_1850 = arith.cmpi slt, %get3A_1828, %lt3A_1849 : vector<16xi32>
    %select_n3A_1851 = arith.select %lt3A_1850, %or3A_1838, %add3A_1847 : vector<16xi1>, vector<16xi32>
    %swap3A_1852 = arith.constant 432 : index
    %swap3A_1853 = tpu.vector_load %arg9[%swap3A_1852] {strides = array<i32>} : memref<512xi32, #tpu.memory_space<vmem>>, vector<16xi32>,
    %swap3A_1854 = vector.shape_cast %swap3A_1853 : vector<16xi32> to vector<16xi32>
    %swap3A_1855 = vector.shape_cast %select_n3A_1851 : vector<16xi32> to vector<16xi32>
    tpu.vector_store %arg9[%swap3A_1852], %swap3A_1855 {strides = array<i32>} : memref<512xi32, #tpu.memory_space<vmem>>, vector<16xi32>,
    %get3A_1856 = arith.constant 448 : index
    %get3A_1857 = tpu.vector_load %arg8[%get3A_1856] {strides = array<i32>} : memref<512xi32, #tpu.memory_space<vmem>>, vector<16xi32>,
    %get3A_1858 = vector.shape_cast %get3A_1857 : vector<16xi32> to vector<16xi32>
    %shift_right_arithmetic3A_1859 = arith.constant 9 : i32
    %shift_right_arithmetic3A_1860 = vector.broadcast %shift_right_arithmetic3A_1859 : i32 to vector<16xi32>
    %shift_right_arithmetic3A_1861 = arith.shrsi %get3A_1858, %shift_right_arithmetic3A_1860 : vector<16xi32>
    %shift_left3A_1862 = arith.constant 7 : i32
    %shift_left3A_1863 = vector.broadcast %shift_left3A_1862 : i32 to vector<16xi32>
    %shift_left3A_1864 = arith.shli %shift_right_arithmetic3A_1861, %shift_left3A_1863 : vector<16xi32>
    %and3A_1865 = arith.constant 127 : i32
    %and3A_1866 = vector.broadcast %and3A_1865 : i32 to vector<16xi32>
    %and3A_1867 = arith.andi %get3A_1858, %and3A_1866 : vector<16xi32>
    %or3A_1868 = arith.ori %shift_left3A_1864, %and3A_1867 : vector<16xi32>
    %sub3A_1869 = arith.constant 999936 : i32
    %sub3A_1870 = vector.broadcast %sub3A_1869 : i32 to vector<16xi32>
    %sub3A_1871 = arith.subi %get3A_1858, %sub3A_1870 : vector<16xi32>
    %and3A_1872 = arith.constant 15 : i32
    %and3A_1873 = vector.broadcast %and3A_1872 : i32 to vector<16xi32>
    %and3A_1874 = arith.andi %sub3A_1871, %and3A_1873 : vector<16xi32>
    %add3A_1875 = arith.constant 249984 : i32
    %add3A_1876 = vector.broadcast %add3A_1875 : i32 to vector<16xi32>
    %add3A_1877 = arith.addi %add3A_1876, %and3A_1874 : vector<16xi32>
    %lt3A_1878 = arith.constant 999936 : i32
    %lt3A_1879 = vector.broadcast %lt3A_1878 : i32 to vector<16xi32>
    %lt3A_1880 = arith.cmpi slt, %get3A_1858, %lt3A_1879 : vector<16xi32>
    %select_n3A_1881 = arith.select %lt3A_1880, %or3A_1868, %add3A_1877 : vector<16xi1>, vector<16xi32>
    %swap3A_1882 = arith.constant 448 : index
    %swap3A_1883 = tpu.vector_load %arg9[%swap3A_1882] {strides = array<i32>} : memref<512xi32, #tpu.memory_space<vmem>>, vector<16xi32>,
    %swap3A_1884 = vector.shape_cast %swap3A_1883 : vector<16xi32> to vector<16xi32>
    %swap3A_1885 = vector.shape_cast %select_n3A_1881 : vector<16xi32> to vector<16xi32>
    tpu.vector_store %arg9[%swap3A_1882], %swap3A_1885 {strides = array<i32>} : memref<512xi32, #tpu.memory_space<vmem>>, vector<16xi32>,
    %get3A_1886 = arith.constant 464 : index
    %get3A_1887 = tpu.vector_load %arg8[%get3A_1886] {strides = array<i32>} : memref<512xi32, #tpu.memory_space<vmem>>, vector<16xi32>,
    %get3A_1888 = vector.shape_cast %get3A_1887 : vector<16xi32> to vector<16xi32>
    %shift_right_arithmetic3A_1889 = arith.constant 9 : i32
    %shift_right_arithmetic3A_1890 = vector.broadcast %shift_right_arithmetic3A_1889 : i32 to vector<16xi32>
    %shift_right_arithmetic3A_1891 = arith.shrsi %get3A_1888, %shift_right_arithmetic3A_1890 : vector<16xi32>
    %shift_left3A_1892 = arith.constant 7 : i32
    %shift_left3A_1893 = vector.broadcast %shift_left3A_1892 : i32 to vector<16xi32>
    %shift_left3A_1894 = arith.shli %shift_right_arithmetic3A_1891, %shift_left3A_1893 : vector<16xi32>
    %and3A_1895 = arith.constant 127 : i32
    %and3A_1896 = vector.broadcast %and3A_1895 : i32 to vector<16xi32>
    %and3A_1897 = arith.andi %get3A_1888, %and3A_1896 : vector<16xi32>
    %or3A_1898 = arith.ori %shift_left3A_1894, %and3A_1897 : vector<16xi32>
    %sub3A_1899 = arith.constant 999936 : i32
    %sub3A_1900 = vector.broadcast %sub3A_1899 : i32 to vector<16xi32>
    %sub3A_1901 = arith.subi %get3A_1888, %sub3A_1900 : vector<16xi32>
    %and3A_1902 = arith.constant 15 : i32
    %and3A_1903 = vector.broadcast %and3A_1902 : i32 to vector<16xi32>
    %and3A_1904 = arith.andi %sub3A_1901, %and3A_1903 : vector<16xi32>
    %add3A_1905 = arith.constant 249984 : i32
    %add3A_1906 = vector.broadcast %add3A_1905 : i32 to vector<16xi32>
    %add3A_1907 = arith.addi %add3A_1906, %and3A_1904 : vector<16xi32>
    %lt3A_1908 = arith.constant 999936 : i32
    %lt3A_1909 = vector.broadcast %lt3A_1908 : i32 to vector<16xi32>
    %lt3A_1910 = arith.cmpi slt, %get3A_1888, %lt3A_1909 : vector<16xi32>
    %select_n3A_1911 = arith.select %lt3A_1910, %or3A_1898, %add3A_1907 : vector<16xi1>, vector<16xi32>
    %swap3A_1912 = arith.constant 464 : index
    %swap3A_1913 = tpu.vector_load %arg9[%swap3A_1912] {strides = array<i32>} : memref<512xi32, #tpu.memory_space<vmem>>, vector<16xi32>,
    %swap3A_1914 = vector.shape_cast %swap3A_1913 : vector<16xi32> to vector<16xi32>
    %swap3A_1915 = vector.shape_cast %select_n3A_1911 : vector<16xi32> to vector<16xi32>
    tpu.vector_store %arg9[%swap3A_1912], %swap3A_1915 {strides = array<i32>} : memref<512xi32, #tpu.memory_space<vmem>>, vector<16xi32>,
    %get3A_1916 = arith.constant 480 : index
    %get3A_1917 = tpu.vector_load %arg8[%get3A_1916] {strides = array<i32>} : memref<512xi32, #tpu.memory_space<vmem>>, vector<16xi32>,
    %get3A_1918 = vector.shape_cast %get3A_1917 : vector<16xi32> to vector<16xi32>
    %shift_right_arithmetic3A_1919 = arith.constant 9 : i32
    %shift_right_arithmetic3A_1920 = vector.broadcast %shift_right_arithmetic3A_1919 : i32 to vector<16xi32>
    %shift_right_arithmetic3A_1921 = arith.shrsi %get3A_1918, %shift_right_arithmetic3A_1920 : vector<16xi32>
    %shift_left3A_1922 = arith.constant 7 : i32
    %shift_left3A_1923 = vector.broadcast %shift_left3A_1922 : i32 to vector<16xi32>
    %shift_left3A_1924 = arith.shli %shift_right_arithmetic3A_1921, %shift_left3A_1923 : vector<16xi32>
    %and3A_1925 = arith.constant 127 : i32
    %and3A_1926 = vector.broadcast %and3A_1925 : i32 to vector<16xi32>
    %and3A_1927 = arith.andi %get3A_1918, %and3A_1926 : vector<16xi32>
    %or3A_1928 = arith.ori %shift_left3A_1924, %and3A_1927 : vector<16xi32>
    %sub3A_1929 = arith.constant 999936 : i32
    %sub3A_1930 = vector.broadcast %sub3A_1929 : i32 to vector<16xi32>
    %sub3A_1931 = arith.subi %get3A_1918, %sub3A_1930 : vector<16xi32>
    %and3A_1932 = arith.constant 15 : i32
    %and3A_1933 = vector.broadcast %and3A_1932 : i32 to vector<16xi32>
    %and3A_1934 = arith.andi %sub3A_1931, %and3A_1933 : vector<16xi32>
    %add3A_1935 = arith.constant 249984 : i32
    %add3A_1936 = vector.broadcast %add3A_1935 : i32 to vector<16xi32>
    %add3A_1937 = arith.addi %add3A_1936, %and3A_1934 : vector<16xi32>
    %lt3A_1938 = arith.constant 999936 : i32
    %lt3A_1939 = vector.broadcast %lt3A_1938 : i32 to vector<16xi32>
    %lt3A_1940 = arith.cmpi slt, %get3A_1918, %lt3A_1939 : vector<16xi32>
    %select_n3A_1941 = arith.select %lt3A_1940, %or3A_1928, %add3A_1937 : vector<16xi1>, vector<16xi32>
    %swap3A_1942 = arith.constant 480 : index
    %swap3A_1943 = tpu.vector_load %arg9[%swap3A_1942] {strides = array<i32>} : memref<512xi32, #tpu.memory_space<vmem>>, vector<16xi32>,
    %swap3A_1944 = vector.shape_cast %swap3A_1943 : vector<16xi32> to vector<16xi32>
    %swap3A_1945 = vector.shape_cast %select_n3A_1941 : vector<16xi32> to vector<16xi32>
    tpu.vector_store %arg9[%swap3A_1942], %swap3A_1945 {strides = array<i32>} : memref<512xi32, #tpu.memory_space<vmem>>, vector<16xi32>,
    %get3A_1946 = arith.constant 496 : index
    %get3A_1947 = tpu.vector_load %arg8[%get3A_1946] {strides = array<i32>} : memref<512xi32, #tpu.memory_space<vmem>>, vector<16xi32>,
    %get3A_1948 = vector.shape_cast %get3A_1947 : vector<16xi32> to vector<16xi32>
    %shift_right_arithmetic3A_1949 = arith.constant 9 : i32
    %shift_right_arithmetic3A_1950 = vector.broadcast %shift_right_arithmetic3A_1949 : i32 to vector<16xi32>
    %shift_right_arithmetic3A_1951 = arith.shrsi %get3A_1948, %shift_right_arithmetic3A_1950 : vector<16xi32>
    %shift_left3A_1952 = arith.constant 7 : i32
    %shift_left3A_1953 = vector.broadcast %shift_left3A_1952 : i32 to vector<16xi32>
    %shift_left3A_1954 = arith.shli %shift_right_arithmetic3A_1951, %shift_left3A_1953 : vector<16xi32>
    %and3A_1955 = arith.constant 127 : i32
    %and3A_1956 = vector.broadcast %and3A_1955 : i32 to vector<16xi32>
    %and3A_1957 = arith.andi %get3A_1948, %and3A_1956 : vector<16xi32>
    %or3A_1958 = arith.ori %shift_left3A_1954, %and3A_1957 : vector<16xi32>
    %sub3A_1959 = arith.constant 999936 : i32
    %sub3A_1960 = vector.broadcast %sub3A_1959 : i32 to vector<16xi32>
    %sub3A_1961 = arith.subi %get3A_1948, %sub3A_1960 : vector<16xi32>
    %and3A_1962 = arith.constant 15 : i32
    %and3A_1963 = vector.broadcast %and3A_1962 : i32 to vector<16xi32>
    %and3A_1964 = arith.andi %sub3A_1961, %and3A_1963 : vector<16xi32>
    %add3A_1965 = arith.constant 249984 : i32
    %add3A_1966 = vector.broadcast %add3A_1965 : i32 to vector<16xi32>
    %add3A_1967 = arith.addi %add3A_1966, %and3A_1964 : vector<16xi32>
    %lt3A_1968 = arith.constant 999936 : i32
    %lt3A_1969 = vector.broadcast %lt3A_1968 : i32 to vector<16xi32>
    %lt3A_1970 = arith.cmpi slt, %get3A_1948, %lt3A_1969 : vector<16xi32>
    %select_n3A_1971 = arith.select %lt3A_1970, %or3A_1958, %add3A_1967 : vector<16xi1>, vector<16xi32>
    %swap3A_1972 = arith.constant 496 : index
    %swap3A_1973 = tpu.vector_load %arg9[%swap3A_1972] {strides = array<i32>} : memref<512xi32, #tpu.memory_space<vmem>>, vector<16xi32>,
    %swap3A_1974 = vector.shape_cast %swap3A_1973 : vector<16xi32> to vector<16xi32>
    %swap3A_1975 = vector.shape_cast %select_n3A_1971 : vector<16xi32> to vector<16xi32>
    tpu.vector_store %arg9[%swap3A_1972], %swap3A_1975 {strides = array<i32>} : memref<512xi32, #tpu.memory_space<vmem>>, vector<16xi32>,
    %dma_start3A_1976 = arith.constant 0 : i32
    %dma_start3A_1977 = arith.constant 0 : i32
    %dma_start3A_1978 = tpu.memref_slice %arg10[%dma_start3A_1976, %dma_start3A_1977] : memref<512x128xf32, #tpu.memory_space<vmem>> -> memref<128x128xf32, #tpu.memory_space<vmem>>
    %dma_start3A_1979 = arith.constant 0 : i32
    %dma_start3A_1980 = tpu.memref_slice %arg9[%dma_start3A_1979] : memref<512xi32, #tpu.memory_space<vmem>> -> memref<128xi32, #tpu.memory_space<vmem>>
    %dma_start3A_1981 = arith.constant 0 : i32
    %dma_start3A_1982 = arith.constant 0 : i32
    %dma_start3A_1983 = tpu.memref_slice %arg5[%dma_start3A_1981, %dma_start3A_1982] : memref<250000x128xf32, #tpu.memory_space<hbm>> -> memref<250000x128xf32, #tpu.memory_space<hbm>>
    tpu.enqueue_indirect_dma source(%dma_start3A_1983 : memref<250000x128xf32, #tpu.memory_space<hbm>>) target(%dma_start3A_1978 : memref<128x128xf32, #tpu.memory_space<vmem>>) offsets(%dma_start3A_1980 : memref<128xi32, #tpu.memory_space<vmem>>) semaphore(%arg11 : memref<!tpu.dma_semaphore, #tpu.memory_space<semaphore_mem>>)
    %dma_start3A_1984 = arith.constant 128 : i32
    %dma_start3A_1985 = arith.constant 0 : i32
    %dma_start3A_1986 = tpu.memref_slice %arg10[%dma_start3A_1984, %dma_start3A_1985] : memref<512x128xf32, #tpu.memory_space<vmem>> -> memref<128x128xf32, #tpu.memory_space<vmem>>
    %dma_start3A_1987 = arith.constant 128 : i32
    %dma_start3A_1988 = tpu.memref_slice %arg9[%dma_start3A_1987] : memref<512xi32, #tpu.memory_space<vmem>> -> memref<128xi32, #tpu.memory_space<vmem>>
    %dma_start3A_1989 = arith.constant 0 : i32
    %dma_start3A_1990 = arith.constant 0 : i32
    %dma_start3A_1991 = tpu.memref_slice %arg5[%dma_start3A_1989, %dma_start3A_1990] : memref<250000x128xf32, #tpu.memory_space<hbm>> -> memref<250000x128xf32, #tpu.memory_space<hbm>>
    tpu.enqueue_indirect_dma source(%dma_start3A_1991 : memref<250000x128xf32, #tpu.memory_space<hbm>>) target(%dma_start3A_1986 : memref<128x128xf32, #tpu.memory_space<vmem>>) offsets(%dma_start3A_1988 : memref<128xi32, #tpu.memory_space<vmem>>) semaphore(%arg11 : memref<!tpu.dma_semaphore, #tpu.memory_space<semaphore_mem>>)
    %dma_start3A_1992 = arith.constant 256 : i32
    %dma_start3A_1993 = arith.constant 0 : i32
    %dma_start3A_1994 = tpu.memref_slice %arg10[%dma_start3A_1992, %dma_start3A_1993] : memref<512x128xf32, #tpu.memory_space<vmem>> -> memref<128x128xf32, #tpu.memory_space<vmem>>
    %dma_start3A_1995 = arith.constant 256 : i32
    %dma_start3A_1996 = tpu.memref_slice %arg9[%dma_start3A_1995] : memref<512xi32, #tpu.memory_space<vmem>> -> memref<128xi32, #tpu.memory_space<vmem>>
    %dma_start3A_1997 = arith.constant 0 : i32
    %dma_start3A_1998 = arith.constant 0 : i32
    %dma_start3A_1999 = tpu.memref_slice %arg5[%dma_start3A_1997, %dma_start3A_1998] : memref<250000x128xf32, #tpu.memory_space<hbm>> -> memref<250000x128xf32, #tpu.memory_space<hbm>>
    tpu.enqueue_indirect_dma source(%dma_start3A_1999 : memref<250000x128xf32, #tpu.memory_space<hbm>>) target(%dma_start3A_1994 : memref<128x128xf32, #tpu.memory_space<vmem>>) offsets(%dma_start3A_1996 : memref<128xi32, #tpu.memory_space<vmem>>) semaphore(%arg11 : memref<!tpu.dma_semaphore, #tpu.memory_space<semaphore_mem>>)
    %dma_start3A_2000 = arith.constant 384 : i32
    %dma_start3A_2001 = arith.constant 0 : i32
    %dma_start3A_2002 = tpu.memref_slice %arg10[%dma_start3A_2000, %dma_start3A_2001] : memref<512x128xf32, #tpu.memory_space<vmem>> -> memref<128x128xf32, #tpu.memory_space<vmem>>
    %dma_start3A_2003 = arith.constant 384 : i32
    %dma_start3A_2004 = tpu.memref_slice %arg9[%dma_start3A_2003] : memref<512xi32, #tpu.memory_space<vmem>> -> memref<128xi32, #tpu.memory_space<vmem>>
    %dma_start3A_2005 = arith.constant 0 : i32
    %dma_start3A_2006 = arith.constant 0 : i32
    %dma_start3A_2007 = tpu.memref_slice %arg5[%dma_start3A_2005, %dma_start3A_2006] : memref<250000x128xf32, #tpu.memory_space<hbm>> -> memref<250000x128xf32, #tpu.memory_space<hbm>>
    tpu.enqueue_indirect_dma source(%dma_start3A_2007 : memref<250000x128xf32, #tpu.memory_space<hbm>>) target(%dma_start3A_2002 : memref<128x128xf32, #tpu.memory_space<vmem>>) offsets(%dma_start3A_2004 : memref<128xi32, #tpu.memory_space<vmem>>) semaphore(%arg11 : memref<!tpu.dma_semaphore, #tpu.memory_space<semaphore_mem>>)
    %dma_wait3A_2008 = arith.constant 0 : i32
    %dma_wait3A_2009 = arith.constant 0 : i32
    %dma_wait3A_2010 = tpu.memref_slice %arg10[%dma_wait3A_2008, %dma_wait3A_2009] : memref<512x128xf32, #tpu.memory_space<vmem>> -> memref<128x128xf32, #tpu.memory_space<vmem>>
    %dma_wait3A_2011 = arith.constant 0 : i32
    %dma_wait3A_2012 = tpu.memref_slice %arg9[%dma_wait3A_2011] : memref<512xi32, #tpu.memory_space<vmem>> -> memref<128xi32, #tpu.memory_space<vmem>>
    %dma_wait3A_2013 = arith.constant 0 : i32
    %dma_wait3A_2014 = arith.constant 0 : i32
    %dma_wait3A_2015 = tpu.memref_slice %arg5[%dma_wait3A_2013, %dma_wait3A_2014] : memref<250000x128xf32, #tpu.memory_space<hbm>> -> memref<250000x128xf32, #tpu.memory_space<hbm>>
    tpu.wait_indirect_dma semaphore(%arg11 : memref<!tpu.dma_semaphore, #tpu.memory_space<semaphore_mem>>) src(%dma_wait3A_2015 : memref<250000x128xf32, #tpu.memory_space<hbm>>) dst(%dma_wait3A_2010 : memref<128x128xf32, #tpu.memory_space<vmem>>)
    %dma_wait3A_2016 = arith.constant 128 : i32
    %dma_wait3A_2017 = arith.constant 0 : i32
    %dma_wait3A_2018 = tpu.memref_slice %arg10[%dma_wait3A_2016, %dma_wait3A_2017] : memref<512x128xf32, #tpu.memory_space<vmem>> -> memref<128x128xf32, #tpu.memory_space<vmem>>
    %dma_wait3A_2019 = arith.constant 128 : i32
    %dma_wait3A_2020 = tpu.memref_slice %arg9[%dma_wait3A_2019] : memref<512xi32, #tpu.memory_space<vmem>> -> memref<128xi32, #tpu.memory_space<vmem>>
    %dma_wait3A_2021 = arith.constant 0 : i32
    %dma_wait3A_2022 = arith.constant 0 : i32
    %dma_wait3A_2023 = tpu.memref_slice %arg5[%dma_wait3A_2021, %dma_wait3A_2022] : memref<250000x128xf32, #tpu.memory_space<hbm>> -> memref<250000x128xf32, #tpu.memory_space<hbm>>
    tpu.wait_indirect_dma semaphore(%arg11 : memref<!tpu.dma_semaphore, #tpu.memory_space<semaphore_mem>>) src(%dma_wait3A_2023 : memref<250000x128xf32, #tpu.memory_space<hbm>>) dst(%dma_wait3A_2018 : memref<128x128xf32, #tpu.memory_space<vmem>>)
    %dma_wait3A_2024 = arith.constant 256 : i32
    %dma_wait3A_2025 = arith.constant 0 : i32
    %dma_wait3A_2026 = tpu.memref_slice %arg10[%dma_wait3A_2024, %dma_wait3A_2025] : memref<512x128xf32, #tpu.memory_space<vmem>> -> memref<128x128xf32, #tpu.memory_space<vmem>>
    %dma_wait3A_2027 = arith.constant 256 : i32
    %dma_wait3A_2028 = tpu.memref_slice %arg9[%dma_wait3A_2027] : memref<512xi32, #tpu.memory_space<vmem>> -> memref<128xi32, #tpu.memory_space<vmem>>
    %dma_wait3A_2029 = arith.constant 0 : i32
    %dma_wait3A_2030 = arith.constant 0 : i32
    %dma_wait3A_2031 = tpu.memref_slice %arg5[%dma_wait3A_2029, %dma_wait3A_2030] : memref<250000x128xf32, #tpu.memory_space<hbm>> -> memref<250000x128xf32, #tpu.memory_space<hbm>>
    tpu.wait_indirect_dma semaphore(%arg11 : memref<!tpu.dma_semaphore, #tpu.memory_space<semaphore_mem>>) src(%dma_wait3A_2031 : memref<250000x128xf32, #tpu.memory_space<hbm>>) dst(%dma_wait3A_2026 : memref<128x128xf32, #tpu.memory_space<vmem>>)
    %dma_wait3A_2032 = arith.constant 384 : i32
    %dma_wait3A_2033 = arith.constant 0 : i32
    %dma_wait3A_2034 = tpu.memref_slice %arg10[%dma_wait3A_2032, %dma_wait3A_2033] : memref<512x128xf32, #tpu.memory_space<vmem>> -> memref<128x128xf32, #tpu.memory_space<vmem>>
    %dma_wait3A_2035 = arith.constant 384 : i32
    %dma_wait3A_2036 = tpu.memref_slice %arg9[%dma_wait3A_2035] : memref<512xi32, #tpu.memory_space<vmem>> -> memref<128xi32, #tpu.memory_space<vmem>>
    %dma_wait3A_2037 = arith.constant 0 : i32
    %dma_wait3A_2038 = arith.constant 0 : i32
    %dma_wait3A_2039 = tpu.memref_slice %arg5[%dma_wait3A_2037, %dma_wait3A_2038] : memref<250000x128xf32, #tpu.memory_space<hbm>> -> memref<250000x128xf32, #tpu.memory_space<hbm>>
    tpu.wait_indirect_dma semaphore(%arg11 : memref<!tpu.dma_semaphore, #tpu.memory_space<semaphore_mem>>) src(%dma_wait3A_2039 : memref<250000x128xf32, #tpu.memory_space<hbm>>) dst(%dma_wait3A_2034 : memref<128x128xf32, #tpu.memory_space<vmem>>)
    "tpu.region"() ({
      %run_scoped3A = tpu.sem_alloc : memref<!tpu.dma_semaphore, #tpu.memory_space<semaphore_mem>>
      %dma_start3A_2040 = arith.constant 0 : i32
      %dma_start3A_2041 = tpu.memref_slice %arg7[%mul3A_2, %dma_start3A_2040] : memref<16384x128xf32, #tpu.memory_space<hbm>> -> memref<512x128xf32, #tpu.memory_space<hbm>>
      %dma_start3A_2042 = arith.constant 0 : i32
      %dma_start3A_2043 = tpu.memref_slice %arg7[%mul3A_2, %dma_start3A_2042] : memref<16384x128xf32, #tpu.memory_space<hbm>> -> memref<512x128xf32, #tpu.memory_space<hbm>>
      tpu.enqueue_dma source(%arg10 : memref<512x128xf32, #tpu.memory_space<vmem>>) target(%dma_start3A_2043 : memref<512x128xf32, #tpu.memory_space<hbm>>) target_semaphore(%run_scoped3A : memref<!tpu.dma_semaphore, #tpu.memory_space<semaphore_mem>>)
      %dma_wait3A_2044 = arith.constant 0 : i32
      %dma_wait3A_2045 = tpu.memref_slice %arg7[%mul3A_2, %dma_wait3A_2044] : memref<16384x128xf32, #tpu.memory_space<hbm>> -> memref<512x128xf32, #tpu.memory_space<hbm>>
      %dma_wait3A_2046 = arith.constant 0 : i32
      %dma_wait3A_2047 = tpu.memref_slice %arg7[%mul3A_2, %dma_wait3A_2046] : memref<16384x128xf32, #tpu.memory_space<hbm>> -> memref<512x128xf32, #tpu.memory_space<hbm>>
      tpu.wait_dma2 semaphore(%run_scoped3A : memref<!tpu.dma_semaphore, #tpu.memory_space<semaphore_mem>>) src(%arg10 : memref<512x128xf32, #tpu.memory_space<vmem>>) dst(%dma_wait3A_2047 : memref<512x128xf32, #tpu.memory_space<hbm>>)
      tpu.yield
    }) : () -> ()
    return
  }
}

module attributes {stable_mosaic.version = 14 : i64} {
  func.func @_pack_body(%arg0: i32, %arg1: memref<32x15872xf32, #tpu.memory_space<vmem>>, %arg2: memref<3968x128xf32, #tpu.memory_space<vmem>>) attributes {dimension_semantics = [#tpu.dimension_semantics<arbitrary>], iteration_bounds = array<i64: 63>, scalar_prefetch = 0 : i64, scratch_operands = 0 : i64, tpu.core_type = #tpu.core_type<tc>, window_params = [{transform_indices = @transform_0, window_bounds = array<i64: 32, 15872>}, {transform_indices = @transform_1, window_bounds = array<i64: 3968, 128>}]} {
    %get3A = arith.constant 0 : index
    %get3A_0 = arith.constant 0 : index
    %get3A_1 = vector.load %arg1[%get3A, %get3A_0] : memref<32x15872xf32, #tpu.memory_space<vmem>>, vector<32x15872xf32>
    %slice3A = vector.extract_strided_slice %get3A_1 {offsets = [0, 0], sizes = [32, 128], strides = [1, 1]} : vector<32x15872xf32> to vector<32x128xf32>
    %transpose3A = tpu.transpose %slice3A, [1, 0] : vector<32x128xf32> -> vector<128x32xf32>
    %slice3A_2 = vector.extract_strided_slice %get3A_1 {offsets = [0, 128], sizes = [32, 128], strides = [1, 1]} : vector<32x15872xf32> to vector<32x128xf32>
    %transpose3A_3 = tpu.transpose %slice3A_2, [1, 0] : vector<32x128xf32> -> vector<128x32xf32>
    %slice3A_4 = vector.extract_strided_slice %get3A_1 {offsets = [0, 256], sizes = [32, 128], strides = [1, 1]} : vector<32x15872xf32> to vector<32x128xf32>
    %transpose3A_5 = tpu.transpose %slice3A_4, [1, 0] : vector<32x128xf32> -> vector<128x32xf32>
    %slice3A_6 = vector.extract_strided_slice %get3A_1 {offsets = [0, 384], sizes = [32, 128], strides = [1, 1]} : vector<32x15872xf32> to vector<32x128xf32>
    %transpose3A_7 = tpu.transpose %slice3A_6, [1, 0] : vector<32x128xf32> -> vector<128x32xf32>
    %concatenate3A = tpu.concatenate %transpose3A, %transpose3A_3, %transpose3A_5, %transpose3A_7 in 1 : vector<128x32xf32>, vector<128x32xf32>, vector<128x32xf32>, vector<128x32xf32> -> vector<128x128xf32>
    %slice3A_8 = vector.extract_strided_slice %get3A_1 {offsets = [0, 512], sizes = [32, 128], strides = [1, 1]} : vector<32x15872xf32> to vector<32x128xf32>
    %transpose3A_9 = tpu.transpose %slice3A_8, [1, 0] : vector<32x128xf32> -> vector<128x32xf32>
    %slice3A_10 = vector.extract_strided_slice %get3A_1 {offsets = [0, 640], sizes = [32, 128], strides = [1, 1]} : vector<32x15872xf32> to vector<32x128xf32>
    %transpose3A_11 = tpu.transpose %slice3A_10, [1, 0] : vector<32x128xf32> -> vector<128x32xf32>
    %slice3A_12 = vector.extract_strided_slice %get3A_1 {offsets = [0, 768], sizes = [32, 128], strides = [1, 1]} : vector<32x15872xf32> to vector<32x128xf32>
    %transpose3A_13 = tpu.transpose %slice3A_12, [1, 0] : vector<32x128xf32> -> vector<128x32xf32>
    %slice3A_14 = vector.extract_strided_slice %get3A_1 {offsets = [0, 896], sizes = [32, 128], strides = [1, 1]} : vector<32x15872xf32> to vector<32x128xf32>
    %transpose3A_15 = tpu.transpose %slice3A_14, [1, 0] : vector<32x128xf32> -> vector<128x32xf32>
    %concatenate3A_16 = tpu.concatenate %transpose3A_9, %transpose3A_11, %transpose3A_13, %transpose3A_15 in 1 : vector<128x32xf32>, vector<128x32xf32>, vector<128x32xf32>, vector<128x32xf32> -> vector<128x128xf32>
    %slice3A_17 = vector.extract_strided_slice %get3A_1 {offsets = [0, 1024], sizes = [32, 128], strides = [1, 1]} : vector<32x15872xf32> to vector<32x128xf32>
    %transpose3A_18 = tpu.transpose %slice3A_17, [1, 0] : vector<32x128xf32> -> vector<128x32xf32>
    %slice3A_19 = vector.extract_strided_slice %get3A_1 {offsets = [0, 1152], sizes = [32, 128], strides = [1, 1]} : vector<32x15872xf32> to vector<32x128xf32>
    %transpose3A_20 = tpu.transpose %slice3A_19, [1, 0] : vector<32x128xf32> -> vector<128x32xf32>
    %slice3A_21 = vector.extract_strided_slice %get3A_1 {offsets = [0, 1280], sizes = [32, 128], strides = [1, 1]} : vector<32x15872xf32> to vector<32x128xf32>
    %transpose3A_22 = tpu.transpose %slice3A_21, [1, 0] : vector<32x128xf32> -> vector<128x32xf32>
    %slice3A_23 = vector.extract_strided_slice %get3A_1 {offsets = [0, 1408], sizes = [32, 128], strides = [1, 1]} : vector<32x15872xf32> to vector<32x128xf32>
    %transpose3A_24 = tpu.transpose %slice3A_23, [1, 0] : vector<32x128xf32> -> vector<128x32xf32>
    %concatenate3A_25 = tpu.concatenate %transpose3A_18, %transpose3A_20, %transpose3A_22, %transpose3A_24 in 1 : vector<128x32xf32>, vector<128x32xf32>, vector<128x32xf32>, vector<128x32xf32> -> vector<128x128xf32>
    %slice3A_26 = vector.extract_strided_slice %get3A_1 {offsets = [0, 1536], sizes = [32, 128], strides = [1, 1]} : vector<32x15872xf32> to vector<32x128xf32>
    %transpose3A_27 = tpu.transpose %slice3A_26, [1, 0] : vector<32x128xf32> -> vector<128x32xf32>
    %slice3A_28 = vector.extract_strided_slice %get3A_1 {offsets = [0, 1664], sizes = [32, 128], strides = [1, 1]} : vector<32x15872xf32> to vector<32x128xf32>
    %transpose3A_29 = tpu.transpose %slice3A_28, [1, 0] : vector<32x128xf32> -> vector<128x32xf32>
    %slice3A_30 = vector.extract_strided_slice %get3A_1 {offsets = [0, 1792], sizes = [32, 128], strides = [1, 1]} : vector<32x15872xf32> to vector<32x128xf32>
    %transpose3A_31 = tpu.transpose %slice3A_30, [1, 0] : vector<32x128xf32> -> vector<128x32xf32>
    %slice3A_32 = vector.extract_strided_slice %get3A_1 {offsets = [0, 1920], sizes = [32, 128], strides = [1, 1]} : vector<32x15872xf32> to vector<32x128xf32>
    %transpose3A_33 = tpu.transpose %slice3A_32, [1, 0] : vector<32x128xf32> -> vector<128x32xf32>
    %concatenate3A_34 = tpu.concatenate %transpose3A_27, %transpose3A_29, %transpose3A_31, %transpose3A_33 in 1 : vector<128x32xf32>, vector<128x32xf32>, vector<128x32xf32>, vector<128x32xf32> -> vector<128x128xf32>
    %slice3A_35 = vector.extract_strided_slice %get3A_1 {offsets = [0, 2048], sizes = [32, 128], strides = [1, 1]} : vector<32x15872xf32> to vector<32x128xf32>
    %transpose3A_36 = tpu.transpose %slice3A_35, [1, 0] : vector<32x128xf32> -> vector<128x32xf32>
    %slice3A_37 = vector.extract_strided_slice %get3A_1 {offsets = [0, 2176], sizes = [32, 128], strides = [1, 1]} : vector<32x15872xf32> to vector<32x128xf32>
    %transpose3A_38 = tpu.transpose %slice3A_37, [1, 0] : vector<32x128xf32> -> vector<128x32xf32>
    %slice3A_39 = vector.extract_strided_slice %get3A_1 {offsets = [0, 2304], sizes = [32, 128], strides = [1, 1]} : vector<32x15872xf32> to vector<32x128xf32>
    %transpose3A_40 = tpu.transpose %slice3A_39, [1, 0] : vector<32x128xf32> -> vector<128x32xf32>
    %slice3A_41 = vector.extract_strided_slice %get3A_1 {offsets = [0, 2432], sizes = [32, 128], strides = [1, 1]} : vector<32x15872xf32> to vector<32x128xf32>
    %transpose3A_42 = tpu.transpose %slice3A_41, [1, 0] : vector<32x128xf32> -> vector<128x32xf32>
    %concatenate3A_43 = tpu.concatenate %transpose3A_36, %transpose3A_38, %transpose3A_40, %transpose3A_42 in 1 : vector<128x32xf32>, vector<128x32xf32>, vector<128x32xf32>, vector<128x32xf32> -> vector<128x128xf32>
    %slice3A_44 = vector.extract_strided_slice %get3A_1 {offsets = [0, 2560], sizes = [32, 128], strides = [1, 1]} : vector<32x15872xf32> to vector<32x128xf32>
    %transpose3A_45 = tpu.transpose %slice3A_44, [1, 0] : vector<32x128xf32> -> vector<128x32xf32>
    %slice3A_46 = vector.extract_strided_slice %get3A_1 {offsets = [0, 2688], sizes = [32, 128], strides = [1, 1]} : vector<32x15872xf32> to vector<32x128xf32>
    %transpose3A_47 = tpu.transpose %slice3A_46, [1, 0] : vector<32x128xf32> -> vector<128x32xf32>
    %slice3A_48 = vector.extract_strided_slice %get3A_1 {offsets = [0, 2816], sizes = [32, 128], strides = [1, 1]} : vector<32x15872xf32> to vector<32x128xf32>
    %transpose3A_49 = tpu.transpose %slice3A_48, [1, 0] : vector<32x128xf32> -> vector<128x32xf32>
    %slice3A_50 = vector.extract_strided_slice %get3A_1 {offsets = [0, 2944], sizes = [32, 128], strides = [1, 1]} : vector<32x15872xf32> to vector<32x128xf32>
    %transpose3A_51 = tpu.transpose %slice3A_50, [1, 0] : vector<32x128xf32> -> vector<128x32xf32>
    %concatenate3A_52 = tpu.concatenate %transpose3A_45, %transpose3A_47, %transpose3A_49, %transpose3A_51 in 1 : vector<128x32xf32>, vector<128x32xf32>, vector<128x32xf32>, vector<128x32xf32> -> vector<128x128xf32>
    %slice3A_53 = vector.extract_strided_slice %get3A_1 {offsets = [0, 3072], sizes = [32, 128], strides = [1, 1]} : vector<32x15872xf32> to vector<32x128xf32>
    %transpose3A_54 = tpu.transpose %slice3A_53, [1, 0] : vector<32x128xf32> -> vector<128x32xf32>
    %slice3A_55 = vector.extract_strided_slice %get3A_1 {offsets = [0, 3200], sizes = [32, 128], strides = [1, 1]} : vector<32x15872xf32> to vector<32x128xf32>
    %transpose3A_56 = tpu.transpose %slice3A_55, [1, 0] : vector<32x128xf32> -> vector<128x32xf32>
    %slice3A_57 = vector.extract_strided_slice %get3A_1 {offsets = [0, 3328], sizes = [32, 128], strides = [1, 1]} : vector<32x15872xf32> to vector<32x128xf32>
    %transpose3A_58 = tpu.transpose %slice3A_57, [1, 0] : vector<32x128xf32> -> vector<128x32xf32>
    %slice3A_59 = vector.extract_strided_slice %get3A_1 {offsets = [0, 3456], sizes = [32, 128], strides = [1, 1]} : vector<32x15872xf32> to vector<32x128xf32>
    %transpose3A_60 = tpu.transpose %slice3A_59, [1, 0] : vector<32x128xf32> -> vector<128x32xf32>
    %concatenate3A_61 = tpu.concatenate %transpose3A_54, %transpose3A_56, %transpose3A_58, %transpose3A_60 in 1 : vector<128x32xf32>, vector<128x32xf32>, vector<128x32xf32>, vector<128x32xf32> -> vector<128x128xf32>
    %slice3A_62 = vector.extract_strided_slice %get3A_1 {offsets = [0, 3584], sizes = [32, 128], strides = [1, 1]} : vector<32x15872xf32> to vector<32x128xf32>
    %transpose3A_63 = tpu.transpose %slice3A_62, [1, 0] : vector<32x128xf32> -> vector<128x32xf32>
    %slice3A_64 = vector.extract_strided_slice %get3A_1 {offsets = [0, 3712], sizes = [32, 128], strides = [1, 1]} : vector<32x15872xf32> to vector<32x128xf32>
    %transpose3A_65 = tpu.transpose %slice3A_64, [1, 0] : vector<32x128xf32> -> vector<128x32xf32>
    %slice3A_66 = vector.extract_strided_slice %get3A_1 {offsets = [0, 3840], sizes = [32, 128], strides = [1, 1]} : vector<32x15872xf32> to vector<32x128xf32>
    %transpose3A_67 = tpu.transpose %slice3A_66, [1, 0] : vector<32x128xf32> -> vector<128x32xf32>
    %slice3A_68 = vector.extract_strided_slice %get3A_1 {offsets = [0, 3968], sizes = [32, 128], strides = [1, 1]} : vector<32x15872xf32> to vector<32x128xf32>
    %transpose3A_69 = tpu.transpose %slice3A_68, [1, 0] : vector<32x128xf32> -> vector<128x32xf32>
    %concatenate3A_70 = tpu.concatenate %transpose3A_63, %transpose3A_65, %transpose3A_67, %transpose3A_69 in 1 : vector<128x32xf32>, vector<128x32xf32>, vector<128x32xf32>, vector<128x32xf32> -> vector<128x128xf32>
    %slice3A_71 = vector.extract_strided_slice %get3A_1 {offsets = [0, 4096], sizes = [32, 128], strides = [1, 1]} : vector<32x15872xf32> to vector<32x128xf32>
    %transpose3A_72 = tpu.transpose %slice3A_71, [1, 0] : vector<32x128xf32> -> vector<128x32xf32>
    %slice3A_73 = vector.extract_strided_slice %get3A_1 {offsets = [0, 4224], sizes = [32, 128], strides = [1, 1]} : vector<32x15872xf32> to vector<32x128xf32>
    %transpose3A_74 = tpu.transpose %slice3A_73, [1, 0] : vector<32x128xf32> -> vector<128x32xf32>
    %slice3A_75 = vector.extract_strided_slice %get3A_1 {offsets = [0, 4352], sizes = [32, 128], strides = [1, 1]} : vector<32x15872xf32> to vector<32x128xf32>
    %transpose3A_76 = tpu.transpose %slice3A_75, [1, 0] : vector<32x128xf32> -> vector<128x32xf32>
    %slice3A_77 = vector.extract_strided_slice %get3A_1 {offsets = [0, 4480], sizes = [32, 128], strides = [1, 1]} : vector<32x15872xf32> to vector<32x128xf32>
    %transpose3A_78 = tpu.transpose %slice3A_77, [1, 0] : vector<32x128xf32> -> vector<128x32xf32>
    %concatenate3A_79 = tpu.concatenate %transpose3A_72, %transpose3A_74, %transpose3A_76, %transpose3A_78 in 1 : vector<128x32xf32>, vector<128x32xf32>, vector<128x32xf32>, vector<128x32xf32> -> vector<128x128xf32>
    %slice3A_80 = vector.extract_strided_slice %get3A_1 {offsets = [0, 4608], sizes = [32, 128], strides = [1, 1]} : vector<32x15872xf32> to vector<32x128xf32>
    %transpose3A_81 = tpu.transpose %slice3A_80, [1, 0] : vector<32x128xf32> -> vector<128x32xf32>
    %slice3A_82 = vector.extract_strided_slice %get3A_1 {offsets = [0, 4736], sizes = [32, 128], strides = [1, 1]} : vector<32x15872xf32> to vector<32x128xf32>
    %transpose3A_83 = tpu.transpose %slice3A_82, [1, 0] : vector<32x128xf32> -> vector<128x32xf32>
    %slice3A_84 = vector.extract_strided_slice %get3A_1 {offsets = [0, 4864], sizes = [32, 128], strides = [1, 1]} : vector<32x15872xf32> to vector<32x128xf32>
    %transpose3A_85 = tpu.transpose %slice3A_84, [1, 0] : vector<32x128xf32> -> vector<128x32xf32>
    %slice3A_86 = vector.extract_strided_slice %get3A_1 {offsets = [0, 4992], sizes = [32, 128], strides = [1, 1]} : vector<32x15872xf32> to vector<32x128xf32>
    %transpose3A_87 = tpu.transpose %slice3A_86, [1, 0] : vector<32x128xf32> -> vector<128x32xf32>
    %concatenate3A_88 = tpu.concatenate %transpose3A_81, %transpose3A_83, %transpose3A_85, %transpose3A_87 in 1 : vector<128x32xf32>, vector<128x32xf32>, vector<128x32xf32>, vector<128x32xf32> -> vector<128x128xf32>
    %slice3A_89 = vector.extract_strided_slice %get3A_1 {offsets = [0, 5120], sizes = [32, 128], strides = [1, 1]} : vector<32x15872xf32> to vector<32x128xf32>
    %transpose3A_90 = tpu.transpose %slice3A_89, [1, 0] : vector<32x128xf32> -> vector<128x32xf32>
    %slice3A_91 = vector.extract_strided_slice %get3A_1 {offsets = [0, 5248], sizes = [32, 128], strides = [1, 1]} : vector<32x15872xf32> to vector<32x128xf32>
    %transpose3A_92 = tpu.transpose %slice3A_91, [1, 0] : vector<32x128xf32> -> vector<128x32xf32>
    %slice3A_93 = vector.extract_strided_slice %get3A_1 {offsets = [0, 5376], sizes = [32, 128], strides = [1, 1]} : vector<32x15872xf32> to vector<32x128xf32>
    %transpose3A_94 = tpu.transpose %slice3A_93, [1, 0] : vector<32x128xf32> -> vector<128x32xf32>
    %slice3A_95 = vector.extract_strided_slice %get3A_1 {offsets = [0, 5504], sizes = [32, 128], strides = [1, 1]} : vector<32x15872xf32> to vector<32x128xf32>
    %transpose3A_96 = tpu.transpose %slice3A_95, [1, 0] : vector<32x128xf32> -> vector<128x32xf32>
    %concatenate3A_97 = tpu.concatenate %transpose3A_90, %transpose3A_92, %transpose3A_94, %transpose3A_96 in 1 : vector<128x32xf32>, vector<128x32xf32>, vector<128x32xf32>, vector<128x32xf32> -> vector<128x128xf32>
    %slice3A_98 = vector.extract_strided_slice %get3A_1 {offsets = [0, 5632], sizes = [32, 128], strides = [1, 1]} : vector<32x15872xf32> to vector<32x128xf32>
    %transpose3A_99 = tpu.transpose %slice3A_98, [1, 0] : vector<32x128xf32> -> vector<128x32xf32>
    %slice3A_100 = vector.extract_strided_slice %get3A_1 {offsets = [0, 5760], sizes = [32, 128], strides = [1, 1]} : vector<32x15872xf32> to vector<32x128xf32>
    %transpose3A_101 = tpu.transpose %slice3A_100, [1, 0] : vector<32x128xf32> -> vector<128x32xf32>
    %slice3A_102 = vector.extract_strided_slice %get3A_1 {offsets = [0, 5888], sizes = [32, 128], strides = [1, 1]} : vector<32x15872xf32> to vector<32x128xf32>
    %transpose3A_103 = tpu.transpose %slice3A_102, [1, 0] : vector<32x128xf32> -> vector<128x32xf32>
    %slice3A_104 = vector.extract_strided_slice %get3A_1 {offsets = [0, 6016], sizes = [32, 128], strides = [1, 1]} : vector<32x15872xf32> to vector<32x128xf32>
    %transpose3A_105 = tpu.transpose %slice3A_104, [1, 0] : vector<32x128xf32> -> vector<128x32xf32>
    %concatenate3A_106 = tpu.concatenate %transpose3A_99, %transpose3A_101, %transpose3A_103, %transpose3A_105 in 1 : vector<128x32xf32>, vector<128x32xf32>, vector<128x32xf32>, vector<128x32xf32> -> vector<128x128xf32>
    %slice3A_107 = vector.extract_strided_slice %get3A_1 {offsets = [0, 6144], sizes = [32, 128], strides = [1, 1]} : vector<32x15872xf32> to vector<32x128xf32>
    %transpose3A_108 = tpu.transpose %slice3A_107, [1, 0] : vector<32x128xf32> -> vector<128x32xf32>
    %slice3A_109 = vector.extract_strided_slice %get3A_1 {offsets = [0, 6272], sizes = [32, 128], strides = [1, 1]} : vector<32x15872xf32> to vector<32x128xf32>
    %transpose3A_110 = tpu.transpose %slice3A_109, [1, 0] : vector<32x128xf32> -> vector<128x32xf32>
    %slice3A_111 = vector.extract_strided_slice %get3A_1 {offsets = [0, 6400], sizes = [32, 128], strides = [1, 1]} : vector<32x15872xf32> to vector<32x128xf32>
    %transpose3A_112 = tpu.transpose %slice3A_111, [1, 0] : vector<32x128xf32> -> vector<128x32xf32>
    %slice3A_113 = vector.extract_strided_slice %get3A_1 {offsets = [0, 6528], sizes = [32, 128], strides = [1, 1]} : vector<32x15872xf32> to vector<32x128xf32>
    %transpose3A_114 = tpu.transpose %slice3A_113, [1, 0] : vector<32x128xf32> -> vector<128x32xf32>
    %concatenate3A_115 = tpu.concatenate %transpose3A_108, %transpose3A_110, %transpose3A_112, %transpose3A_114 in 1 : vector<128x32xf32>, vector<128x32xf32>, vector<128x32xf32>, vector<128x32xf32> -> vector<128x128xf32>
    %slice3A_116 = vector.extract_strided_slice %get3A_1 {offsets = [0, 6656], sizes = [32, 128], strides = [1, 1]} : vector<32x15872xf32> to vector<32x128xf32>
    %transpose3A_117 = tpu.transpose %slice3A_116, [1, 0] : vector<32x128xf32> -> vector<128x32xf32>
    %slice3A_118 = vector.extract_strided_slice %get3A_1 {offsets = [0, 6784], sizes = [32, 128], strides = [1, 1]} : vector<32x15872xf32> to vector<32x128xf32>
    %transpose3A_119 = tpu.transpose %slice3A_118, [1, 0] : vector<32x128xf32> -> vector<128x32xf32>
    %slice3A_120 = vector.extract_strided_slice %get3A_1 {offsets = [0, 6912], sizes = [32, 128], strides = [1, 1]} : vector<32x15872xf32> to vector<32x128xf32>
    %transpose3A_121 = tpu.transpose %slice3A_120, [1, 0] : vector<32x128xf32> -> vector<128x32xf32>
    %slice3A_122 = vector.extract_strided_slice %get3A_1 {offsets = [0, 7040], sizes = [32, 128], strides = [1, 1]} : vector<32x15872xf32> to vector<32x128xf32>
    %transpose3A_123 = tpu.transpose %slice3A_122, [1, 0] : vector<32x128xf32> -> vector<128x32xf32>
    %concatenate3A_124 = tpu.concatenate %transpose3A_117, %transpose3A_119, %transpose3A_121, %transpose3A_123 in 1 : vector<128x32xf32>, vector<128x32xf32>, vector<128x32xf32>, vector<128x32xf32> -> vector<128x128xf32>
    %slice3A_125 = vector.extract_strided_slice %get3A_1 {offsets = [0, 7168], sizes = [32, 128], strides = [1, 1]} : vector<32x15872xf32> to vector<32x128xf32>
    %transpose3A_126 = tpu.transpose %slice3A_125, [1, 0] : vector<32x128xf32> -> vector<128x32xf32>
    %slice3A_127 = vector.extract_strided_slice %get3A_1 {offsets = [0, 7296], sizes = [32, 128], strides = [1, 1]} : vector<32x15872xf32> to vector<32x128xf32>
    %transpose3A_128 = tpu.transpose %slice3A_127, [1, 0] : vector<32x128xf32> -> vector<128x32xf32>
    %slice3A_129 = vector.extract_strided_slice %get3A_1 {offsets = [0, 7424], sizes = [32, 128], strides = [1, 1]} : vector<32x15872xf32> to vector<32x128xf32>
    %transpose3A_130 = tpu.transpose %slice3A_129, [1, 0] : vector<32x128xf32> -> vector<128x32xf32>
    %slice3A_131 = vector.extract_strided_slice %get3A_1 {offsets = [0, 7552], sizes = [32, 128], strides = [1, 1]} : vector<32x15872xf32> to vector<32x128xf32>
    %transpose3A_132 = tpu.transpose %slice3A_131, [1, 0] : vector<32x128xf32> -> vector<128x32xf32>
    %concatenate3A_133 = tpu.concatenate %transpose3A_126, %transpose3A_128, %transpose3A_130, %transpose3A_132 in 1 : vector<128x32xf32>, vector<128x32xf32>, vector<128x32xf32>, vector<128x32xf32> -> vector<128x128xf32>
    %slice3A_134 = vector.extract_strided_slice %get3A_1 {offsets = [0, 7680], sizes = [32, 128], strides = [1, 1]} : vector<32x15872xf32> to vector<32x128xf32>
    %transpose3A_135 = tpu.transpose %slice3A_134, [1, 0] : vector<32x128xf32> -> vector<128x32xf32>
    %slice3A_136 = vector.extract_strided_slice %get3A_1 {offsets = [0, 7808], sizes = [32, 128], strides = [1, 1]} : vector<32x15872xf32> to vector<32x128xf32>
    %transpose3A_137 = tpu.transpose %slice3A_136, [1, 0] : vector<32x128xf32> -> vector<128x32xf32>
    %slice3A_138 = vector.extract_strided_slice %get3A_1 {offsets = [0, 7936], sizes = [32, 128], strides = [1, 1]} : vector<32x15872xf32> to vector<32x128xf32>
    %transpose3A_139 = tpu.transpose %slice3A_138, [1, 0] : vector<32x128xf32> -> vector<128x32xf32>
    %slice3A_140 = vector.extract_strided_slice %get3A_1 {offsets = [0, 8064], sizes = [32, 128], strides = [1, 1]} : vector<32x15872xf32> to vector<32x128xf32>
    %transpose3A_141 = tpu.transpose %slice3A_140, [1, 0] : vector<32x128xf32> -> vector<128x32xf32>
    %concatenate3A_142 = tpu.concatenate %transpose3A_135, %transpose3A_137, %transpose3A_139, %transpose3A_141 in 1 : vector<128x32xf32>, vector<128x32xf32>, vector<128x32xf32>, vector<128x32xf32> -> vector<128x128xf32>
    %slice3A_143 = vector.extract_strided_slice %get3A_1 {offsets = [0, 8192], sizes = [32, 128], strides = [1, 1]} : vector<32x15872xf32> to vector<32x128xf32>
    %transpose3A_144 = tpu.transpose %slice3A_143, [1, 0] : vector<32x128xf32> -> vector<128x32xf32>
    %slice3A_145 = vector.extract_strided_slice %get3A_1 {offsets = [0, 8320], sizes = [32, 128], strides = [1, 1]} : vector<32x15872xf32> to vector<32x128xf32>
    %transpose3A_146 = tpu.transpose %slice3A_145, [1, 0] : vector<32x128xf32> -> vector<128x32xf32>
    %slice3A_147 = vector.extract_strided_slice %get3A_1 {offsets = [0, 8448], sizes = [32, 128], strides = [1, 1]} : vector<32x15872xf32> to vector<32x128xf32>
    %transpose3A_148 = tpu.transpose %slice3A_147, [1, 0] : vector<32x128xf32> -> vector<128x32xf32>
    %slice3A_149 = vector.extract_strided_slice %get3A_1 {offsets = [0, 8576], sizes = [32, 128], strides = [1, 1]} : vector<32x15872xf32> to vector<32x128xf32>
    %transpose3A_150 = tpu.transpose %slice3A_149, [1, 0] : vector<32x128xf32> -> vector<128x32xf32>
    %concatenate3A_151 = tpu.concatenate %transpose3A_144, %transpose3A_146, %transpose3A_148, %transpose3A_150 in 1 : vector<128x32xf32>, vector<128x32xf32>, vector<128x32xf32>, vector<128x32xf32> -> vector<128x128xf32>
    %slice3A_152 = vector.extract_strided_slice %get3A_1 {offsets = [0, 8704], sizes = [32, 128], strides = [1, 1]} : vector<32x15872xf32> to vector<32x128xf32>
    %transpose3A_153 = tpu.transpose %slice3A_152, [1, 0] : vector<32x128xf32> -> vector<128x32xf32>
    %slice3A_154 = vector.extract_strided_slice %get3A_1 {offsets = [0, 8832], sizes = [32, 128], strides = [1, 1]} : vector<32x15872xf32> to vector<32x128xf32>
    %transpose3A_155 = tpu.transpose %slice3A_154, [1, 0] : vector<32x128xf32> -> vector<128x32xf32>
    %slice3A_156 = vector.extract_strided_slice %get3A_1 {offsets = [0, 8960], sizes = [32, 128], strides = [1, 1]} : vector<32x15872xf32> to vector<32x128xf32>
    %transpose3A_157 = tpu.transpose %slice3A_156, [1, 0] : vector<32x128xf32> -> vector<128x32xf32>
    %slice3A_158 = vector.extract_strided_slice %get3A_1 {offsets = [0, 9088], sizes = [32, 128], strides = [1, 1]} : vector<32x15872xf32> to vector<32x128xf32>
    %transpose3A_159 = tpu.transpose %slice3A_158, [1, 0] : vector<32x128xf32> -> vector<128x32xf32>
    %concatenate3A_160 = tpu.concatenate %transpose3A_153, %transpose3A_155, %transpose3A_157, %transpose3A_159 in 1 : vector<128x32xf32>, vector<128x32xf32>, vector<128x32xf32>, vector<128x32xf32> -> vector<128x128xf32>
    %slice3A_161 = vector.extract_strided_slice %get3A_1 {offsets = [0, 9216], sizes = [32, 128], strides = [1, 1]} : vector<32x15872xf32> to vector<32x128xf32>
    %transpose3A_162 = tpu.transpose %slice3A_161, [1, 0] : vector<32x128xf32> -> vector<128x32xf32>
    %slice3A_163 = vector.extract_strided_slice %get3A_1 {offsets = [0, 9344], sizes = [32, 128], strides = [1, 1]} : vector<32x15872xf32> to vector<32x128xf32>
    %transpose3A_164 = tpu.transpose %slice3A_163, [1, 0] : vector<32x128xf32> -> vector<128x32xf32>
    %slice3A_165 = vector.extract_strided_slice %get3A_1 {offsets = [0, 9472], sizes = [32, 128], strides = [1, 1]} : vector<32x15872xf32> to vector<32x128xf32>
    %transpose3A_166 = tpu.transpose %slice3A_165, [1, 0] : vector<32x128xf32> -> vector<128x32xf32>
    %slice3A_167 = vector.extract_strided_slice %get3A_1 {offsets = [0, 9600], sizes = [32, 128], strides = [1, 1]} : vector<32x15872xf32> to vector<32x128xf32>
    %transpose3A_168 = tpu.transpose %slice3A_167, [1, 0] : vector<32x128xf32> -> vector<128x32xf32>
    %concatenate3A_169 = tpu.concatenate %transpose3A_162, %transpose3A_164, %transpose3A_166, %transpose3A_168 in 1 : vector<128x32xf32>, vector<128x32xf32>, vector<128x32xf32>, vector<128x32xf32> -> vector<128x128xf32>
    %slice3A_170 = vector.extract_strided_slice %get3A_1 {offsets = [0, 9728], sizes = [32, 128], strides = [1, 1]} : vector<32x15872xf32> to vector<32x128xf32>
    %transpose3A_171 = tpu.transpose %slice3A_170, [1, 0] : vector<32x128xf32> -> vector<128x32xf32>
    %slice3A_172 = vector.extract_strided_slice %get3A_1 {offsets = [0, 9856], sizes = [32, 128], strides = [1, 1]} : vector<32x15872xf32> to vector<32x128xf32>
    %transpose3A_173 = tpu.transpose %slice3A_172, [1, 0] : vector<32x128xf32> -> vector<128x32xf32>
    %slice3A_174 = vector.extract_strided_slice %get3A_1 {offsets = [0, 9984], sizes = [32, 128], strides = [1, 1]} : vector<32x15872xf32> to vector<32x128xf32>
    %transpose3A_175 = tpu.transpose %slice3A_174, [1, 0] : vector<32x128xf32> -> vector<128x32xf32>
    %slice3A_176 = vector.extract_strided_slice %get3A_1 {offsets = [0, 10112], sizes = [32, 128], strides = [1, 1]} : vector<32x15872xf32> to vector<32x128xf32>
    %transpose3A_177 = tpu.transpose %slice3A_176, [1, 0] : vector<32x128xf32> -> vector<128x32xf32>
    %concatenate3A_178 = tpu.concatenate %transpose3A_171, %transpose3A_173, %transpose3A_175, %transpose3A_177 in 1 : vector<128x32xf32>, vector<128x32xf32>, vector<128x32xf32>, vector<128x32xf32> -> vector<128x128xf32>
    %slice3A_179 = vector.extract_strided_slice %get3A_1 {offsets = [0, 10240], sizes = [32, 128], strides = [1, 1]} : vector<32x15872xf32> to vector<32x128xf32>
    %transpose3A_180 = tpu.transpose %slice3A_179, [1, 0] : vector<32x128xf32> -> vector<128x32xf32>
    %slice3A_181 = vector.extract_strided_slice %get3A_1 {offsets = [0, 10368], sizes = [32, 128], strides = [1, 1]} : vector<32x15872xf32> to vector<32x128xf32>
    %transpose3A_182 = tpu.transpose %slice3A_181, [1, 0] : vector<32x128xf32> -> vector<128x32xf32>
    %slice3A_183 = vector.extract_strided_slice %get3A_1 {offsets = [0, 10496], sizes = [32, 128], strides = [1, 1]} : vector<32x15872xf32> to vector<32x128xf32>
    %transpose3A_184 = tpu.transpose %slice3A_183, [1, 0] : vector<32x128xf32> -> vector<128x32xf32>
    %slice3A_185 = vector.extract_strided_slice %get3A_1 {offsets = [0, 10624], sizes = [32, 128], strides = [1, 1]} : vector<32x15872xf32> to vector<32x128xf32>
    %transpose3A_186 = tpu.transpose %slice3A_185, [1, 0] : vector<32x128xf32> -> vector<128x32xf32>
    %concatenate3A_187 = tpu.concatenate %transpose3A_180, %transpose3A_182, %transpose3A_184, %transpose3A_186 in 1 : vector<128x32xf32>, vector<128x32xf32>, vector<128x32xf32>, vector<128x32xf32> -> vector<128x128xf32>
    %slice3A_188 = vector.extract_strided_slice %get3A_1 {offsets = [0, 10752], sizes = [32, 128], strides = [1, 1]} : vector<32x15872xf32> to vector<32x128xf32>
    %transpose3A_189 = tpu.transpose %slice3A_188, [1, 0] : vector<32x128xf32> -> vector<128x32xf32>
    %slice3A_190 = vector.extract_strided_slice %get3A_1 {offsets = [0, 10880], sizes = [32, 128], strides = [1, 1]} : vector<32x15872xf32> to vector<32x128xf32>
    %transpose3A_191 = tpu.transpose %slice3A_190, [1, 0] : vector<32x128xf32> -> vector<128x32xf32>
    %slice3A_192 = vector.extract_strided_slice %get3A_1 {offsets = [0, 11008], sizes = [32, 128], strides = [1, 1]} : vector<32x15872xf32> to vector<32x128xf32>
    %transpose3A_193 = tpu.transpose %slice3A_192, [1, 0] : vector<32x128xf32> -> vector<128x32xf32>
    %slice3A_194 = vector.extract_strided_slice %get3A_1 {offsets = [0, 11136], sizes = [32, 128], strides = [1, 1]} : vector<32x15872xf32> to vector<32x128xf32>
    %transpose3A_195 = tpu.transpose %slice3A_194, [1, 0] : vector<32x128xf32> -> vector<128x32xf32>
    %concatenate3A_196 = tpu.concatenate %transpose3A_189, %transpose3A_191, %transpose3A_193, %transpose3A_195 in 1 : vector<128x32xf32>, vector<128x32xf32>, vector<128x32xf32>, vector<128x32xf32> -> vector<128x128xf32>
    %slice3A_197 = vector.extract_strided_slice %get3A_1 {offsets = [0, 11264], sizes = [32, 128], strides = [1, 1]} : vector<32x15872xf32> to vector<32x128xf32>
    %transpose3A_198 = tpu.transpose %slice3A_197, [1, 0] : vector<32x128xf32> -> vector<128x32xf32>
    %slice3A_199 = vector.extract_strided_slice %get3A_1 {offsets = [0, 11392], sizes = [32, 128], strides = [1, 1]} : vector<32x15872xf32> to vector<32x128xf32>
    %transpose3A_200 = tpu.transpose %slice3A_199, [1, 0] : vector<32x128xf32> -> vector<128x32xf32>
    %slice3A_201 = vector.extract_strided_slice %get3A_1 {offsets = [0, 11520], sizes = [32, 128], strides = [1, 1]} : vector<32x15872xf32> to vector<32x128xf32>
    %transpose3A_202 = tpu.transpose %slice3A_201, [1, 0] : vector<32x128xf32> -> vector<128x32xf32>
    %slice3A_203 = vector.extract_strided_slice %get3A_1 {offsets = [0, 11648], sizes = [32, 128], strides = [1, 1]} : vector<32x15872xf32> to vector<32x128xf32>
    %transpose3A_204 = tpu.transpose %slice3A_203, [1, 0] : vector<32x128xf32> -> vector<128x32xf32>
    %concatenate3A_205 = tpu.concatenate %transpose3A_198, %transpose3A_200, %transpose3A_202, %transpose3A_204 in 1 : vector<128x32xf32>, vector<128x32xf32>, vector<128x32xf32>, vector<128x32xf32> -> vector<128x128xf32>
    %slice3A_206 = vector.extract_strided_slice %get3A_1 {offsets = [0, 11776], sizes = [32, 128], strides = [1, 1]} : vector<32x15872xf32> to vector<32x128xf32>
    %transpose3A_207 = tpu.transpose %slice3A_206, [1, 0] : vector<32x128xf32> -> vector<128x32xf32>
    %slice3A_208 = vector.extract_strided_slice %get3A_1 {offsets = [0, 11904], sizes = [32, 128], strides = [1, 1]} : vector<32x15872xf32> to vector<32x128xf32>
    %transpose3A_209 = tpu.transpose %slice3A_208, [1, 0] : vector<32x128xf32> -> vector<128x32xf32>
    %slice3A_210 = vector.extract_strided_slice %get3A_1 {offsets = [0, 12032], sizes = [32, 128], strides = [1, 1]} : vector<32x15872xf32> to vector<32x128xf32>
    %transpose3A_211 = tpu.transpose %slice3A_210, [1, 0] : vector<32x128xf32> -> vector<128x32xf32>
    %slice3A_212 = vector.extract_strided_slice %get3A_1 {offsets = [0, 12160], sizes = [32, 128], strides = [1, 1]} : vector<32x15872xf32> to vector<32x128xf32>
    %transpose3A_213 = tpu.transpose %slice3A_212, [1, 0] : vector<32x128xf32> -> vector<128x32xf32>
    %concatenate3A_214 = tpu.concatenate %transpose3A_207, %transpose3A_209, %transpose3A_211, %transpose3A_213 in 1 : vector<128x32xf32>, vector<128x32xf32>, vector<128x32xf32>, vector<128x32xf32> -> vector<128x128xf32>
    %slice3A_215 = vector.extract_strided_slice %get3A_1 {offsets = [0, 12288], sizes = [32, 128], strides = [1, 1]} : vector<32x15872xf32> to vector<32x128xf32>
    %transpose3A_216 = tpu.transpose %slice3A_215, [1, 0] : vector<32x128xf32> -> vector<128x32xf32>
    %slice3A_217 = vector.extract_strided_slice %get3A_1 {offsets = [0, 12416], sizes = [32, 128], strides = [1, 1]} : vector<32x15872xf32> to vector<32x128xf32>
    %transpose3A_218 = tpu.transpose %slice3A_217, [1, 0] : vector<32x128xf32> -> vector<128x32xf32>
    %slice3A_219 = vector.extract_strided_slice %get3A_1 {offsets = [0, 12544], sizes = [32, 128], strides = [1, 1]} : vector<32x15872xf32> to vector<32x128xf32>
    %transpose3A_220 = tpu.transpose %slice3A_219, [1, 0] : vector<32x128xf32> -> vector<128x32xf32>
    %slice3A_221 = vector.extract_strided_slice %get3A_1 {offsets = [0, 12672], sizes = [32, 128], strides = [1, 1]} : vector<32x15872xf32> to vector<32x128xf32>
    %transpose3A_222 = tpu.transpose %slice3A_221, [1, 0] : vector<32x128xf32> -> vector<128x32xf32>
    %concatenate3A_223 = tpu.concatenate %transpose3A_216, %transpose3A_218, %transpose3A_220, %transpose3A_222 in 1 : vector<128x32xf32>, vector<128x32xf32>, vector<128x32xf32>, vector<128x32xf32> -> vector<128x128xf32>
    %slice3A_224 = vector.extract_strided_slice %get3A_1 {offsets = [0, 12800], sizes = [32, 128], strides = [1, 1]} : vector<32x15872xf32> to vector<32x128xf32>
    %transpose3A_225 = tpu.transpose %slice3A_224, [1, 0] : vector<32x128xf32> -> vector<128x32xf32>
    %slice3A_226 = vector.extract_strided_slice %get3A_1 {offsets = [0, 12928], sizes = [32, 128], strides = [1, 1]} : vector<32x15872xf32> to vector<32x128xf32>
    %transpose3A_227 = tpu.transpose %slice3A_226, [1, 0] : vector<32x128xf32> -> vector<128x32xf32>
    %slice3A_228 = vector.extract_strided_slice %get3A_1 {offsets = [0, 13056], sizes = [32, 128], strides = [1, 1]} : vector<32x15872xf32> to vector<32x128xf32>
    %transpose3A_229 = tpu.transpose %slice3A_228, [1, 0] : vector<32x128xf32> -> vector<128x32xf32>
    %slice3A_230 = vector.extract_strided_slice %get3A_1 {offsets = [0, 13184], sizes = [32, 128], strides = [1, 1]} : vector<32x15872xf32> to vector<32x128xf32>
    %transpose3A_231 = tpu.transpose %slice3A_230, [1, 0] : vector<32x128xf32> -> vector<128x32xf32>
    %concatenate3A_232 = tpu.concatenate %transpose3A_225, %transpose3A_227, %transpose3A_229, %transpose3A_231 in 1 : vector<128x32xf32>, vector<128x32xf32>, vector<128x32xf32>, vector<128x32xf32> -> vector<128x128xf32>
    %slice3A_233 = vector.extract_strided_slice %get3A_1 {offsets = [0, 13312], sizes = [32, 128], strides = [1, 1]} : vector<32x15872xf32> to vector<32x128xf32>
    %transpose3A_234 = tpu.transpose %slice3A_233, [1, 0] : vector<32x128xf32> -> vector<128x32xf32>
    %slice3A_235 = vector.extract_strided_slice %get3A_1 {offsets = [0, 13440], sizes = [32, 128], strides = [1, 1]} : vector<32x15872xf32> to vector<32x128xf32>
    %transpose3A_236 = tpu.transpose %slice3A_235, [1, 0] : vector<32x128xf32> -> vector<128x32xf32>
    %slice3A_237 = vector.extract_strided_slice %get3A_1 {offsets = [0, 13568], sizes = [32, 128], strides = [1, 1]} : vector<32x15872xf32> to vector<32x128xf32>
    %transpose3A_238 = tpu.transpose %slice3A_237, [1, 0] : vector<32x128xf32> -> vector<128x32xf32>
    %slice3A_239 = vector.extract_strided_slice %get3A_1 {offsets = [0, 13696], sizes = [32, 128], strides = [1, 1]} : vector<32x15872xf32> to vector<32x128xf32>
    %transpose3A_240 = tpu.transpose %slice3A_239, [1, 0] : vector<32x128xf32> -> vector<128x32xf32>
    %concatenate3A_241 = tpu.concatenate %transpose3A_234, %transpose3A_236, %transpose3A_238, %transpose3A_240 in 1 : vector<128x32xf32>, vector<128x32xf32>, vector<128x32xf32>, vector<128x32xf32> -> vector<128x128xf32>
    %slice3A_242 = vector.extract_strided_slice %get3A_1 {offsets = [0, 13824], sizes = [32, 128], strides = [1, 1]} : vector<32x15872xf32> to vector<32x128xf32>
    %transpose3A_243 = tpu.transpose %slice3A_242, [1, 0] : vector<32x128xf32> -> vector<128x32xf32>
    %slice3A_244 = vector.extract_strided_slice %get3A_1 {offsets = [0, 13952], sizes = [32, 128], strides = [1, 1]} : vector<32x15872xf32> to vector<32x128xf32>
    %transpose3A_245 = tpu.transpose %slice3A_244, [1, 0] : vector<32x128xf32> -> vector<128x32xf32>
    %slice3A_246 = vector.extract_strided_slice %get3A_1 {offsets = [0, 14080], sizes = [32, 128], strides = [1, 1]} : vector<32x15872xf32> to vector<32x128xf32>
    %transpose3A_247 = tpu.transpose %slice3A_246, [1, 0] : vector<32x128xf32> -> vector<128x32xf32>
    %slice3A_248 = vector.extract_strided_slice %get3A_1 {offsets = [0, 14208], sizes = [32, 128], strides = [1, 1]} : vector<32x15872xf32> to vector<32x128xf32>
    %transpose3A_249 = tpu.transpose %slice3A_248, [1, 0] : vector<32x128xf32> -> vector<128x32xf32>
    %concatenate3A_250 = tpu.concatenate %transpose3A_243, %transpose3A_245, %transpose3A_247, %transpose3A_249 in 1 : vector<128x32xf32>, vector<128x32xf32>, vector<128x32xf32>, vector<128x32xf32> -> vector<128x128xf32>
    %slice3A_251 = vector.extract_strided_slice %get3A_1 {offsets = [0, 14336], sizes = [32, 128], strides = [1, 1]} : vector<32x15872xf32> to vector<32x128xf32>
    %transpose3A_252 = tpu.transpose %slice3A_251, [1, 0] : vector<32x128xf32> -> vector<128x32xf32>
    %slice3A_253 = vector.extract_strided_slice %get3A_1 {offsets = [0, 14464], sizes = [32, 128], strides = [1, 1]} : vector<32x15872xf32> to vector<32x128xf32>
    %transpose3A_254 = tpu.transpose %slice3A_253, [1, 0] : vector<32x128xf32> -> vector<128x32xf32>
    %slice3A_255 = vector.extract_strided_slice %get3A_1 {offsets = [0, 14592], sizes = [32, 128], strides = [1, 1]} : vector<32x15872xf32> to vector<32x128xf32>
    %transpose3A_256 = tpu.transpose %slice3A_255, [1, 0] : vector<32x128xf32> -> vector<128x32xf32>
    %slice3A_257 = vector.extract_strided_slice %get3A_1 {offsets = [0, 14720], sizes = [32, 128], strides = [1, 1]} : vector<32x15872xf32> to vector<32x128xf32>
    %transpose3A_258 = tpu.transpose %slice3A_257, [1, 0] : vector<32x128xf32> -> vector<128x32xf32>
    %concatenate3A_259 = tpu.concatenate %transpose3A_252, %transpose3A_254, %transpose3A_256, %transpose3A_258 in 1 : vector<128x32xf32>, vector<128x32xf32>, vector<128x32xf32>, vector<128x32xf32> -> vector<128x128xf32>
    %slice3A_260 = vector.extract_strided_slice %get3A_1 {offsets = [0, 14848], sizes = [32, 128], strides = [1, 1]} : vector<32x15872xf32> to vector<32x128xf32>
    %transpose3A_261 = tpu.transpose %slice3A_260, [1, 0] : vector<32x128xf32> -> vector<128x32xf32>
    %slice3A_262 = vector.extract_strided_slice %get3A_1 {offsets = [0, 14976], sizes = [32, 128], strides = [1, 1]} : vector<32x15872xf32> to vector<32x128xf32>
    %transpose3A_263 = tpu.transpose %slice3A_262, [1, 0] : vector<32x128xf32> -> vector<128x32xf32>
    %slice3A_264 = vector.extract_strided_slice %get3A_1 {offsets = [0, 15104], sizes = [32, 128], strides = [1, 1]} : vector<32x15872xf32> to vector<32x128xf32>
    %transpose3A_265 = tpu.transpose %slice3A_264, [1, 0] : vector<32x128xf32> -> vector<128x32xf32>
    %slice3A_266 = vector.extract_strided_slice %get3A_1 {offsets = [0, 15232], sizes = [32, 128], strides = [1, 1]} : vector<32x15872xf32> to vector<32x128xf32>
    %transpose3A_267 = tpu.transpose %slice3A_266, [1, 0] : vector<32x128xf32> -> vector<128x32xf32>
    %concatenate3A_268 = tpu.concatenate %transpose3A_261, %transpose3A_263, %transpose3A_265, %transpose3A_267 in 1 : vector<128x32xf32>, vector<128x32xf32>, vector<128x32xf32>, vector<128x32xf32> -> vector<128x128xf32>
    %slice3A_269 = vector.extract_strided_slice %get3A_1 {offsets = [0, 15360], sizes = [32, 128], strides = [1, 1]} : vector<32x15872xf32> to vector<32x128xf32>
    %transpose3A_270 = tpu.transpose %slice3A_269, [1, 0] : vector<32x128xf32> -> vector<128x32xf32>
    %slice3A_271 = vector.extract_strided_slice %get3A_1 {offsets = [0, 15488], sizes = [32, 128], strides = [1, 1]} : vector<32x15872xf32> to vector<32x128xf32>
    %transpose3A_272 = tpu.transpose %slice3A_271, [1, 0] : vector<32x128xf32> -> vector<128x32xf32>
    %slice3A_273 = vector.extract_strided_slice %get3A_1 {offsets = [0, 15616], sizes = [32, 128], strides = [1, 1]} : vector<32x15872xf32> to vector<32x128xf32>
    %transpose3A_274 = tpu.transpose %slice3A_273, [1, 0] : vector<32x128xf32> -> vector<128x32xf32>
    %slice3A_275 = vector.extract_strided_slice %get3A_1 {offsets = [0, 15744], sizes = [32, 128], strides = [1, 1]} : vector<32x15872xf32> to vector<32x128xf32>
    %transpose3A_276 = tpu.transpose %slice3A_275, [1, 0] : vector<32x128xf32> -> vector<128x32xf32>
    %concatenate3A_277 = tpu.concatenate %transpose3A_270, %transpose3A_272, %transpose3A_274, %transpose3A_276 in 1 : vector<128x32xf32>, vector<128x32xf32>, vector<128x32xf32>, vector<128x32xf32> -> vector<128x128xf32>
    %concatenate3A_278 = tpu.concatenate %concatenate3A, %concatenate3A_16, %concatenate3A_25, %concatenate3A_34, %concatenate3A_43, %concatenate3A_52, %concatenate3A_61, %concatenate3A_70, %concatenate3A_79, %concatenate3A_88, %concatenate3A_97, %concatenate3A_106, %concatenate3A_115, %concatenate3A_124, %concatenate3A_133, %concatenate3A_142, %concatenate3A_151, %concatenate3A_160, %concatenate3A_169, %concatenate3A_178, %concatenate3A_187, %concatenate3A_196, %concatenate3A_205, %concatenate3A_214, %concatenate3A_223, %concatenate3A_232, %concatenate3A_241, %concatenate3A_250, %concatenate3A_259, %concatenate3A_268, %concatenate3A_277 in 0 : vector<128x128xf32>, vector<128x128xf32>, vector<128x128xf32>, vector<128x128xf32>, vector<128x128xf32>, vector<128x128xf32>, vector<128x128xf32>, vector<128x128xf32>, vector<128x128xf32>, vector<128x128xf32>, vector<128x128xf32>, vector<128x128xf32>, vector<128x128xf32>, vector<128x128xf32>, vector<128x128xf32>, vector<128x128xf32>, vector<128x128xf32>, vector<128x128xf32>, vector<128x128xf32>, vector<128x128xf32>, vector<128x128xf32>, vector<128x128xf32>, vector<128x128xf32>, vector<128x128xf32>, vector<128x128xf32>, vector<128x128xf32>, vector<128x128xf32>, vector<128x128xf32>, vector<128x128xf32>, vector<128x128xf32>, vector<128x128xf32> -> vector<3968x128xf32>
    %swap3A = arith.constant 0 : index
    %swap3A_279 = arith.constant 0 : index
    %swap3A_280 = vector.load %arg2[%swap3A, %swap3A_279] : memref<3968x128xf32, #tpu.memory_space<vmem>>, vector<3968x128xf32>
    tpu.vector_store %arg2[%swap3A, %swap3A_279], %concatenate3A_278 {strides = array<i32>} : memref<3968x128xf32, #tpu.memory_space<vmem>>, vector<3968x128xf32>,
    return
  }
  func.func @transform_0(%arg0: i32) -> (i32, i32) {
    %c0_i32 = arith.constant 0 : i32
    %c0_i32_0 = arith.constant 0 : i32
    return %c0_i32, %arg0 : i32, i32
  }
  func.func @transform_1(%arg0: i32) -> (i32, i32) {
    %c0_i32 = arith.constant 0 : i32
    %c0_i32_0 = arith.constant 0 : i32
    return %arg0, %c0_i32 : i32, i32
  }
}

module attributes {stable_mosaic.version = 14 : i64} {
  func.func @_pack_tail_body(%arg0: i32, %arg1: memref<16x128xf32, #tpu.memory_space<vmem>>, %arg2: memref<64x32xf32, #tpu.memory_space<vmem>>, %arg3: memref<16x128xf32, #tpu.memory_space<vmem>>) attributes {dimension_semantics = [#tpu.dimension_semantics<arbitrary>], iteration_bounds = array<i64: 1>, scalar_prefetch = 0 : i64, scratch_operands = 0 : i64, tpu.core_type = #tpu.core_type<tc>, window_params = [{transform_indices = @transform_0, window_bounds = array<i64: 16, 128>}, {pipeline_mode = #tpu.pipeline_mode<synchronous>, transform_indices = @transform_1, window_bounds = array<i64: 64, 32>}, {transform_indices = @transform_2, window_bounds = array<i64: 16, 128>}]} {
    %get3A = arith.constant 0 : index
    %get3A_0 = arith.constant 0 : index
    %get3A_1 = vector.load %arg2[%get3A, %get3A_0] : memref<64x32xf32, #tpu.memory_space<vmem>>, vector<16x32xf32>
    %get3A_2 = arith.constant 16 : index
    %get3A_3 = arith.constant 0 : index
    %get3A_4 = vector.load %arg2[%get3A_2, %get3A_3] : memref<64x32xf32, #tpu.memory_space<vmem>>, vector<16x32xf32>
    %get3A_5 = arith.constant 32 : index
    %get3A_6 = arith.constant 0 : index
    %get3A_7 = vector.load %arg2[%get3A_5, %get3A_6] : memref<64x32xf32, #tpu.memory_space<vmem>>, vector<16x32xf32>
    %get3A_8 = arith.constant 48 : index
    %get3A_9 = arith.constant 0 : index
    %get3A_10 = vector.load %arg2[%get3A_8, %get3A_9] : memref<64x32xf32, #tpu.memory_space<vmem>>, vector<16x32xf32>
    %concatenate3A = tpu.concatenate %get3A_1, %get3A_4, %get3A_7, %get3A_10 in 1 : vector<16x32xf32>, vector<16x32xf32>, vector<16x32xf32>, vector<16x32xf32> -> vector<16x128xf32>
    %swap3A = arith.constant 0 : index
    %swap3A_11 = arith.constant 0 : index
    %swap3A_12 = vector.load %arg3[%swap3A, %swap3A_11] : memref<16x128xf32, #tpu.memory_space<vmem>>, vector<16x128xf32>
    tpu.vector_store %arg3[%swap3A, %swap3A_11], %concatenate3A {strides = array<i32>} : memref<16x128xf32, #tpu.memory_space<vmem>>, vector<16x128xf32>,
    return
  }
  func.func @transform_0(%arg0: i32) -> (i32, i32) {
    %c15624_i32 = arith.constant 15624 : i32
    %c0_i32 = arith.constant 0 : i32
    %c0_i32_0 = arith.constant 0 : i32
    return %c15624_i32, %c0_i32 : i32, i32
  }
  func.func @transform_1(%arg0: i32) -> (i32, i32) {
    %c0_i32 = arith.constant 0 : i32
    %c0_i32_0 = arith.constant 0 : i32
    %c0_i32_1 = arith.constant 0 : i32
    return %c0_i32, %c0_i32_0 : i32, i32
  }
  func.func @transform_2(%arg0: i32) -> (i32, i32) {
    %c15624_i32 = arith.constant 15624 : i32
    %c0_i32 = arith.constant 0 : i32
    %c0_i32_0 = arith.constant 0 : i32
    return %c15624_i32, %c0_i32 : i32, i32
  }
}

module attributes {stable_mosaic.version = 14 : i64} {
  func.func @_tc_body(%arg0: i32, %arg1: memref<4096x128xf32, #tpu.memory_space<vmem>>, %arg2: memref<4096x128xf32, #tpu.memory_space<vmem>>, %arg3: memref<4096x1xi32, #tpu.memory_space<vmem>>, %arg4: memref<4096x1xi32, #tpu.memory_space<vmem>>, %arg5: memref<32x48xf32, #tpu.memory_space<vmem>>, %arg6: memref<1x48xf32, #tpu.memory_space<vmem>>, %arg7: memref<48x48xf32, #tpu.memory_space<vmem>>, %arg8: memref<1x48xf32, #tpu.memory_space<vmem>>, %arg9: memref<48x48xf32, #tpu.memory_space<vmem>>, %arg10: memref<1x48xf32, #tpu.memory_space<vmem>>, %arg11: memref<48x32xf32, #tpu.memory_space<vmem>>, %arg12: memref<1x32xf32, #tpu.memory_space<vmem>>, %arg13: memref<4096x1xf32, #tpu.memory_space<vmem>>) attributes {dimension_semantics = [#tpu.dimension_semantics<arbitrary>], iteration_bounds = array<i64: 4>, scalar_prefetch = 0 : i64, scratch_operands = 0 : i64, tpu.core_type = #tpu.core_type<tc>, window_params = [{transform_indices = @transform_0, window_bounds = array<i64: 4096, 128>}, {transform_indices = @transform_1, window_bounds = array<i64: 4096, 128>}, {transform_indices = @transform_2, window_bounds = array<i64: 4096, 1>}, {transform_indices = @transform_3, window_bounds = array<i64: 4096, 1>}, {pipeline_mode = #tpu.pipeline_mode<synchronous>, transform_indices = @transform_4, window_bounds = array<i64: 32, 48>}, {pipeline_mode = #tpu.pipeline_mode<synchronous>, transform_indices = @transform_5, window_bounds = array<i64: 1, 48>}, {pipeline_mode = #tpu.pipeline_mode<synchronous>, transform_indices = @transform_6, window_bounds = array<i64: 48, 48>}, {pipeline_mode = #tpu.pipeline_mode<synchronous>, transform_indices = @transform_7, window_bounds = array<i64: 1, 48>}, {pipeline_mode = #tpu.pipeline_mode<synchronous>, transform_indices = @transform_8, window_bounds = array<i64: 48, 48>}, {pipeline_mode = #tpu.pipeline_mode<synchronous>, transform_indices = @transform_9, window_bounds = array<i64: 1, 48>}, {pipeline_mode = #tpu.pipeline_mode<synchronous>, transform_indices = @transform_10, window_bounds = array<i64: 48, 32>}, {pipeline_mode = #tpu.pipeline_mode<synchronous>, transform_indices = @transform_11, window_bounds = array<i64: 1, 32>}, {transform_indices = @transform_12, window_bounds = array<i64: 4096, 1>}]} {
    %get3A = arith.constant 0 : index
    %get3A_0 = arith.constant 0 : index
    %get3A_1 = vector.load %arg1[%get3A, %get3A_0] : memref<4096x128xf32, #tpu.memory_space<vmem>>, vector<4096x128xf32>
    %get3A_2 = arith.constant 0 : index
    %get3A_3 = arith.constant 0 : index
    %get3A_4 = vector.load %arg3[%get3A_2, %get3A_3] : memref<4096x1xi32, #tpu.memory_space<vmem>>, vector<4096x1xi32>
    %lt3A = arith.constant 999936 : i32
    %lt3A_5 = vector.broadcast %lt3A : i32 to vector<4096x1xi32>
    %lt3A_6 = arith.cmpi slt, %get3A_4, %lt3A_5 : vector<4096x1xi32>
    %shift_right_arithmetic3A = arith.constant 7 : i32
    %shift_right_arithmetic3A_7 = vector.broadcast %shift_right_arithmetic3A : i32 to vector<4096x1xi32>
    %shift_right_arithmetic3A_8 = arith.shrsi %get3A_4, %shift_right_arithmetic3A_7 : vector<4096x1xi32>
    %and3A = arith.constant 3 : i32
    %and3A_9 = vector.broadcast %and3A : i32 to vector<4096x1xi32>
    %and3A_10 = arith.andi %shift_right_arithmetic3A_8, %and3A_9 : vector<4096x1xi32>
    %sub3A = arith.constant 999936 : i32
    %sub3A_11 = vector.broadcast %sub3A : i32 to vector<4096x1xi32>
    %sub3A_12 = arith.subi %get3A_4, %sub3A_11 : vector<4096x1xi32>
    %shift_right_arithmetic3A_13 = arith.constant 4 : i32
    %shift_right_arithmetic3A_14 = vector.broadcast %shift_right_arithmetic3A_13 : i32 to vector<4096x1xi32>
    %shift_right_arithmetic3A_15 = arith.shrsi %sub3A_12, %shift_right_arithmetic3A_14 : vector<4096x1xi32>
    %select_n3A = arith.select %lt3A_6, %and3A_10, %shift_right_arithmetic3A_15 : vector<4096x1xi1>, vector<4096x1xi32>
    %eq3A = arith.constant 0 : i32
    %eq3A_16 = vector.broadcast %eq3A : i32 to vector<4096x1xi32>
    %eq3A_17 = arith.cmpi eq, %select_n3A, %eq3A_16 : vector<4096x1xi32>
    %slice3A = vector.extract_strided_slice %get3A_1 {offsets = [0, 0], sizes = [4096, 32], strides = [1, 1]} : vector<4096x128xf32> to vector<4096x32xf32>
    %jit3A = arith.constant 0.000000e+00 : f32
    %broadcast_in_dim3A = vector.shape_cast %eq3A_17 : vector<4096x1xi1> to vector<4096x1xi1>
    %broadcast_in_dim3A_18 = vector.broadcast %broadcast_in_dim3A : vector<4096x1xi1> to vector<4096x32xi1>
    %broadcast_in_dim3A_19 = vector.broadcast %jit3A : f32 to vector<4096x32xf32>
    %select_n3A_20 = arith.select %broadcast_in_dim3A_18, %slice3A, %broadcast_in_dim3A_19 : vector<4096x32xi1>, vector<4096x32xf32>
    %eq3A_21 = arith.constant 1 : i32
    %eq3A_22 = vector.broadcast %eq3A_21 : i32 to vector<4096x1xi32>
    %eq3A_23 = arith.cmpi eq, %select_n3A, %eq3A_22 : vector<4096x1xi32>
    %slice3A_24 = vector.extract_strided_slice %get3A_1 {offsets = [0, 32], sizes = [4096, 32], strides = [1, 1]} : vector<4096x128xf32> to vector<4096x32xf32>
    %jit3A_25 = arith.constant 0.000000e+00 : f32
    %broadcast_in_dim3A_26 = vector.shape_cast %eq3A_23 : vector<4096x1xi1> to vector<4096x1xi1>
    %broadcast_in_dim3A_27 = vector.broadcast %broadcast_in_dim3A_26 : vector<4096x1xi1> to vector<4096x32xi1>
    %broadcast_in_dim3A_28 = vector.broadcast %jit3A_25 : f32 to vector<4096x32xf32>
    %select_n3A_29 = arith.select %broadcast_in_dim3A_27, %slice3A_24, %broadcast_in_dim3A_28 : vector<4096x32xi1>, vector<4096x32xf32>
    %add3A = arith.addf %select_n3A_20, %select_n3A_29 : vector<4096x32xf32>
    %eq3A_30 = arith.constant 2 : i32
    %eq3A_31 = vector.broadcast %eq3A_30 : i32 to vector<4096x1xi32>
    %eq3A_32 = arith.cmpi eq, %select_n3A, %eq3A_31 : vector<4096x1xi32>
    %slice3A_33 = vector.extract_strided_slice %get3A_1 {offsets = [0, 64], sizes = [4096, 32], strides = [1, 1]} : vector<4096x128xf32> to vector<4096x32xf32>
    %jit3A_34 = arith.constant 0.000000e+00 : f32
    %broadcast_in_dim3A_35 = vector.shape_cast %eq3A_32 : vector<4096x1xi1> to vector<4096x1xi1>
    %broadcast_in_dim3A_36 = vector.broadcast %broadcast_in_dim3A_35 : vector<4096x1xi1> to vector<4096x32xi1>
    %broadcast_in_dim3A_37 = vector.broadcast %jit3A_34 : f32 to vector<4096x32xf32>
    %select_n3A_38 = arith.select %broadcast_in_dim3A_36, %slice3A_33, %broadcast_in_dim3A_37 : vector<4096x32xi1>, vector<4096x32xf32>
    %add3A_39 = arith.addf %add3A, %select_n3A_38 : vector<4096x32xf32>
    %eq3A_40 = arith.constant 3 : i32
    %eq3A_41 = vector.broadcast %eq3A_40 : i32 to vector<4096x1xi32>
    %eq3A_42 = arith.cmpi eq, %select_n3A, %eq3A_41 : vector<4096x1xi32>
    %slice3A_43 = vector.extract_strided_slice %get3A_1 {offsets = [0, 96], sizes = [4096, 32], strides = [1, 1]} : vector<4096x128xf32> to vector<4096x32xf32>
    %jit3A_44 = arith.constant 0.000000e+00 : f32
    %broadcast_in_dim3A_45 = vector.shape_cast %eq3A_42 : vector<4096x1xi1> to vector<4096x1xi1>
    %broadcast_in_dim3A_46 = vector.broadcast %broadcast_in_dim3A_45 : vector<4096x1xi1> to vector<4096x32xi1>
    %broadcast_in_dim3A_47 = vector.broadcast %jit3A_44 : f32 to vector<4096x32xf32>
    %select_n3A_48 = arith.select %broadcast_in_dim3A_46, %slice3A_43, %broadcast_in_dim3A_47 : vector<4096x32xi1>, vector<4096x32xf32>
    %add3A_49 = arith.addf %add3A_39, %select_n3A_48 : vector<4096x32xf32>
    %get3A_50 = arith.constant 0 : index
    %get3A_51 = arith.constant 0 : index
    %get3A_52 = vector.load %arg2[%get3A_50, %get3A_51] : memref<4096x128xf32, #tpu.memory_space<vmem>>, vector<4096x128xf32>
    %get3A_53 = arith.constant 0 : index
    %get3A_54 = arith.constant 0 : index
    %get3A_55 = vector.load %arg4[%get3A_53, %get3A_54] : memref<4096x1xi32, #tpu.memory_space<vmem>>, vector<4096x1xi32>
    %lt3A_56 = arith.constant 999936 : i32
    %lt3A_57 = vector.broadcast %lt3A_56 : i32 to vector<4096x1xi32>
    %lt3A_58 = arith.cmpi slt, %get3A_55, %lt3A_57 : vector<4096x1xi32>
    %shift_right_arithmetic3A_59 = arith.constant 7 : i32
    %shift_right_arithmetic3A_60 = vector.broadcast %shift_right_arithmetic3A_59 : i32 to vector<4096x1xi32>
    %shift_right_arithmetic3A_61 = arith.shrsi %get3A_55, %shift_right_arithmetic3A_60 : vector<4096x1xi32>
    %and3A_62 = arith.constant 3 : i32
    %and3A_63 = vector.broadcast %and3A_62 : i32 to vector<4096x1xi32>
    %and3A_64 = arith.andi %shift_right_arithmetic3A_61, %and3A_63 : vector<4096x1xi32>
    %sub3A_65 = arith.constant 999936 : i32
    %sub3A_66 = vector.broadcast %sub3A_65 : i32 to vector<4096x1xi32>
    %sub3A_67 = arith.subi %get3A_55, %sub3A_66 : vector<4096x1xi32>
    %shift_right_arithmetic3A_68 = arith.constant 4 : i32
    %shift_right_arithmetic3A_69 = vector.broadcast %shift_right_arithmetic3A_68 : i32 to vector<4096x1xi32>
    %shift_right_arithmetic3A_70 = arith.shrsi %sub3A_67, %shift_right_arithmetic3A_69 : vector<4096x1xi32>
    %select_n3A_71 = arith.select %lt3A_58, %and3A_64, %shift_right_arithmetic3A_70 : vector<4096x1xi1>, vector<4096x1xi32>
    %eq3A_72 = arith.constant 0 : i32
    %eq3A_73 = vector.broadcast %eq3A_72 : i32 to vector<4096x1xi32>
    %eq3A_74 = arith.cmpi eq, %select_n3A_71, %eq3A_73 : vector<4096x1xi32>
    %slice3A_75 = vector.extract_strided_slice %get3A_52 {offsets = [0, 0], sizes = [4096, 32], strides = [1, 1]} : vector<4096x128xf32> to vector<4096x32xf32>
    %jit3A_76 = arith.constant 0.000000e+00 : f32
    %broadcast_in_dim3A_77 = vector.shape_cast %eq3A_74 : vector<4096x1xi1> to vector<4096x1xi1>
    %broadcast_in_dim3A_78 = vector.broadcast %broadcast_in_dim3A_77 : vector<4096x1xi1> to vector<4096x32xi1>
    %broadcast_in_dim3A_79 = vector.broadcast %jit3A_76 : f32 to vector<4096x32xf32>
    %select_n3A_80 = arith.select %broadcast_in_dim3A_78, %slice3A_75, %broadcast_in_dim3A_79 : vector<4096x32xi1>, vector<4096x32xf32>
    %eq3A_81 = arith.constant 1 : i32
    %eq3A_82 = vector.broadcast %eq3A_81 : i32 to vector<4096x1xi32>
    %eq3A_83 = arith.cmpi eq, %select_n3A_71, %eq3A_82 : vector<4096x1xi32>
    %slice3A_84 = vector.extract_strided_slice %get3A_52 {offsets = [0, 32], sizes = [4096, 32], strides = [1, 1]} : vector<4096x128xf32> to vector<4096x32xf32>
    %jit3A_85 = arith.constant 0.000000e+00 : f32
    %broadcast_in_dim3A_86 = vector.shape_cast %eq3A_83 : vector<4096x1xi1> to vector<4096x1xi1>
    %broadcast_in_dim3A_87 = vector.broadcast %broadcast_in_dim3A_86 : vector<4096x1xi1> to vector<4096x32xi1>
    %broadcast_in_dim3A_88 = vector.broadcast %jit3A_85 : f32 to vector<4096x32xf32>
    %select_n3A_89 = arith.select %broadcast_in_dim3A_87, %slice3A_84, %broadcast_in_dim3A_88 : vector<4096x32xi1>, vector<4096x32xf32>
    %add3A_90 = arith.addf %select_n3A_80, %select_n3A_89 : vector<4096x32xf32>
    %eq3A_91 = arith.constant 2 : i32
    %eq3A_92 = vector.broadcast %eq3A_91 : i32 to vector<4096x1xi32>
    %eq3A_93 = arith.cmpi eq, %select_n3A_71, %eq3A_92 : vector<4096x1xi32>
    %slice3A_94 = vector.extract_strided_slice %get3A_52 {offsets = [0, 64], sizes = [4096, 32], strides = [1, 1]} : vector<4096x128xf32> to vector<4096x32xf32>
    %jit3A_95 = arith.constant 0.000000e+00 : f32
    %broadcast_in_dim3A_96 = vector.shape_cast %eq3A_93 : vector<4096x1xi1> to vector<4096x1xi1>
    %broadcast_in_dim3A_97 = vector.broadcast %broadcast_in_dim3A_96 : vector<4096x1xi1> to vector<4096x32xi1>
    %broadcast_in_dim3A_98 = vector.broadcast %jit3A_95 : f32 to vector<4096x32xf32>
    %select_n3A_99 = arith.select %broadcast_in_dim3A_97, %slice3A_94, %broadcast_in_dim3A_98 : vector<4096x32xi1>, vector<4096x32xf32>
    %add3A_100 = arith.addf %add3A_90, %select_n3A_99 : vector<4096x32xf32>
    %eq3A_101 = arith.constant 3 : i32
    %eq3A_102 = vector.broadcast %eq3A_101 : i32 to vector<4096x1xi32>
    %eq3A_103 = arith.cmpi eq, %select_n3A_71, %eq3A_102 : vector<4096x1xi32>
    %slice3A_104 = vector.extract_strided_slice %get3A_52 {offsets = [0, 96], sizes = [4096, 32], strides = [1, 1]} : vector<4096x128xf32> to vector<4096x32xf32>
    %jit3A_105 = arith.constant 0.000000e+00 : f32
    %broadcast_in_dim3A_106 = vector.shape_cast %eq3A_103 : vector<4096x1xi1> to vector<4096x1xi1>
    %broadcast_in_dim3A_107 = vector.broadcast %broadcast_in_dim3A_106 : vector<4096x1xi1> to vector<4096x32xi1>
    %broadcast_in_dim3A_108 = vector.broadcast %jit3A_105 : f32 to vector<4096x32xf32>
    %select_n3A_109 = arith.select %broadcast_in_dim3A_107, %slice3A_104, %broadcast_in_dim3A_108 : vector<4096x32xi1>, vector<4096x32xf32>
    %add3A_110 = arith.addf %add3A_100, %select_n3A_109 : vector<4096x32xf32>
    %get3A_111 = arith.constant 0 : index
    %get3A_112 = arith.constant 0 : index
    %get3A_113 = vector.load %arg5[%get3A_111, %get3A_112] : memref<32x48xf32, #tpu.memory_space<vmem>>, vector<32x48xf32>
    %dot_general3A = arith.constant dense<0.000000e+00> : vector<4096x48xf32>
    %dot_general3A_114 = tpu.matmul %add3A_49, %get3A_113, %dot_general3A {dimension_numbers = #tpu.dot_dimension_numbers<[1], [0], [0], [1], [0, 0, 1, 1], [], []>, transpose_lhs_hint = false} : vector<4096x32xf32>, vector<32x48xf32>, vector<4096x48xf32> -> vector<4096x48xf32>
    %get3A_115 = arith.constant 0 : index
    %get3A_116 = arith.constant 0 : index
    %get3A_117 = vector.load %arg6[%get3A_115, %get3A_116] : memref<1x48xf32, #tpu.memory_space<vmem>>, vector<1x48xf32>
    %add3A_118 = vector.broadcast %get3A_117 : vector<1x48xf32> to vector<4096x48xf32>
    %add3A_119 = arith.addf %dot_general3A_114, %add3A_118 : vector<4096x48xf32>
    %max3A = arith.constant 0.000000e+00 : f32
    %max3A_120 = vector.broadcast %max3A : f32 to vector<4096x48xf32>
    %max3A_121 = arith.maximumf %add3A_119, %max3A_120 : vector<4096x48xf32>
    %get3A_122 = arith.constant 0 : index
    %get3A_123 = arith.constant 0 : index
    %get3A_124 = vector.load %arg7[%get3A_122, %get3A_123] : memref<48x48xf32, #tpu.memory_space<vmem>>, vector<48x48xf32>
    %dot_general3A_125 = arith.constant dense<0.000000e+00> : vector<4096x48xf32>
    %dot_general3A_126 = tpu.matmul %max3A_121, %get3A_124, %dot_general3A_125 {dimension_numbers = #tpu.dot_dimension_numbers<[1], [0], [0], [1], [0, 0, 1, 1], [], []>, transpose_lhs_hint = false} : vector<4096x48xf32>, vector<48x48xf32>, vector<4096x48xf32> -> vector<4096x48xf32>
    %get3A_127 = arith.constant 0 : index
    %get3A_128 = arith.constant 0 : index
    %get3A_129 = vector.load %arg8[%get3A_127, %get3A_128] : memref<1x48xf32, #tpu.memory_space<vmem>>, vector<1x48xf32>
    %add3A_130 = vector.broadcast %get3A_129 : vector<1x48xf32> to vector<4096x48xf32>
    %add3A_131 = arith.addf %dot_general3A_126, %add3A_130 : vector<4096x48xf32>
    %max3A_132 = arith.constant 0.000000e+00 : f32
    %max3A_133 = vector.broadcast %max3A_132 : f32 to vector<4096x48xf32>
    %max3A_134 = arith.maximumf %add3A_131, %max3A_133 : vector<4096x48xf32>
    %get3A_135 = arith.constant 0 : index
    %get3A_136 = arith.constant 0 : index
    %get3A_137 = vector.load %arg9[%get3A_135, %get3A_136] : memref<48x48xf32, #tpu.memory_space<vmem>>, vector<48x48xf32>
    %dot_general3A_138 = arith.constant dense<0.000000e+00> : vector<4096x48xf32>
    %dot_general3A_139 = tpu.matmul %max3A_134, %get3A_137, %dot_general3A_138 {dimension_numbers = #tpu.dot_dimension_numbers<[1], [0], [0], [1], [0, 0, 1, 1], [], []>, transpose_lhs_hint = false} : vector<4096x48xf32>, vector<48x48xf32>, vector<4096x48xf32> -> vector<4096x48xf32>
    %get3A_140 = arith.constant 0 : index
    %get3A_141 = arith.constant 0 : index
    %get3A_142 = vector.load %arg10[%get3A_140, %get3A_141] : memref<1x48xf32, #tpu.memory_space<vmem>>, vector<1x48xf32>
    %add3A_143 = vector.broadcast %get3A_142 : vector<1x48xf32> to vector<4096x48xf32>
    %add3A_144 = arith.addf %dot_general3A_139, %add3A_143 : vector<4096x48xf32>
    %max3A_145 = arith.constant 0.000000e+00 : f32
    %max3A_146 = vector.broadcast %max3A_145 : f32 to vector<4096x48xf32>
    %max3A_147 = arith.maximumf %add3A_144, %max3A_146 : vector<4096x48xf32>
    %get3A_148 = arith.constant 0 : index
    %get3A_149 = arith.constant 0 : index
    %get3A_150 = vector.load %arg11[%get3A_148, %get3A_149] : memref<48x32xf32, #tpu.memory_space<vmem>>, vector<48x32xf32>
    %dot_general3A_151 = arith.constant dense<0.000000e+00> : vector<4096x32xf32>
    %dot_general3A_152 = tpu.matmul %max3A_147, %get3A_150, %dot_general3A_151 {dimension_numbers = #tpu.dot_dimension_numbers<[1], [0], [0], [1], [0, 0, 1, 1], [], []>, transpose_lhs_hint = false} : vector<4096x48xf32>, vector<48x32xf32>, vector<4096x32xf32> -> vector<4096x32xf32>
    %get3A_153 = arith.constant 0 : index
    %get3A_154 = arith.constant 0 : index
    %get3A_155 = vector.load %arg12[%get3A_153, %get3A_154] : memref<1x32xf32, #tpu.memory_space<vmem>>, vector<1x32xf32>
    %add3A_156 = vector.broadcast %get3A_155 : vector<1x32xf32> to vector<4096x32xf32>
    %add3A_157 = arith.addf %dot_general3A_152, %add3A_156 : vector<4096x32xf32>
    %mul3A = arith.mulf %add3A_157, %add3A_110 : vector<4096x32xf32>
    %reduce_sum3A = arith.constant dense<0.000000e+00> : vector<4096xf32>
    %reduce_sum3A_158 = vector.multi_reduction <add>, %mul3A, %reduce_sum3A [1] : vector<4096x32xf32> to vector<4096xf32>
    %broadcast_in_dim3A_159 = vector.shape_cast %reduce_sum3A_158 : vector<4096xf32> to vector<4096x1xf32>
    %mul3A_160 = arith.constant 0.333333343 : f32
    %mul3A_161 = vector.broadcast %mul3A_160 : f32 to vector<4096x1xf32>
    %mul3A_162 = arith.mulf %broadcast_in_dim3A_159, %mul3A_161 : vector<4096x1xf32>
    %swap3A = arith.constant 0 : index
    %swap3A_163 = arith.constant 0 : index
    %swap3A_164 = vector.load %arg13[%swap3A, %swap3A_163] : memref<4096x1xf32, #tpu.memory_space<vmem>>, vector<4096x1xf32>
    tpu.vector_store %arg13[%swap3A, %swap3A_163], %mul3A_162 {strides = array<i32>} : memref<4096x1xf32, #tpu.memory_space<vmem>>, vector<4096x1xf32>,
    return
  }
  func.func @transform_0(%arg0: i32) -> (i32, i32) {
    %c0_i32 = arith.constant 0 : i32
    %c0_i32_0 = arith.constant 0 : i32
    return %arg0, %c0_i32 : i32, i32
  }
  func.func @transform_1(%arg0: i32) -> (i32, i32) {
    %c0_i32 = arith.constant 0 : i32
    %c0_i32_0 = arith.constant 0 : i32
    return %arg0, %c0_i32 : i32, i32
  }
  func.func @transform_2(%arg0: i32) -> (i32, i32) {
    %c0_i32 = arith.constant 0 : i32
    %c0_i32_0 = arith.constant 0 : i32
    return %arg0, %c0_i32 : i32, i32
  }
  func.func @transform_3(%arg0: i32) -> (i32, i32) {
    %c0_i32 = arith.constant 0 : i32
    %c0_i32_0 = arith.constant 0 : i32
    return %arg0, %c0_i32 : i32, i32
  }
  func.func @transform_4(%arg0: i32) -> (i32, i32) {
    %c0_i32 = arith.constant 0 : i32
    %c0_i32_0 = arith.constant 0 : i32
    %c0_i32_1 = arith.constant 0 : i32
    return %c0_i32, %c0_i32_0 : i32, i32
  }
  func.func @transform_5(%arg0: i32) -> (i32, i32) {
    %c0_i32 = arith.constant 0 : i32
    %c0_i32_0 = arith.constant 0 : i32
    %c0_i32_1 = arith.constant 0 : i32
    return %c0_i32, %c0_i32_0 : i32, i32
  }
  func.func @transform_6(%arg0: i32) -> (i32, i32) {
    %c0_i32 = arith.constant 0 : i32
    %c0_i32_0 = arith.constant 0 : i32
    %c0_i32_1 = arith.constant 0 : i32
    return %c0_i32, %c0_i32_0 : i32, i32
  }
  func.func @transform_7(%arg0: i32) -> (i32, i32) {
    %c0_i32 = arith.constant 0 : i32
    %c0_i32_0 = arith.constant 0 : i32
    %c0_i32_1 = arith.constant 0 : i32
    return %c0_i32, %c0_i32_0 : i32, i32
  }
  func.func @transform_8(%arg0: i32) -> (i32, i32) {
    %c0_i32 = arith.constant 0 : i32
    %c0_i32_0 = arith.constant 0 : i32
    %c0_i32_1 = arith.constant 0 : i32
    return %c0_i32, %c0_i32_0 : i32, i32
  }
  func.func @transform_9(%arg0: i32) -> (i32, i32) {
    %c0_i32 = arith.constant 0 : i32
    %c0_i32_0 = arith.constant 0 : i32
    %c0_i32_1 = arith.constant 0 : i32
    return %c0_i32, %c0_i32_0 : i32, i32
  }
  func.func @transform_10(%arg0: i32) -> (i32, i32) {
    %c0_i32 = arith.constant 0 : i32
    %c0_i32_0 = arith.constant 0 : i32
    %c0_i32_1 = arith.constant 0 : i32
    return %c0_i32, %c0_i32_0 : i32, i32
  }
  func.func @transform_11(%arg0: i32) -> (i32, i32) {
    %c0_i32 = arith.constant 0 : i32
    %c0_i32_0 = arith.constant 0 : i32
    %c0_i32_1 = arith.constant 0 : i32
    return %c0_i32, %c0_i32_0 : i32, i32
  }
  func.func @transform_12(%arg0: i32) -> (i32, i32) {
    %c0_i32 = arith.constant 0 : i32
    %c0_i32_0 = arith.constant 0 : i32
    return %arg0, %c0_i32 : i32, i32
  }
}

</mosaic_0001>

<sc_bundles>
// kernel: kernel.8.cloned.1.call-start
scs
__scs_entry_jumppad:
0x0: {  	(pc) =	sbr.rel $0x88, $3  }
0x1: {  	(tag) =	ssettag $0x0;
	lr =	simm.s32 $0x1  }
0x2: {  	[smem:$0x3F85] =	sst lr;
	_ =	strace $0xD0000000  }
0x3: {  	_ = 	snop  }
0x4: {  	_ = 	snop  }
0x5: {  	_ = 	snop  }
0x6: {  	_ = 	snop  }
0x7: {  	_ = 	snop  }
__scs_overlays_trampoline_lowered:
0x8: {  	[smem:$0x3F94] =	sst s0  }
0x9: {  	[smem:$0x3F95] =	sst s1  }
0xa: {  	[smem:$0x3F96] =	sst s2  }
0xb: {  	[smem:$0x3F97] =	sst s3  }
0xc: {  	[smem:$0x3F98] =	sst s4  }
0xd: {  	[smem:$0x3F99] =	sst s5  }
0xe: {  	[smem:$0x3F9A] =	sst s6  }
0xf: {  	[smem:$0x3F9B] =	sst s7  }
0x10: {  	[smem:$0x3F9C] =	sst s8  }
0x11: {  	[smem:$0x3F9D] =	sst s9;
	s0 =	simm.s32 @!p0 $0x0  }
0x12: {  	s1 =	sld [smem:$0x3F83];
	s0 =	simm.s32 @p0 $0x1  }
0x13: {  	[smem:$0x3F9E] =	sst s0;
	s0 =	simm.s32 @!p1 $0x0  }
0x14: {  	s2 =	sld [smem:$0x3F82];
	s0 =	simm.s32 @p1 $0x1  }
0x15: {  	[smem:$0x3F9F] =	sst s0;
	s0 =	simm.s32 @!p2 $0x0  }
0x16: {  	s3 =	sld [smem:$0x3FDB];
	s0 =	simm.s32 @p2 $0x1  }
0x17: {  	s4 =	simm.s32 $0x1BF5;
	[smem:$0x3FA1] =	sst s0  }
0x18: {  	s0 =	sld [smem:$0x3F84];
	_ =	swait.ge [sflag:s4], $0x0  }
0x19: {  	s7 =	sld [smem:$0x3F85]  }
0x1a: {  	s8 =	sadd.s32 $0xFFFFE003, lr  }
0x1b: {  	s9 =	sadd.s32 $0xFFFFFEF7, lr;
	s5 =	simm.s32 $0xFFFFFFFF;
	p2 =	slt.u32 s8, $0xFFFFF086  }
0x1c: {  	p1 =	slt.u32 s9, $0xF7A;
	s5 =	simm.s32 @!p2 $0x0  }
0x1d: {  	s5 =	simm.s32 @p1 $0x1;
	p0 =	seq.s32 s7, s2  }
0x1e: {  	s7 =	smul.u32 @!p0 $0xF7A, s2;
	p2 =	seq.s32 @!p0 s5, $0x0  }
0x1f: {  	s9 =	smul.u32 $0xF7A, s1;
	s8 =	simm.s32 @!p0 $0x1BF5;
	p2 =	por !p2, p0  }
0x20: {  	[sflag:s8] =	ssyncset.s32 @!p0 $0xFFFFF086;
	s6 =	sadd.s32 @!p0 s3, s7;
	s7 =	simm.s32 @!p0 $0x108  }
0x21: {  	s3 =	sadd.s32 s3, s9;
	s6 =	sadd.s32 @!p0 $0x88, s6;
	s7 =	simm.s32 @p2 $0x1082  }
0x22: {  	[simem:s7], [sflag:s8] =	dma.local @!p0 [hbm:s6], $0xF7A  }
0x23: {  	s9 =	sor.u32 $0xD0000000, s2;
	s6 =	simm.s32 $0x108;
	_ =	swait.ge @!p0 [sflag:s8], $0x0  }
0x24: {  	s3 =	sadd.s32 $0x88, s3;
	s6 =	simm.s32 @!p1 $0x1082;
	[sflag:s4] =	ssyncset.s32 $0xFFFFF086  }
0x25: {  	[simem:s6], [sflag:s4] =	dma.local [hbm:s3], $0xF7A  }
0x26: {  	[smem:$0x3F85] =	sst s1;
	(tag) =	ssettag s2;
	_ =	strace s9  }
0x27: {  	s1 =	sld [smem:$0x3F95]  }
0x28: {  	s2 =	sld [smem:$0x3F96]  }
0x29: {  	s4 =	sld [smem:$0x3F98]  }
0x2a: {  	p0 =	seq.s32 s5, $0x0;
	s5 =	sld [smem:$0x3F99]  }
0x2b: {  	s6 =	sld [smem:$0x3F9A]  }
0x2c: {  	s7 =	sld [smem:$0x3F9B]  }
0x2d: {  	s3 =	simm.s32 $0x108;
	s8 =	sld [smem:$0x3F9C]  }
0x2e: {  	s3 =	simm.s32 @!p0 $0x1082;
	s9 =	sld [smem:$0x3F9D]  }
0x2f: {  	lr =	sadd.s32 s0, s3;
	s0 =	sld [smem:$0x3F94]  }
0x30: {  	s3 =	sld [smem:$0x3F97]  }
0x31: {  	[smem:$0x3FA0] =	sst s10  }
0x32: {  	s10 =	sld [smem:$0x3F9E];
	_ =	sdelay $0x3  }
0x33: {  	p0 =	seq.s32 s10, $0x1;
	s10 =	sld [smem:$0x3FA0];
	_ =	sdelay $0x3  }
0x34: {  	[smem:$0x3FA0] =	sst s10  }
0x35: {  	s10 =	sld [smem:$0x3F9F];
	_ =	sdelay $0x3  }
0x36: {  	p1 =	seq.s32 s10, $0x1;
	s10 =	sld [smem:$0x3FA0];
	_ =	sdelay $0x3  }
0x37: {  	[smem:$0x3FA0] =	sst s10  }
0x38: {  	s10 =	sld [smem:$0x3FA1]  }
0x39: {  	_ = 	snop;
	(pc) =	sbr.ind lr, $3  }
0x3a: {  	_ = 	snop  }
0x3b: {  	_ = 	snop  }
0x3c: {  	p2 =	seq.s32 s10, $0x1;
	s10 =	sld [smem:$0x3FA0]  }
0x3d: {  	_ =	shalt  }
0x3e: {  	_ =	shalt  }
0x3f: {  	_ =	shalt  }
0x40: {  	_ =	shalt  }
0x41: {  	_ =	shalt  }
0x42: {  	_ =	shalt  }
0x43: {  	_ =	shalt  }
0x44: {  	_ =	shalt  }
0x45: {  	_ =	shalt  }
0x46: {  	_ =	shalt  }
0x47: {  	_ =	shalt  }
0x48: {  	_ =	shalt  }
0x49: {  	_ =	shalt  }
0x4a: {  	_ =	shalt  }
0x4b: {  	_ =	shalt  }
0x4c: {  	_ =	shalt  }
0x4d: {  	_ =	shalt  }
0x4e: {  	_ =	shalt  }
0x4f: {  	_ =	shalt  }
0x50: {  	_ =	shalt  }
0x51: {  	_ =	shalt  }
0x52: {  	_ =	shalt  }
0x53: {  	_ =	shalt  }
0x54: {  	_ =	shalt  }
0x55: {  	_ =	shalt  }
0x56: {  	_ =	shalt  }
0x57: {  	_ =	shalt  }
0x58: {  	_ =	shalt  }
0x59: {  	_ =	shalt  }
0x5a: {  	_ =	shalt  }
0x5b: {  	_ =	shalt  }
0x5c: {  	_ =	shalt  }
0x5d: {  	_ =	shalt  }
0x5e: {  	_ =	shalt  }
0x5f: {  	_ =	shalt  }
0x60: {  	_ =	shalt  }
0x61: {  	_ =	shalt  }
0x62: {  	_ =	shalt  }
0x63: {  	_ =	shalt  }
0x64: {  	_ =	shalt  }
0x65: {  	_ =	shalt  }
0x66: {  	_ =	shalt  }
0x67: {  	_ =	shalt  }
0x68: {  	_ =	shalt  }
0x69: {  	_ =	shalt  }
0x6a: {  	_ =	shalt  }
0x6b: {  	_ =	shalt  }
0x6c: {  	_ =	shalt  }
0x6d: {  	_ =	shalt  }
0x6e: {  	_ =	shalt  }
0x6f: {  	_ =	shalt  }
0x70: {  	_ =	shalt  }
0x71: {  	_ =	shalt  }
0x72: {  	_ =	shalt  }
0x73: {  	_ =	shalt  }
0x74: {  	_ =	shalt  }
0x75: {  	_ =	shalt  }
0x76: {  	_ =	shalt  }
0x77: {  	_ =	shalt  }
0x78: {  	_ =	shalt  }
0x79: {  	_ =	shalt  }
0x7a: {  	_ =	shalt  }
0x7b: {  	_ =	shalt  }
0x7c: {  	_ =	shalt  }
0x7d: {  	_ =	shalt  }
0x7e: {  	_ =	shalt  }
0x7f: {  	_ =	shalt  }
0x80: {  	_ =	shalt  }
0x81: {  	_ =	shalt  }
0x82: {  	_ =	shalt  }
0x83: {  	_ =	shalt  }
0x84: {  	_ =	shalt  }
0x85: {  	_ =	shalt  }
0x86: {  	_ =	shalt  }
0x87: {  	_ =	shalt  }
.Lfunc_end0:
.L_simem_size_0:
called_computation_lowered:
.L_overlay_start_0:
0x88: {  	s2 =	sld [smem:$0x3FD9]  }
0x89: {  	s3 =	sld [smem:$0x3FFE];
	_ =	sdelay $0x1  }
0x8a: {  	s1 =	srdreg.scid  }
0x8b: {  	s0 =	sand.u32 $0x1, s1  }
0x8c: {  	s17 =	sshll.u32 s0, $0xA;
	s2 =	sadd.s32 s3, s2  }
0x8d: {  	s2 =	sadd.s32 s2, s17  }
0x8e: {  	[smem:$0x3FAC] =	sst s2  }
0x8f: {  	_ = 	snop  }
0x90: {  	s2 =	sld [smem:$0x3FC9]  }
0x91: {  	s18 =	sld [smem:$0x3FC8];
	(tm) =	ssettm $0x1  }
0x92: {  	s4 =	sld [smem:$0x3FFB];
	_ =	sdelay $0x3  }
0x93: {  	_ =	strace s4  }
0x94: {  	s4 =	sld [smem:$0x3FFC];
	_ =	sdelay $0x3  }
0x95: {  	_ =	strace s4  }
0x96: {  	s4 =	sld [smem:$0x3FFD];
	_ =	sdelay $0x3  }
0x97: {  	_ =	strace s4  }
0x98: {  	_ =	strace $0x8FFFFFFF  }
0x99: {  	s19 =	sld [smem:$0x3FDB];
	_ =	sdelay $0x1  }
0x9a: {  	s5 =	simm.s32 $_scs_section_size  }
0x9b: {  	s6 =	simm.s32 $_size__tile_overlayer_lowered;
	s7 =	simm.s32 $_tile_overlayer_lowered  }
0x9c: {  	s22 =	simm.s32 $0x1BFF;
	s21 =	sshll.u32 s7, $0x1;
	s4 =	sadd.s32 s5, s19  }
0x9d: {  	s8 =	simm.s32 $0x0;
	s20 =	sshll.u32 s6, $0x1;
	s6 =	sadd.s32 s21, s4  }
0x9e: {  	[timem:s8], [sflag:s22] =	dma.local [hbm:s6], s20  }
0x9f: {  	_ =	swait.ge [sflag:s22], s20  }
0xa0: {  	s5 =	ssub.s32 $0x0, s20;
	[sflag:s22] =	ssyncset.done $0x0  }
0xa1: {  	[sflag:s22] =	ssyncadd.s32 s5;
	_ =	sdelay $0x1  }
0xa2: {  	s23 =	simm.s32 $0x1B8B  }
0xa3: {  	_ =	swait.ge [sflag:s23], $0x1  }
0xa4: {  	[sflag:s23] =	ssyncset.done $0x0  }
0xa5: {  	s25 =	simm.s32 $0x1B8E;
	s24 =	sld [smem:$0x3FFE];
	[sflag:s23] =	ssyncadd.s32 $0xFFFFFFFF  }
0xa6: {  	s26 =	simm.s32 $execute0_lowered;
	[smem:$0x3FD2] =	sst s25  }
0xa7: {  	s6 =	sshll.u32 s26, $0x1;
	_ =	strace $0x80000046;
	[dreg:$0x1] =	wrdreg $0xFFFFFFFF  }
0xa8: {  	s28 =	simm.s32 $_size_execute0_lowered;
	s4 =	sadd.s32 s4, s6;
	[dreg:$0x0] =	wrdreg $0x0  }
0xa9: {  	s6 =	sshll.u32 s28, $0x1;
	[dreg:$0x2] =	wrdreg s4  }
0xaa: {  	[dreg:$0x3] =	wrdreg s6  }
0xab: {  	[dreg:$0x4] =	wrdreg $0xC0  }
0xac: {  	_ =	task [dreg:s8], $0x5FFFF  }
0xad: {  	[dreg:$0x1] =	wrdreg $0xFFFFFFFF  }
0xae: {  	[dreg:$0x0] =	wrdreg $0x60  }
0xaf: {  	[dreg:$0x2] =	wrdreg s2  }
0xb0: {  	[dreg:$0x3] =	wrdreg s18  }
0xb1: {  	[dreg:$0x4] =	wrdreg s24  }
0xb2: {  	[dreg:$0x5] =	wrdreg $0x9  }
0xb3: {  	_ =	task.clear_ibuf [dreg:s8], $0x6FFFF;
	_ =	strace $0x90000046  }
0xb4: {  	s29 =	simm.s32 $0x9;
	_ =	strace $0x80000048  }
0xb5: {  	_ =	swait.ge [sflag:s29], $0x1  }
0xb6: {  	[sflag:s29] =	ssyncadd.s32 $0xFFFFFFFF  }
0xb7: {  	_ =	strace $0x90000048  }
0xb8: {  	_ =	sfence  }
0xb9: {  	s30 =	sld [smem:$0x0];
	_ =	sdelay $0x2  }
0xba: {  	s31 =	sshll.u32 s1, $0xD;
	s1 =	sshrl.u32 s1, $0x2  }
0xbb: {  	s3 =	sand.u32 $0x4000, s31;
	s1 =	sadd.s32 s1, s30  }
0xbc: {  	s0 =	sor.u32 s3, s0;
	s1 =	sshll.u32 s1, $0x11  }
0xbd: {  	s0 =	sor.u32 s1, s0  }
0xbe: {  	s0 =	sadd.s32 $0x8F2B, s0  }
0xbf: {  	[sflag:s0] =	ssyncadd.remote.s32 $0x1  }
0xc0: {  	_ =	sfence.sel $0xFFFF  }
0xc1: {  	[dreg:$0x0] =	wrdreg $0xFFFFFFFF;
	(pc) =	sbr.abs _section_cstart, $3  }
0xc2: {  	[dreg:$0x1] =	wrdreg $0xFFFFFFFF  }
0xc3: {  	_ =	task.clear_ibuf [dreg:s8], $0x2FFFF;
	_ =	strace $0x9FFFFFFF  }
0xc4: {  	(tm) =	ssettm $0x7FFFFFFF  }
0xc5: {  	_ =	shalt  }
tec
execute0_lowered:
.L_overlay_start_1:
0x0: {  	(tag) =	ssettag $0x1  }
0x1: {  	s5 =	rddreg [dreg:$0x0]  }
0x2: {  	s7 =	rddreg [dreg:$0x1]  }
0x3: {  	s6 =	rddreg [dreg:$0x2]  }
0x4: {  	s0 =	rddreg [dreg:$0x3]  }
0x5: {  	s2 =	simm.s32 $0x0;
	s3 =	srdreg.scid;
	s1 =	stileid.u32  }
0x6: {  	s12 =	simm.s32 $0x200;
	s13 =	simm.s32 $0x400;
	s14 =	simm.s32 $0x280  }
0x7: {  	s15 =	simm.s32 $0x4400;
	s16 =	simm.s32 $0x300;
	s17 =	simm.s32 $0x8400  }
0x8: {  	s18 =	simm.s32 $0x380;
	s19 =	simm.s32 $0xC400;
	s20 =	simm.s32 $0x1  }
0x9: {  	[smem:$0x7FF] =	sst s2;
	s8 =	sand.u32 $0x1, s3;
	s3 =	sadd.s32 $0x3C00, s6  }
0xa: {  	s9 =	sshll.u32 s1, $0xA;
	s4 =	sadd.s32 $0x3D4600, s6;
	s10 =	sshll.u32 s8, $0x9  }
0xb: {  	_ =	strace $0x80000047;
	s8 =	ssub.s32 $0x2, s8;
	s9 =	sor.u32 s10, s9  }
0xc: {  	s11 =	sshrl.u32 s8, $0x1;
	s10 =	sshll.u32 s9, $0x4;
	s9 =	sshrl.u32 s9, $0x3  }
0xd: {  	s11 =	ssub.s32 s8, s11;
	s10 =	sadd.s32 s10, s6;
	s5 =	sadd.s32 s5, s9  }
0xe: {  	s7 =	sadd.s32 s7, s9;
	s9 =	smax.u32 s11, $0x1;
	s11 =	simm.s32 $0x80  }
0xf: {  	s6 =	sadd.s32 $0x7A5000, s10;
	s8 =	sadd.s32 $0x7E5000, s10;
	s10 =	simm.s32 $0x2  }
.LBB2_1:
0x10: {  	[tilespmem:s2], [sflag:$0x2] =	stream.linear.gather [hbm4b:s5+s2], $0x200, $0x38;
	[tilespmem:$0x10400] =	vst v63  }
0x11: {  	_ =	swait.ge [sflag:s10], $0x200  }
0x12: {  	[sflag:s10] =	ssyncset.done $0x0  }
0x13: {  	[sflag:s10] =	ssyncadd.s32 $0xFFFFFE00  }
0x14: {  	v0 =	vld [tilespmem:$0x0]  }
0x15: {  	v1 =	vld [tilespmem:$0x10]  }
0x16: {  	v3 =	vld [tilespmem:$0x20];
	_ =	sdelay $0x1  }
0x17: {  	v25 =	vld [tilespmem:$0x30]  }
0x18: {  	v8 =	vld [tilespmem:$0x40];
	v2 =	vshra.s32 v0, $0x2;
	v4 =	vand.u32 $0x7F, v0;
	v5 =	vand.u32 $0xF, v0  }
0x19: {  	v32 =	vld [tilespmem:$0x50];
	vm0 =	vlt.s32 v0, $0xF4200;
	v24 =	vshra.s32 v1, $0x2;
	v26 =	vand.u32 $0x7F, v1  }
0x1a: {  	v6 =	vand.u32 $0xF, v1;
	v28 =	vshra.s32 v3, $0x2;
	vm14 =	vlt.s32 v1, $0xF4200  }
0x1b: {  	v35 =	vld [tilespmem:$0x60];
	v7 =	vand.u32 $0x7F, v3;
	v30 =	vand.u32 $0xF, v3;
	vm15 =	vlt.s32 v3, $0xF4200  }
0x1c: {  	v10 =	vld [tilespmem:$0x70];
	v31 =	vshra.s32 v25, $0x2;
	v33 =	vand.u32 $0x7F, v25;
	v9 =	vand.u32 $0xF, v25  }
0x1d: {  	v45 =	vld [tilespmem:$0x80];
	vm1 =	vlt.s32 v25, $0xF4200;
	v34 =	vshra.s32 v8, $0x2;
	v36 =	vand.u32 $0x7F, v8  }
0x1e: {  	v37 =	vand.u32 $0xF, v8;
	v39 =	vshra.s32 v32, $0x2;
	vm4 =	vlt.s32 v8, $0xF4200  }
0x1f: {  	v47 =	vld [tilespmem:$0x90];
	v41 =	vand.u32 $0x7F, v32;
	v43 =	vand.u32 $0xF, v32;
	vm5 =	vlt.s32 v32, $0xF4200  }
0x20: {  	v13 =	vld [tilespmem:$0xA0];
	v44 =	vshra.s32 v35, $0x2;
	v11 =	vand.u32 $0x7F, v35;
	v12 =	vand.u32 $0xF, v35  }
0x21: {  	v56 =	vld [tilespmem:$0xB0];
	vm6 =	vlt.s32 v35, $0xF4200;
	v46 =	vshra.s32 v10, $0x2;
	v48 =	vand.u32 $0x7F, v10  }
0x22: {  	v49 =	vand.u32 $0xF, v10;
	v51 =	vshra.s32 v45, $0x2;
	vm7 =	vlt.s32 v10, $0xF4200  }
0x23: {  	v58 =	vld [tilespmem:$0xC0];
	v53 =	vand.u32 $0x7F, v45;
	v54 =	vand.u32 $0xF, v45;
	vm8 =	vlt.s32 v45, $0xF4200  }
0x24: {  	v16 =	vld [tilespmem:$0xD0];
	v55 =	vshra.s32 v47, $0x2;
	v14 =	vand.u32 $0x7F, v47;
	v15 =	vand.u32 $0xF, v47  }
0x25: {  	vm9 =	vlt.s32 v47, $0xF4200;
	v57 =	vshra.s32 v13, $0x2;
	v59 =	vand.u32 $0x7F, v13  }
0x26: {  	v60 =	vand.u32 $0xF, v13;
	v62 =	vshra.s32 v56, $0x2;
	vm10 =	vlt.s32 v13, $0xF4200  }
0x27: {  	v20 =	vand.u32 $0x7F, v56;
	v21 =	vand.u32 $0xF, v56;
	vm11 =	vlt.s32 v56, $0xF4200  }
0x28: {  	v22 =	vshra.s32 v58, $0x2;
	v17 =	vand.u32 $0x7F, v58;
	v18 =	vand.u32 $0xF, v58  }
0x29: {  	vm12 =	vlt.s32 v58, $0xF4200;
	v25 =	vshra.s32 v16, $0x2;
	vm13 =	vlt.s32 v16, $0xF4200  }
0x2a: {  	v19 =	vld [tilespmem:$0x100];
	v2 =	vand.u32 $0xFFFFFF80, v2;
	v23 =	vor.u32 $0x3D080, v5;
	v27 =	vor.u32 $0x3D080, v6  }
0x2b: {  	v6 =	vand.u32 $0xFFFFFF80, v28;
	v5 =	vor.u32 $0x3D080, v30;
	v3 =	vand.u32 $0xFFFFFF80, v31  }
0x2c: {  	v9 =	vor.u32 $0x3D080, v9;
	v38 =	vor.u32 $0x3D080, v37;
	v40 =	vand.u32 $0xFFFFFF80, v39  }
0x2d: {  	v8 =	vor.u32 $0x3D080, v43;
	v12 =	vor.u32 $0x3D080, v12;
	v50 =	vor.u32 $0x3D080, v49  }
0x2e: {  	v52 =	vand.u32 $0xFFFFFF80, v51;
	v15 =	vor.u32 $0x3D080, v15;
	v61 =	vor.u32 $0x3D080, v60  }
0x2f: {  	v63 =	vand.u32 $0xFFFFFF80, v62;
	v28 =	vand.u32 $0xF, v16;
	v37 =	vshra.s32 v19, $0x2  }
0x30: {  	v39 =	vand.u32 $0x7F, v19;
	v2 =	vor.u32 v4, v2;
	v29 =	vor.u32 v7, v6  }
0x31: {  	v7 =	vor.u32 v33, v3;
	v4 =	vand.u32 $0xFFFFFF80, v34;
	v42 =	vor.u32 v41, v40  }
0x32: {  	v6 =	vand.u32 $0xFFFFFF80, v44;
	v10 =	vor.u32 v53, v52;
	v13 =	vor.u32 v20, v63  }
0x33: {  	v40 =	vand.u32 $0xF, v19;
	v0 =	vsel vm0, v2, v23;
	v2 =	vand.u32 $0xFFFFFF80, v24  }
0x34: {  	v3 =	vsel vm15, v29, v5;
	v4 =	vor.u32 v36, v4;
	v11 =	vor.u32 v11, v6  }
0x35: {  	v35 =	vld [tilespmem:$0x110];
	v6 =	vsel vm5, v42, v8;
	v24 =	vor.u32 $0x3D080, v18;
	v29 =	vor.u32 $0x3D080, v28  }
0x36: {  	v47 =	vld [tilespmem:$0x140];
	v41 =	vor.u32 $0x3D080, v40;
	v2 =	vor.u32 v26, v2;
	v4 =	vsel vm4, v4, v38  }
0x37: {  	v5 =	vsel vm6, v11, v12;
	v11 =	vor.u32 $0x3D080, v54;
	v12 =	vand.u32 $0xFFFFFF80, v22  }
0x38: {  	vm4 =	vlt.s32 v19, $0xF4200;
	v1 =	vsel vm14, v2, v27;
	v2 =	vsel vm1, v7, v9  }
0x39: {  	v7 =	vand.u32 $0xFFFFFF80, v46;
	v9 =	vand.u32 $0xFFFFFF80, v55;
	v12 =	vor.u32 v17, v12  }
0x3a: {  	v60 =	vld [tilespmem:$0x170];
	v27 =	vand.u32 $0x7F, v16;
	v42 =	vshra.s32 v35, $0x2;
	v44 =	vand.u32 $0x7F, v35  }
0x3b: {  	v45 =	vand.u32 $0xF, v35;
	vm5 =	vlt.s32 v35, $0xF4200;
	v54 =	vshra.s32 v47, $0x2  }
0x3c: {  	v56 =	vand.u32 $0x7F, v47;
	v7 =	vor.u32 v48, v7;
	v14 =	vor.u32 v14, v9  }
0x3d: {  	v9 =	vsel vm8, v10, v11;
	v10 =	vand.u32 $0xFFFFFF80, v57;
	v12 =	vsel vm12, v12, v24  }
0x3e: {  	v23 =	vld [tilespmem:$0xE0];
	v43 =	vand.u32 $0xFFFFFF80, v42;
	v55 =	vand.u32 $0xFFFFFF80, v54;
	v57 =	vand.u32 $0xF, v47  }
0x3f: {  	vm8 =	vlt.s32 v47, $0xF4200;
	v35 =	vand.u32 $0xF, v60;
	v7 =	vsel vm7, v7, v50  }
0x40: {  	v26 =	vld [tilespmem:$0xF0];
	v8 =	vsel vm9, v14, v15;
	v10 =	vor.u32 v59, v10;
	v14 =	vor.u32 $0x3D080, v21  }
0x41: {  	[tilespmem:$0x260] =	vst v5;
	v19 =	vor.u32 v44, v43;
	v58 =	vor.u32 $0x3D080, v57;
	v5 =	vor.u32 $0x3D080, v35  }
0x42: {  	v38 =	vld [tilespmem:$0x120];
	v10 =	vsel vm10, v10, v61;
	v11 =	vsel vm11, v13, v14;
	v13 =	vand.u32 $0xFFFFFF80, v25  }
0x43: {  	v22 =	vld [tilespmem:$0x130];
	v30 =	vshra.s32 v23, $0x2;
	v32 =	vand.u32 $0x7F, v23;
	v33 =	vand.u32 $0xF, v23  }
0x44: {  	vm14 =	vlt.s32 v23, $0xF4200;
	vm11 =	vlt.s32 v60, $0xF4200;
	v13 =	vor.u32 v27, v13  }
0x45: {  	v31 =	vand.u32 $0xFFFFFF80, v30;
	v17 =	vor.u32 $0x3D080, v33;
	v34 =	vshra.s32 v26, $0x2  }
0x46: {  	v20 =	vand.u32 $0x7F, v26;
	v21 =	vand.u32 $0xF, v26;
	vm15 =	vlt.s32 v26, $0xF4200  }
0x47: {  	v46 =	vshra.s32 v38, $0x2;
	v23 =	vand.u32 $0x7F, v38;
	v24 =	vand.u32 $0xF, v38  }
0x48: {  	vm6 =	vlt.s32 v38, $0xF4200;
	v49 =	vshra.s32 v22, $0x2;
	v51 =	vand.u32 $0x7F, v22  }
0x49: {  	v52 =	vand.u32 $0xF, v22;
	vm7 =	vlt.s32 v22, $0xF4200;
	v22 =	vor.u32 v56, v55  }
0x4a: {  	v30 =	vshra.s32 v60, $0x2;
	v13 =	vsel vm13, v13, v29;
	v16 =	vor.u32 v32, v31  }
0x4b: {  	v15 =	vand.u32 $0xFFFFFF80, v34;
	v36 =	vor.u32 $0x3D080, v21;
	v18 =	vand.u32 $0xFFFFFF80, v46  }
0x4c: {  	[tilespmem:$0x200] =	vst v0;
	v50 =	vld [tilespmem:$0x150];
	v48 =	vor.u32 $0x3D080, v24;
	v53 =	vor.u32 $0x3D080, v52;
	v0 =	vsel vm8, v22, v58  }
0x4d: {  	v44 =	vld [tilespmem:$0x1B0];
	v31 =	vand.u32 $0xFFFFFF80, v30;
	v32 =	vand.u32 $0x7F, v60;
	v15 =	vor.u32 v20, v15  }
0x4e: {  	v54 =	vld [tilespmem:$0x1D0];
	v14 =	vsel vm14, v16, v17;
	v16 =	vand.u32 $0xFFFFFF80, v37;
	v20 =	vor.u32 $0x3D080, v45  }
0x4f: {  	v18 =	vor.u32 v23, v18;
	v34 =	vor.u32 v32, v31;
	v15 =	vsel vm15, v15, v36  }
0x50: {  	v25 =	vld [tilespmem:$0x160];
	v16 =	vor.u32 v39, v16;
	v17 =	vsel vm5, v19, v20;
	v18 =	vsel vm6, v18, v48  }
0x51: {  	[tilespmem:$0x220] =	vst v3;
	v19 =	vand.u32 $0xFFFFFF80, v49;
	v59 =	vshra.s32 v50, $0x2;
	v62 =	vand.u32 $0x7F, v50  }
0x52: {  	[tilespmem:$0x250] =	vst v6;
	v63 =	vand.u32 $0xF, v50;
	vm9 =	vlt.s32 v50, $0xF4200;
	v55 =	vand.u32 $0x7F, v44  }
0x53: {  	[tilespmem:$0x2E0] =	vst v14;
	v56 =	vand.u32 $0xF, v44;
	vm15 =	vlt.s32 v44, $0xF4200;
	v14 =	vshra.s32 v54, $0x2  }
0x54: {  	[tilespmem:$0x240] =	vst v4;
	v26 =	vld [tilespmem:$0x180];
	vm5 =	vlt.s32 v54, $0xF4200;
	v16 =	vsel vm4, v16, v41;
	v19 =	vor.u32 v51, v19  }
0x55: {  	[tilespmem:$0x210] =	vst v1;
	v33 =	vld [tilespmem:$0x190];
	v61 =	vand.u32 $0xFFFFFF80, v59;
	v21 =	vor.u32 $0x3D080, v63;
	v24 =	vshra.s32 v25, $0x2  }
0x56: {  	[tilespmem:$0x230] =	vst v2;
	v27 =	vand.u32 $0x7F, v25;
	v28 =	vand.u32 $0xF, v25;
	vm10 =	vlt.s32 v25, $0xF4200  }
0x57: {  	v41 =	vsel vm11, v34, v5;
	[tilespmem:$0x2F0] =	vst v15;
	v57 =	vor.u32 $0x3D080, v56;
	v15 =	vand.u32 $0xFFFFFF80, v14  }
0x58: {  	[tilespmem:$0x280] =	vst v9;
	v19 =	vsel vm7, v19, v53;
	v1 =	vor.u32 v62, v61;
	v2 =	vand.u32 $0xFFFFFF80, v24  }
0x59: {  	[tilespmem:$0x2C0] =	vst v12;
	v29 =	vor.u32 $0x3D080, v28;
	v36 =	vshra.s32 v26, $0x2;
	v38 =	vand.u32 $0x7F, v26  }
0x5a: {  	[tilespmem:$0x270] =	vst v7;
	v60 =	vld [tilespmem:$0x1E0];
	v39 =	vand.u32 $0xF, v26;
	vm12 =	vlt.s32 v26, $0xF4200;
	v43 =	vshra.s32 v33, $0x2  }
0x5b: {  	[tilespmem:$0x290] =	vst v8;
	v45 =	vand.u32 $0x7F, v33;
	v46 =	vand.u32 $0xF, v33;
	vm13 =	vlt.s32 v33, $0xF4200  }
0x5c: {  	[tilespmem:$0x300] =	vst v16;
	v53 =	vshra.s32 v44, $0x2;
	v16 =	vand.u32 $0x7F, v54;
	v1 =	vsel vm9, v1, v21  }
0x5d: {  	[tilespmem:$0x2A0] =	vst v10;
	v37 =	vld [tilespmem:$0x1A0];
	v2 =	vor.u32 v27, v2;
	v6 =	vand.u32 $0xFFFFFF80, v36;
	v40 =	vor.u32 $0x3D080, v39  }
0x5e: {  	[tilespmem:$0x320] =	vst v18;
	v5 =	vand.u32 $0xFFFFFF80, v43;
	v47 =	vor.u32 $0x3D080, v46;
	v7 =	vand.u32 $0xFFFFFF80, v53  }
0x5f: {  	[tilespmem:$0x330] =	vst v19;
	v18 =	vor.u32 v16, v15;
	v19 =	vand.u32 $0xF, v54;
	v20 =	vshra.s32 v60, $0x2  }
0x60: {  	[tilespmem:$0x2B0] =	vst v11;
	v50 =	vld [tilespmem:$0x1C0];
	v21 =	vand.u32 $0x7F, v60;
	v22 =	vand.u32 $0xF, v60;
	vm6 =	vlt.s32 v60, $0xF4200  }
0x61: {  	[tilespmem:$0x2D0] =	vst v13;
	v2 =	vsel vm10, v2, v29;
	v6 =	vor.u32 v38, v6;
	v5 =	vor.u32 v45, v5  }
0x62: {  	[tilespmem:$0x340] =	vst v0;
	v48 =	vshra.s32 v37, $0x2;
	v49 =	vand.u32 $0x7F, v37;
	v52 =	vand.u32 $0xF, v37  }
0x63: {  	[tilespmem:$0x310] =	vst v17;
	vm14 =	vlt.s32 v37, $0xF4200;
	v7 =	vor.u32 v55, v7;
	v3 =	vand.u32 $0xFFFFFF80, v20  }
0x64: {  	v17 =	vld [tilespmem:$0x1F0];
	[tilespmem:$0x370] =	vst v41;
	v23 =	vor.u32 $0x3D080, v22;
	v42 =	vsel vm12, v6, v40;
	v9 =	vand.u32 $0xFFFFFF80, v48  }
0x65: {  	[tilespmem:$0x350] =	vst v1;
	v5 =	vsel vm13, v5, v47;
	v7 =	vsel vm15, v7, v57;
	v59 =	vshra.s32 v50, $0x2  }
0x66: {  	v62 =	vand.u32 $0x7F, v50;
	v63 =	vand.u32 $0xF, v50;
	[tilespmem:$0x360] =	vst v2;
	vm4 =	vlt.s32 v50, $0xF4200  }
0x67: {  	v2 =	vor.u32 $0x3D080, v19;
	v3 =	vor.u32 v21, v3;
	v51 =	vor.u32 v49, v9;
	[tilespmem:$0x380] =	vst v42  }
0x68: {  	v9 =	vor.u32 $0x3D080, v52;
	v61 =	vand.u32 $0xFFFFFF80, v59;
	v13 =	vor.u32 $0x3D080, v63;
	[tilespmem:$0x390] =	vst v5  }
0x69: {  	[tilespmem:$0x3B0] =	vst v7;
	v1 =	vsel vm5, v18, v2;
	v24 =	vsel vm6, v3, v23;
	v25 =	vshra.s32 v17, $0x2  }
0x6a: {  	v27 =	vand.u32 $0x7F, v17;
	v28 =	vand.u32 $0xF, v17;
	v0 =	vor.u32 v62, v61;
	[tilespmem:$0x3D0] =	vst v1  }
0x6b: {  	vm7 =	vlt.s32 v17, $0xF4200;
	v26 =	vand.u32 $0xFFFFFF80, v25;
	[tilespmem:$0x3E0] =	vst v24;
	v0 =	vsel vm4, v0, v13  }
0x6c: {  	v58 =	vsel vm14, v51, v9;
	v29 =	vor.u32 $0x3D080, v28;
	[tilespmem:$0x3C0] =	vst v0;
	v0 =	vor.u32 v27, v26  }
0x6d: {  	[tilespmem:$0x3A0] =	vst v58;
	v0 =	vsel vm7, v0, v29  }
0x6e: {  	[tilespmem:$0x3F0] =	vst v0  }
0x6f: {  	[tilespmem:s13], [sflag:$0x1] =	stream.indirect.gather [hbm4b:s3+s11], $0x80, s12, s11, $0xb8;
	[tilespmem:$0x10400] =	vst v63  }
0x70: {  	_ = 	snop  }
0x71: {  	[tilespmem:s15], [sflag:$0x1] =	stream.indirect.gather [hbm4b:s3+s11], $0x80, s14, s11, $0xb8;
	[tilespmem:$0x10400] =	vst v63  }
0x72: {  	_ = 	snop  }
0x73: {  	[tilespmem:s17], [sflag:$0x1] =	stream.indirect.gather [hbm4b:s3+s11], $0x80, s16, s11, $0xb8;
	[tilespmem:$0x10400] =	vst v63  }
0x74: {  	_ = 	snop  }
0x75: {  	[tilespmem:s19], [sflag:$0x1] =	stream.indirect.gather [hbm4b:s3+s11], $0x80, s18, s11, $0xb8;
	[tilespmem:$0x10400] =	vst v63  }
0x76: {  	_ =	swait.ge [sflag:s20], $0x4000  }
0x77: {  	[sflag:s20] =	ssyncset.done $0x0  }
0x78: {  	[sflag:s20] =	ssyncadd.s32 $0xFFFFC000  }
0x79: {  	_ =	swait.ge [sflag:s20], $0x4000  }
0x7a: {  	[sflag:s20] =	ssyncset.done $0x0  }
0x7b: {  	[sflag:s20] =	ssyncadd.s32 $0xFFFFC000  }
0x7c: {  	_ =	swait.ge [sflag:s20], $0x4000  }
0x7d: {  	[sflag:s20] =	ssyncset.done $0x0  }
0x7e: {  	[sflag:s20] =	ssyncadd.s32 $0xFFFFC000  }
0x7f: {  	_ =	swait.ge [sflag:s20], $0x4000  }
0x80: {  	[sflag:s20] =	ssyncset.done $0x0  }
0x81: {  	[sflag:s20] =	ssyncadd.s32 $0xFFFFC000  }
0x82: {  	[hbm4b:s6+s2] =	stream.linear.scatter [tilespmem:s13], [sflag:$0x2], $0x10000, $0x38;
	[tilespmem:$0x10400] =	vst v63  }
0x83: {  	_ =	swait.ge [sflag:s10], $0x10000  }
0x84: {  	[sflag:s10] =	ssyncset.done $0x0  }
0x85: {  	[sflag:s10] =	ssyncadd.s32 $0xFFFF0000  }
0x86: {  	[tilespmem:s2], [sflag:$0x2] =	stream.linear.gather [hbm4b:s7+s2], $0x200, $0x38;
	[tilespmem:$0x10400] =	vst v63  }
0x87: {  	_ =	swait.ge [sflag:s10], $0x200  }
0x88: {  	[sflag:s10] =	ssyncset.done $0x0  }
0x89: {  	[sflag:s10] =	ssyncadd.s32 $0xFFFFFE00  }
0x8a: {  	v30 =	vld [tilespmem:$0x0]  }
0x8b: {  	v31 =	vld [tilespmem:$0x10]  }
0x8c: {  	v33 =	vld [tilespmem:$0x20];
	_ =	sdelay $0x1  }
0x8d: {  	v38 =	vld [tilespmem:$0x30]  }
0x8e: {  	v44 =	vld [tilespmem:$0x40];
	v32 =	vshra.s32 v30, $0x2;
	v34 =	vand.u32 $0x7F, v30;
	v35 =	vand.u32 $0xF, v30  }
0x8f: {  	v48 =	vld [tilespmem:$0x50];
	vm8 =	vlt.s32 v30, $0xF4200;
	v37 =	vshra.s32 v31, $0x2;
	v39 =	vand.u32 $0x7F, v31  }
0x90: {  	v40 =	vand.u32 $0xF, v31;
	v42 =	vshra.s32 v33, $0x2;
	vm9 =	vlt.s32 v31, $0xF4200  }
0x91: {  	v52 =	vld [tilespmem:$0x60];
	v43 =	vand.u32 $0x7F, v33;
	v46 =	vand.u32 $0xF, v33;
	vm10 =	vlt.s32 v33, $0xF4200  }
0x92: {  	v59 =	vld [tilespmem:$0x70];
	v47 =	vshra.s32 v38, $0x2;
	v49 =	vand.u32 $0x7F, v38;
	v50 =	vand.u32 $0xF, v38  }
0x93: {  	v63 =	vld [tilespmem:$0x80];
	vm11 =	vlt.s32 v38, $0xF4200;
	v51 =	vshra.s32 v44, $0x2;
	v53 =	vand.u32 $0x7F, v44  }
0x94: {  	v19 =	vld [tilespmem:$0x90];
	v54 =	vand.u32 $0xF, v44;
	v56 =	vshra.s32 v48, $0x2;
	vm12 =	vlt.s32 v44, $0xF4200  }
0x95: {  	v26 =	vld [tilespmem:$0xA0];
	v58 =	vand.u32 $0x7F, v48;
	v61 =	vand.u32 $0xF, v48;
	vm13 =	vlt.s32 v48, $0xF4200  }
0x96: {  	v29 =	vld [tilespmem:$0xB0];
	v62 =	vshra.s32 v52, $0x2;
	v16 =	vand.u32 $0x7F, v52;
	v17 =	vand.u32 $0xF, v52  }
0x97: {  	vm14 =	vlt.s32 v52, $0xF4200;
	v18 =	vshra.s32 v59, $0x2;
	v20 =	vand.u32 $0x7F, v59  }
0x98: {  	v21 =	vand.u32 $0xF, v59;
	v23 =	vshra.s32 v63, $0x2;
	vm15 =	vlt.s32 v59, $0xF4200  }
0x99: {  	v25 =	vand.u32 $0x7F, v63;
	v27 =	vand.u32 $0xF, v63;
	vm4 =	vlt.s32 v63, $0xF4200  }
0x9a: {  	v28 =	vshra.s32 v19, $0x2;
	v30 =	vand.u32 $0x7F, v19;
	v31 =	vand.u32 $0xF, v19  }
0x9b: {  	vm5 =	vlt.s32 v19, $0xF4200;
	vm6 =	vlt.s32 v26, $0xF4200;
	vm7 =	vlt.s32 v29, $0xF4200  }
0x9c: {  	v2 =	vand.u32 $0xFFFFFF80, v32;
	v36 =	vor.u32 $0x3D080, v35;
	v41 =	vor.u32 $0x3D080, v40  }
0x9d: {  	v6 =	vand.u32 $0xFFFFFF80, v42;
	v5 =	vor.u32 $0x3D080, v46;
	v3 =	vand.u32 $0xFFFFFF80, v47  }
0x9e: {  	v9 =	vor.u32 $0x3D080, v50;
	v4 =	vand.u32 $0xFFFFFF80, v51;
	v55 =	vor.u32 $0x3D080, v54  }
0x9f: {  	v57 =	vand.u32 $0xFFFFFF80, v56;
	v8 =	vor.u32 $0x3D080, v61;
	v12 =	vor.u32 $0x3D080, v17  }
0xa0: {  	v22 =	vor.u32 $0x3D080, v21;
	v24 =	vand.u32 $0xFFFFFF80, v23;
	v15 =	vor.u32 $0x3D080, v31  }
0xa1: {  	v32 =	vshra.s32 v26, $0x2;
	v35 =	vand.u32 $0xF, v26;
	v2 =	vor.u32 v34, v2  }
0xa2: {  	v45 =	vor.u32 v43, v6;
	v7 =	vor.u32 v49, v3;
	v4 =	vor.u32 v53, v4  }
0xa3: {  	v60 =	vor.u32 v58, v57;
	v6 =	vand.u32 $0xFFFFFF80, v62;
	v10 =	vor.u32 v25, v24  }
0xa4: {  	v34 =	vand.u32 $0x7F, v26;
	v0 =	vsel vm8, v2, v36;
	v2 =	vand.u32 $0xFFFFFF80, v37  }
0xa5: {  	v33 =	vld [tilespmem:$0xC0];
	v3 =	vsel vm10, v45, v5;
	v4 =	vsel vm12, v4, v55;
	v11 =	vor.u32 v16, v6  }
0xa6: {  	v6 =	vsel vm13, v60, v8;
	v36 =	vor.u32 $0x3D080, v35;
	v37 =	vshra.s32 v29, $0x2  }
0xa7: {  	v48 =	vld [tilespmem:$0xF0];
	v2 =	vor.u32 v39, v2;
	v5 =	vsel vm14, v11, v12;
	v11 =	vor.u32 $0x3D080, v27  }
0xa8: {  	v63 =	vld [tilespmem:$0x120];
	v38 =	vand.u32 $0xFFFFFF80, v37;
	v39 =	vand.u32 $0x7F, v29;
	v1 =	vsel vm9, v2, v41  }
0xa9: {  	v2 =	vsel vm11, v7, v9;
	v7 =	vand.u32 $0xFFFFFF80, v18;
	v9 =	vand.u32 $0xFFFFFF80, v28  }
0xaa: {  	v13 =	vor.u32 v39, v38;
	v41 =	vand.u32 $0xF, v29;
	v42 =	vshra.s32 v33, $0x2  }
0xab: {  	v40 =	vld [tilespmem:$0xD0];
	v44 =	vand.u32 $0x7F, v33;
	v45 =	vand.u32 $0xF, v33;
	vm8 =	vlt.s32 v33, $0xF4200  }
0xac: {  	v57 =	vshra.s32 v48, $0x2;
	v59 =	vand.u32 $0x7F, v48;
	v60 =	vand.u32 $0xF, v48  }
0xad: {  	vm11 =	vlt.s32 v48, $0xF4200;
	v38 =	vand.u32 $0x7F, v63;
	v39 =	vand.u32 $0xF, v63  }
0xae: {  	vm14 =	vlt.s32 v63, $0xF4200;
	v7 =	vor.u32 v20, v7;
	v14 =	vor.u32 v30, v9  }
0xaf: {  	v43 =	vld [tilespmem:$0xE0];
	v9 =	vsel vm4, v10, v11;
	v10 =	vand.u32 $0xFFFFFF80, v32;
	v12 =	vand.u32 $0xFFFFFF80, v42  }
0xb0: {  	v46 =	vor.u32 $0x3D080, v45;
	v47 =	vshra.s32 v40, $0x2;
	v49 =	vand.u32 $0x7F, v40  }
0xb1: {  	v58 =	vld [tilespmem:$0x110];
	v50 =	vand.u32 $0xF, v40;
	vm9 =	vlt.s32 v40, $0xF4200;
	v61 =	vor.u32 $0x3D080, v60  }
0xb2: {  	v40 =	vor.u32 $0x3D080, v39;
	v7 =	vsel vm15, v7, v22;
	v8 =	vsel vm5, v14, v15  }
0xb3: {  	v10 =	vor.u32 v34, v10;
	v14 =	vor.u32 $0x3D080, v41;
	v12 =	vor.u32 v44, v12  }
0xb4: {  	v55 =	vld [tilespmem:$0x100];
	v51 =	vor.u32 $0x3D080, v50;
	v52 =	vshra.s32 v43, $0x2;
	v54 =	vand.u32 $0x7F, v43  }
0xb5: {  	v56 =	vand.u32 $0xF, v43;
	vm10 =	vlt.s32 v43, $0xF4200;
	v15 =	vand.u32 $0xFFFFFF80, v57  }
0xb6: {  	v21 =	vld [tilespmem:$0x190];
	v31 =	vshra.s32 v58, $0x2;
	v33 =	vand.u32 $0x7F, v58;
	v35 =	vand.u32 $0xF, v58  }
0xb7: {  	v26 =	vld [tilespmem:$0x1A0];
	vm13 =	vlt.s32 v58, $0xF4200;
	v10 =	vsel vm6, v10, v36;
	v11 =	vsel vm7, v13, v14  }
0xb8: {  	v12 =	vsel vm8, v12, v46;
	v13 =	vand.u32 $0xFFFFFF80, v47;
	v53 =	vand.u32 $0xFFFFFF80, v52  }
0xb9: {  	v37 =	vld [tilespmem:$0x140];
	v17 =	vor.u32 $0x3D080, v56;
	v15 =	vor.u32 v59, v15;
	v62 =	vshra.s32 v55, $0x2  }
0xba: {  	v28 =	vand.u32 $0x7F, v55;
	v29 =	vand.u32 $0xF, v55;
	vm12 =	vlt.s32 v55, $0xF4200  }
0xbb: {  	v32 =	vand.u32 $0xFFFFFF80, v31;
	v20 =	vor.u32 $0x3D080, v35;
	v36 =	vshra.s32 v63, $0x2  }
0xbc: {  	[tilespmem:$0x270] =	vst v7;
	v31 =	vand.u32 $0x7F, v21;
	v7 =	vand.u32 $0xF, v26;
	v13 =	vor.u32 v49, v13  }
0xbd: {  	v16 =	vor.u32 v54, v53;
	v15 =	vsel vm11, v15, v61;
	v30 =	vor.u32 $0x3D080, v29  }
0xbe: {  	v19 =	vor.u32 v33, v32;
	v18 =	vand.u32 $0xFFFFFF80, v36;
	v46 =	vshra.s32 v37, $0x2  }
0xbf: {  	v48 =	vand.u32 $0x7F, v37;
	vm4 =	vlt.s32 v37, $0xF4200;
	v54 =	vand.u32 $0xF, v37  }
0xc0: {  	v34 =	vld [tilespmem:$0x130];
	v32 =	vand.u32 $0xF, v21;
	v36 =	vand.u32 $0x7F, v26;
	v7 =	vor.u32 $0x3D080, v7  }
0xc1: {  	v13 =	vsel vm9, v13, v51;
	v14 =	vsel vm10, v16, v17;
	v16 =	vand.u32 $0xFFFFFF80, v62  }
0xc2: {  	v41 =	vld [tilespmem:$0x150];
	v18 =	vor.u32 v38, v18;
	v19 =	vsel vm13, v19, v20;
	v47 =	vand.u32 $0xFFFFFF80, v46  }
0xc3: {  	[tilespmem:$0x210] =	vst v1;
	v57 =	vld [tilespmem:$0x180];
	v1 =	vor.u32 $0x3D080, v54;
	v33 =	vor.u32 $0x3D080, v32;
	vm9 =	vlt.s32 v21, $0xF4200  }
0xc4: {  	vm10 =	vlt.s32 v26, $0xF4200;
	v16 =	vor.u32 v28, v16;
	v18 =	vsel vm14, v18, v40  }
0xc5: {  	v22 =	vor.u32 v48, v47;
	v16 =	vsel vm12, v16, v30;
	v42 =	vshra.s32 v34, $0x2  }
0xc6: {  	v43 =	vand.u32 $0x7F, v34;
	v44 =	vand.u32 $0xF, v34;
	vm15 =	vlt.s32 v34, $0xF4200  }
0xc7: {  	[tilespmem:$0x200] =	vst v0;
	v50 =	vshra.s32 v41, $0x2;
	v52 =	vand.u32 $0x7F, v41;
	v55 =	vand.u32 $0xF, v41  }
0xc8: {  	[tilespmem:$0x220] =	vst v3;
	v49 =	vld [tilespmem:$0x160];
	vm5 =	vlt.s32 v41, $0xF4200;
	v1 =	vsel vm4, v22, v1;
	v23 =	vshra.s32 v57, $0x2  }
0xc9: {  	[tilespmem:$0x240] =	vst v4;
	v53 =	vld [tilespmem:$0x170];
	v25 =	vand.u32 $0x7F, v57;
	v28 =	vand.u32 $0xF, v57;
	vm8 =	vlt.s32 v57, $0xF4200  }
0xca: {  	[tilespmem:$0x250] =	vst v6;
	v30 =	vshra.s32 v21, $0x2;
	v34 =	vshra.s32 v26, $0x2;
	v20 =	vand.u32 $0xFFFFFF80, v42  }
0xcb: {  	[tilespmem:$0x260] =	vst v5;
	v29 =	vld [tilespmem:$0x1B0];
	v45 =	vor.u32 $0x3D080, v44;
	v51 =	vand.u32 $0xFFFFFF80, v50;
	v56 =	vor.u32 $0x3D080, v55  }
0xcc: {  	[tilespmem:$0x230] =	vst v2;
	v37 =	vld [tilespmem:$0x1C0];
	v5 =	vor.u32 $0x3D080, v28;
	v35 =	vand.u32 $0xFFFFFF80, v34;
	v20 =	vor.u32 v43, v20  }
0xcd: {  	[tilespmem:$0x280] =	vst v9;
	v0 =	vor.u32 v52, v51;
	v58 =	vshra.s32 v49, $0x2;
	v59 =	vand.u32 $0x7F, v49  }
0xce: {  	[tilespmem:$0x290] =	vst v8;
	v60 =	vand.u32 $0xF, v49;
	v62 =	vshra.s32 v53, $0x2;
	vm6 =	vlt.s32 v49, $0xF4200  }
0xcf: {  	[tilespmem:$0x2A0] =	vst v10;
	v63 =	vand.u32 $0x7F, v53;
	vm7 =	vlt.s32 v53, $0xF4200;
	v27 =	vand.u32 $0xF, v53  }
0xd0: {  	[tilespmem:$0x2B0] =	vst v11;
	v6 =	vor.u32 v36, v35;
	v38 =	vshra.s32 v29, $0x2;
	v39 =	vand.u32 $0x7F, v29  }
0xd1: {  	[tilespmem:$0x2C0] =	vst v12;
	v41 =	vand.u32 $0xF, v29;
	vm11 =	vlt.s32 v29, $0xF4200;
	v44 =	vshra.s32 v37, $0x2  }
0xd2: {  	[tilespmem:$0x2F0] =	vst v15;
	v40 =	vld [tilespmem:$0x1D0];
	v46 =	vand.u32 $0x7F, v37;
	v47 =	vand.u32 $0xF, v37;
	vm12 =	vlt.s32 v37, $0xF4200  }
0xd3: {  	[tilespmem:$0x2D0] =	vst v13;
	v20 =	vsel vm15, v20, v45;
	v0 =	vsel vm5, v0, v56;
	v2 =	vand.u32 $0xFFFFFF80, v58  }
0xd4: {  	[tilespmem:$0x2E0] =	vst v14;
	v61 =	vor.u32 $0x3D080, v60;
	v4 =	vand.u32 $0xFFFFFF80, v62;
	v8 =	vor.u32 $0x3D080, v27  }
0xd5: {  	[tilespmem:$0x310] =	vst v19;
	v10 =	vor.u32 $0x3D080, v41;
	v6 =	vsel vm10, v6, v7;
	v45 =	vand.u32 $0xFFFFFF80, v44  }
0xd6: {  	[tilespmem:$0x320] =	vst v18;
	v49 =	vor.u32 $0x3D080, v47;
	v2 =	vor.u32 v59, v2;
	v22 =	vor.u32 v63, v4  }
0xd7: {  	[tilespmem:$0x300] =	vst v16;
	v42 =	vld [tilespmem:$0x1E0];
	v4 =	vand.u32 $0xFFFFFF80, v23;
	v48 =	vor.u32 v46, v45;
	v50 =	vshra.s32 v40, $0x2  }
0xd8: {  	[tilespmem:$0x340] =	vst v1;
	v52 =	vand.u32 $0x7F, v40;
	vm13 =	vlt.s32 v40, $0xF4200;
	v57 =	vand.u32 $0xF, v40  }
0xd9: {  	[tilespmem:$0x330] =	vst v20;
	v2 =	vsel vm6, v2, v61;
	v4 =	vor.u32 v25, v4;
	v3 =	vsel vm7, v22, v8  }
0xda: {  	v53 =	vld [tilespmem:$0x1F0];
	[tilespmem:$0x350] =	vst v0;
	v8 =	vand.u32 $0xFFFFFF80, v38;
	v51 =	vand.u32 $0xFFFFFF80, v50;
	v0 =	vsel vm12, v48, v49  }
0xdb: {  	[tilespmem:$0x3A0] =	vst v6;
	v4 =	vsel vm8, v4, v5;
	v5 =	vand.u32 $0xFFFFFF80, v30;
	v8 =	vor.u32 v39, v8  }
0xdc: {  	[tilespmem:$0x360] =	vst v2;
	v54 =	vor.u32 v52, v51;
	v55 =	vshra.s32 v42, $0x2;
	v56 =	vand.u32 $0x7F, v42  }
0xdd: {  	[tilespmem:$0x370] =	vst v3;
	v58 =	vand.u32 $0xF, v42;
	vm14 =	vlt.s32 v42, $0xF4200;
	v5 =	vor.u32 v31, v5  }
0xde: {  	v43 =	vsel vm11, v8, v10;
	[tilespmem:$0x380] =	vst v4;
	v2 =	vand.u32 $0xFFFFFF80, v55;
	v4 =	vor.u32 $0x3D080, v57  }
0xdf: {  	[tilespmem:$0x3C0] =	vst v0;
	v3 =	vor.u32 $0x3D080, v58;
	v59 =	vshra.s32 v53, $0x2;
	v61 =	vand.u32 $0x7F, v53  }
0xe0: {  	v62 =	vand.u32 $0xF, v53;
	vm15 =	vlt.s32 v53, $0xF4200;
	v5 =	vsel vm9, v5, v33;
	[tilespmem:$0x3B0] =	vst v43  }
0xe1: {  	v2 =	vor.u32 v56, v2;
	v1 =	vsel vm13, v54, v4;
	v60 =	vand.u32 $0xFFFFFF80, v59;
	[tilespmem:$0x390] =	vst v5  }
0xe2: {  	v63 =	vor.u32 $0x3D080, v62;
	v2 =	vsel vm14, v2, v3;
	[tilespmem:$0x3D0] =	vst v1;
	v0 =	vor.u32 v61, v60  }
0xe3: {  	[tilespmem:$0x3E0] =	vst v2;
	v0 =	vsel vm15, v0, v63  }
0xe4: {  	[tilespmem:$0x3F0] =	vst v0  }
0xe5: {  	[tilespmem:s13], [sflag:$0x1] =	stream.indirect.gather [hbm4b:s4+s11], $0x80, s12, s11, $0xb8;
	[tilespmem:$0x10400] =	vst v63  }
0xe6: {  	_ = 	snop  }
0xe7: {  	[tilespmem:s15], [sflag:$0x1] =	stream.indirect.gather [hbm4b:s4+s11], $0x80, s14, s11, $0xb8;
	[tilespmem:$0x10400] =	vst v63  }
0xe8: {  	_ = 	snop  }
0xe9: {  	[tilespmem:s17], [sflag:$0x1] =	stream.indirect.gather [hbm4b:s4+s11], $0x80, s16, s11, $0xb8;
	[tilespmem:$0x10400] =	vst v63  }
0xea: {  	_ = 	snop  }
0xeb: {  	[tilespmem:s19], [sflag:$0x1] =	stream.indirect.gather [hbm4b:s4+s11], $0x80, s18, s11, $0xb8;
	[tilespmem:$0x10400] =	vst v63  }
0xec: {  	_ =	swait.ge [sflag:s20], $0x4000  }
0xed: {  	[sflag:s20] =	ssyncset.done $0x0  }
0xee: {  	[sflag:s20] =	ssyncadd.s32 $0xFFFFC000  }
0xef: {  	_ =	swait.ge [sflag:s20], $0x4000  }
0xf0: {  	[sflag:s20] =	ssyncset.done $0x0  }
0xf1: {  	[sflag:s20] =	ssyncadd.s32 $0xFFFFC000  }
0xf2: {  	_ =	swait.ge [sflag:s20], $0x4000  }
0xf3: {  	[sflag:s20] =	ssyncset.done $0x0  }
0xf4: {  	[sflag:s20] =	ssyncadd.s32 $0xFFFFC000  }
0xf5: {  	_ =	swait.ge [sflag:s20], $0x4000  }
0xf6: {  	p0 =	sne.s32 s9, $0x1;
	[sflag:s20] =	ssyncset.done $0x0  }
.Ltmp0:
0xf7: {  	[sflag:s20] =	ssyncadd.s32 $0xFFFFC000;
	(pc) =	sbr.rel @p0 .LBB2_1-.Ltmp0, $4  }
0xf8: {  	[hbm4b:s8+s2] =	stream.linear.scatter [tilespmem:s13], [sflag:$0x2], $0x10000, $0x38;
	[tilespmem:$0x10400] =	vst v63  }
0xf9: {  	_ =	swait.ge [sflag:s10], $0x10000  }
0xfa: {  	[sflag:s10] =	ssyncset.done $0x0  }
0xfb: {  	s9 =	sadd.s32 $0xFFFFFFFF, s9;
	[sflag:s10] =	ssyncadd.s32 $0xFFFF0000  }
0xfc: {  	_ =	sfence.sel $0x180000  }
0xfd: {  	[bflag:$0x0] =	sbarrier.arrive $0xFFFF  }
0xfe: {  	p0 =	sne.s32 s1, $0x0;
	_ =	strace $0x90000047  }
0xff: {  	s0 =	sadd.s32 @!p0 $0x100000, s0;
	[bflag:$0x2] =	sbarrier.arrive $0xFFFF  }
0x100: {  	[sflag:s0] =	ssyncadd.tile.s32 @!p0 $0x1;
	_ =	shalt  }
.Lfunc_end2:
_tile_overlayer_lowered:
.L_overlay_start_2:
0x101: {  	(tag) =	ssettag $0x2  }
0x102: {  	s0 =	rddreg [dreg:$0x0];
	s2 =	stileid.u32  }
0x103: {  	s1 =	rddreg [dreg:$0x1];
	p0 =	sne.s32 s2, $0x0  }
0x104: {  	s3 =	rddreg [dreg:$0x2];
	[bflag:$0x3] =	sbarrier.arrive $0xFFFF;
	s2 =	simm.s32 @!p0 $0x1C02  }
0x105: {  	[timem:s3], [sflag:s2] =	dma.local @!p0 [hbm:s0], s1  }
0x106: {  	s0 =	simm.s32 @!p0 $0x2  }
0x107: {  	_ =	swait.ge @!p0 [sflag:s0], s1  }
0x108: {  	s1 =	ssub.s32 @!p0 $0x0, s1;
	[sflag:s0] =	ssyncset.done @!p0 $0x0  }
0x109: {  	[sflag:s0] =	ssyncadd.s32 @!p0 s1  }
0x10a: {  	[bflag:$0x3] =	sbarrier.arrive $0xFFFF  }
0x10b: {  	_ =	shalt  }

</sc_bundles>
